<compile_context>
chip_gen: v7x
topology: tpu7x:2x2x1
jax: 0.10.2.dev20260603
libtpu: 0.0.44.dev20260713+nightly
codegen_flags: <defaults>
</compile_context>

<pallas_src>
import functools

import jax
import jax.numpy as jnp
from jax import lax
from jax.experimental import pallas as pl
from jax.experimental.pallas import tpu as pltpu
from jax.experimental.pallas import tpu_sc as plsc

N = 10000
D = 128
NP = 10240
BN = 2048
NW = 32
C = 128
CH0_FRAC_NUM = 13
CH0_FRAC_DEN = 16
ROWS = NP // 16

def _sc_mesh():
    return plsc.VectorSubcoreMesh(core_axis_name="c", subcore_axis_name="s")


def _sc_degree(dst_p, ones_mat, zeros_mat, ch):

    @functools.partial(
        pl.kernel,
        out_type=jax.ShapeDtypeStruct((2, NP, D), jnp.float32),
        mesh=_sc_mesh(),
        scratch_types=[
            pltpu.VMEM((1, C), jnp.int32),
            pltpu.VMEM((1, C), jnp.int32),
            pltpu.VMEM((C, D), jnp.float32),
            pltpu.VMEM_SHARED((NP, D), jnp.float32),
            pltpu.SemaphoreType.DMA,
            pltpu.SemaphoreType.DMA,
        ],
    )
    def k(dst_hbm, ones_hbm, zeros_hbm, out_hbm,
          idx_a, idx_b, ones_v, acc, sem_a, sem_b):
        c = lax.axis_index("c")
        s = lax.axis_index("s")
        wid = s * 2 + c
        pltpu.sync_copy(ones_hbm, ones_v)
        pltpu.sync_copy(zeros_hbm.at[pl.ds(s * ROWS, ROWS)],
                        acc.at[pl.ds(s * ROWS, ROWS)])
        plsc.subcore_barrier()

        pltpu.sync_copy(dst_hbm.at[wid, 0], idx_a)
        pltpu.async_copy(ones_v, acc.at[idx_a.at[0]], sem_a, add=True)
        pltpu.sync_copy(dst_hbm.at[wid, 1], idx_b)
        pltpu.async_copy(ones_v, acc.at[idx_b.at[0]], sem_b, add=True)

        @pl.loop(0, ch - 2, step=2)
        def _(j):
            pltpu.make_async_copy(ones_v, acc.at[idx_a.at[0]], sem_a).wait()
            pltpu.sync_copy(dst_hbm.at[wid, j + 2], idx_a)
            pltpu.async_copy(ones_v, acc.at[idx_a.at[0]], sem_a, add=True)
            pltpu.make_async_copy(ones_v, acc.at[idx_b.at[0]], sem_b).wait()
            pltpu.sync_copy(dst_hbm.at[wid, j + 3], idx_b)
            pltpu.async_copy(ones_v, acc.at[idx_b.at[0]], sem_b, add=True)

        pltpu.make_async_copy(ones_v, acc.at[idx_a.at[0]], sem_a).wait()
        pltpu.make_async_copy(ones_v, acc.at[idx_b.at[0]], sem_b).wait()
        plsc.subcore_barrier()
        pltpu.sync_copy(acc.at[pl.ds(s * ROWS, ROWS)],
                        out_hbm.at[c, pl.ds(s * ROWS, ROWS)])

    return k(dst_p, ones_mat, zeros_mat)


def _sc_aggregate(h, e0_p, e1_p, zeros_mat, ch0, ch1):

    @functools.partial(
        pl.kernel,
        out_type=jax.ShapeDtypeStruct((2, NP, D), jnp.float32),
        mesh=_sc_mesh(),
        scratch_types=[
            pltpu.VMEM((2, C), jnp.int32),
            pltpu.VMEM((2, C), jnp.int32),
            pltpu.VMEM((C, D), jnp.float32),
            pltpu.VMEM((C, D), jnp.float32),
            pltpu.VMEM_SHARED((NP, D), jnp.float32),
            pltpu.SemaphoreType.DMA,
            pltpu.SemaphoreType.DMA,
        ],
    )
    def k(h_hbm, e0_hbm, e1_hbm, zeros_hbm, out_hbm,
          idx_a, idx_b, buf_a, buf_b, acc, sem_a, sem_b):
        c = lax.axis_index("c")
        s = lax.axis_index("s")
        pltpu.sync_copy(zeros_hbm.at[pl.ds(s * ROWS, ROWS)],
                        acc.at[pl.ds(s * ROWS, ROWS)])
        plsc.subcore_barrier()

        def pipeline(ei_hbm, ch):
            pltpu.sync_copy(ei_hbm.at[s, 0], idx_a)
            pltpu.async_copy(h_hbm.at[idx_a.at[0]], buf_a, sem_a)
            pltpu.sync_copy(ei_hbm.at[s, 1], idx_b)
            pltpu.async_copy(h_hbm.at[idx_b.at[0]], buf_b, sem_b)

            @pl.loop(0, ch - 2, step=2)
            def _(j):
                pltpu.make_async_copy(
                    h_hbm.at[idx_a.at[0]], buf_a, sem_a).wait()
                pltpu.sync_copy(buf_a, acc.at[idx_a.at[1]], add=True)
                pltpu.sync_copy(ei_hbm.at[s, j + 2], idx_a)
                pltpu.async_copy(h_hbm.at[idx_a.at[0]], buf_a, sem_a)
                pltpu.make_async_copy(
                    h_hbm.at[idx_b.at[0]], buf_b, sem_b).wait()
                pltpu.sync_copy(buf_b, acc.at[idx_b.at[1]], add=True)
                pltpu.sync_copy(ei_hbm.at[s, j + 3], idx_b)
                pltpu.async_copy(h_hbm.at[idx_b.at[0]], buf_b, sem_b)

            pltpu.make_async_copy(h_hbm.at[idx_a.at[0]], buf_a, sem_a).wait()
            pltpu.sync_copy(buf_a, acc.at[idx_a.at[1]], add=True)
            pltpu.make_async_copy(h_hbm.at[idx_b.at[0]], buf_b, sem_b).wait()
            pltpu.sync_copy(buf_b, acc.at[idx_b.at[1]], add=True)

        @pl.when(c == 0)
        def _():
            pipeline(e0_hbm, ch0)

        if ch1 > 0:
            @pl.when(c == 1)
            def _():
                pipeline(e1_hbm, ch1)

        plsc.subcore_barrier()
        pltpu.sync_copy(acc.at[pl.ds(s * ROWS, ROWS)],
                        out_hbm.at[c, pl.ds(s * ROWS, ROWS)])

    return k(h, e0_p, e1_p, zeros_mat)


def _tc_matmul(xp, w):
    def body(x_ref, w_ref, o_ref):
        o_ref[...] = jnp.dot(x_ref[...].astype(jnp.bfloat16),
                             w_ref[...].astype(jnp.bfloat16),
                             preferred_element_type=jnp.float32)

    return pl.pallas_call(
        body,
        grid=(NP // BN,),
        in_specs=[pl.BlockSpec((BN, D), lambda i: (i, 0)),
                  pl.BlockSpec((D, D), lambda i: (0, 0))],
        out_specs=pl.BlockSpec((BN, D), lambda i: (i, 0)),
        out_shape=jax.ShapeDtypeStruct((NP, D), jnp.float32),
    )(xp, w)


def _tc_scale(deg_a, deg_b, h1):
    def body(da_ref, db_ref, h_ref, dis_ref, hp_ref):
        dis = lax.rsqrt(1.0 + da_ref[:, 0:1] + db_ref[:, 0:1])
        dis_ref[...] = dis
        hp_ref[...] = h_ref[...] * dis

    return pl.pallas_call(
        body,
        grid=(NP // BN,),
        in_specs=[pl.BlockSpec((BN, D), lambda i: (i, 0)),
                  pl.BlockSpec((BN, D), lambda i: (i, 0)),
                  pl.BlockSpec((BN, D), lambda i: (i, 0))],
        out_specs=[pl.BlockSpec((BN, 1), lambda i: (i, 0)),
                   pl.BlockSpec((BN, D), lambda i: (i, 0))],
        out_shape=[jax.ShapeDtypeStruct((NP, 1), jnp.float32),
                   jax.ShapeDtypeStruct((NP, D), jnp.float32)],
    )(deg_a, deg_b, h1)


def _tc_layer(agg_a, agg_b, hp, dis, b, w):
    def body(aa_ref, ab_ref, hp_ref, dis_ref, b_ref, w_ref, o_ref):
        z = jnp.maximum(
            dis_ref[...] * (aa_ref[...] + ab_ref[...] + hp_ref[...])
            + b_ref[...], 0.0)
        o_ref[...] = jnp.dot(z.astype(jnp.bfloat16),
                             w_ref[...].astype(jnp.bfloat16),
                             preferred_element_type=jnp.float32) * dis_ref[...]

    return pl.pallas_call(
        body,
        grid=(NP // BN,),
        in_specs=[pl.BlockSpec((BN, D), lambda i: (i, 0)),
                  pl.BlockSpec((BN, D), lambda i: (i, 0)),
                  pl.BlockSpec((BN, D), lambda i: (i, 0)),
                  pl.BlockSpec((BN, 1), lambda i: (i, 0)),
                  pl.BlockSpec((1, D), lambda i: (0, 0)),
                  pl.BlockSpec((D, D), lambda i: (0, 0))],
        out_specs=pl.BlockSpec((BN, D), lambda i: (i, 0)),
        out_shape=jax.ShapeDtypeStruct((NP, D), jnp.float32),
    )(agg_a, agg_b, hp, dis, b, w)


def _tc_final(agg_a, agg_b, hp, dis, b):
    def body(aa_ref, ab_ref, hp_ref, dis_ref, b_ref, o_ref):
        o_ref[...] = jnp.maximum(
            dis_ref[...] * (aa_ref[...] + ab_ref[...] + hp_ref[...])
            + b_ref[...], 0.0)

    return pl.pallas_call(
        body,
        grid=(NP // BN,),
        in_specs=[pl.BlockSpec((BN, D), lambda i: (i, 0)),
                  pl.BlockSpec((BN, D), lambda i: (i, 0)),
                  pl.BlockSpec((BN, D), lambda i: (i, 0)),
                  pl.BlockSpec((BN, 1), lambda i: (i, 0)),
                  pl.BlockSpec((1, D), lambda i: (0, 0))],
        out_specs=pl.BlockSpec((BN, D), lambda i: (i, 0)),
        out_shape=jax.ShapeDtypeStruct((NP, D), jnp.float32),
    )(agg_a, agg_b, hp, dis, b)


def kernel(x, edge_index, W1, b1, W2, b2):
    n, _ = x.shape
    e = edge_index.shape[1]
    ch = -(-e // (NW * C))
    ch += ch % 2
    e_pad = NW * ch * C
    ch0 = CH0_FRAC_NUM * 2 * ch // CH0_FRAC_DEN
    ch0 += ch0 % 2
    ch1 = 2 * ch - ch0

    src = edge_index[0]
    dst = edge_index[1]
    pad = e_pad - e
    src_all = jnp.concatenate([src, jnp.zeros((pad,), jnp.int32)])
    dst_all = jnp.concatenate([dst, jnp.full((pad,), n, jnp.int32)])
    dst_p = dst_all.reshape(NW, ch, 1, C)

    t0 = 16 * ch0 * C
    e0_p = jnp.stack([src_all[:t0].reshape(16, ch0, C),
                      dst_all[:t0].reshape(16, ch0, C)], axis=2)
    if ch1 > 0:
        e1_p = jnp.stack([src_all[t0:].reshape(16, ch1, C),
                          dst_all[t0:].reshape(16, ch1, C)], axis=2)
    else:
        e1_p = e0_p[:, :2]

    xp = jnp.pad(x, ((0, NP - n), (0, 0)))
    zeros_mat = jnp.zeros((NP, D), jnp.float32)
    ones_mat = jnp.ones((C, D), jnp.float32)
    b1r = b1.reshape(1, D)
    b2r = b2.reshape(1, D)

    degp = _sc_degree(dst_p, ones_mat, zeros_mat, ch)
    h1 = _tc_matmul(xp, W1)
    dis, h1p = _tc_scale(degp[0], degp[1], h1)
    agg1 = _sc_aggregate(h1p, e0_p, e1_p, zeros_mat, ch0, ch1)
    h2p = _tc_layer(agg1[0], agg1[1], h1p, dis, b1r, W2)
    agg2 = _sc_aggregate(h2p, e0_p, e1_p, zeros_mat, ch0, ch1)
    out = _tc_final(agg2[0], agg2[1], h2p, dis, b2r)
    return out[:n]

# --- scband reference (transcript-rebuilt; emitter-appended) ---
"""Pipeline reference for scband-gconv-755914244835 (READ-ONLY COPY).

The authoritative reference and input builder live on the scoring server;
editing this copy changes nothing except your own understanding.
"""

import jax, jax.numpy as jnp
import numpy as np

N = 10000
E = 320000
D = 128
H = 128


def _gcn_norm(edge_index, num_nodes):
    # PyG GCNConv default: add self loops, symmetric normalization D^-1/2 (A+I) D^-1/2
    src = edge_index[0]
    dst = edge_index[1]
    loop = jnp.arange(num_nodes, dtype=src.dtype)
    src = jnp.concatenate([src, loop])
    dst = jnp.concatenate([dst, loop])
    w = jnp.ones(src.shape[0], dtype=jnp.float32)
    deg = jax.ops.segment_sum(w, dst, num_segments=num_nodes)
    deg_inv_sqrt = jnp.where(deg > 0, 1.0 / jnp.sqrt(deg), 0.0)
    norm = deg_inv_sqrt[src] * deg_inv_sqrt[dst]
    return src, dst, norm


def _gcn_layer(x, src, dst, norm, W, b, num_nodes):
    h = x @ W
    m = h[src] * norm[:, None]
    out = jax.ops.segment_sum(m, dst, num_segments=num_nodes)
    return out + b


def setup_inputs(seed: int = 0):
    key = jax.random.key(seed)
    kx, ke, k1, k2 = jax.random.split(key, 4)
    x = jax.random.normal(kx, (N, D), dtype=jnp.float32)
    edge_index = jax.random.randint(ke, (2, E), 0, N, dtype=jnp.int32)
    s1 = float(np.sqrt(2.0 / (D + H)))
    s2 = float(np.sqrt(2.0 / (H + H)))
    W1 = jax.random.normal(k1, (D, H), dtype=jnp.float32) * s1
    b1 = jnp.zeros((H,), dtype=jnp.float32)
    W2 = jax.random.normal(k2, (H, H), dtype=jnp.float32) * s2
    b2 = jnp.zeros((H,), dtype=jnp.float32)
    return {"x": x, "edge_index": edge_index, "W1": W1, "b1": b1, "W2": W2, "b2": b2}


def reference(x, edge_index, W1, b1, W2, b2):
    src, dst, norm = _gcn_norm(edge_index, N)
    z = _gcn_layer(x, src, dst, norm, W1, b1, N)
    z = jax.nn.relu(z)
    z = _gcn_layer(z, src, dst, norm, W2, b2, N)
    z = jax.nn.relu(z)
    return z

if __name__ == "__main__":
    import jax
    _d = setup_inputs()
    print(jax.jit(kernel)(*tuple(_d.values())))

</pallas_src>

<mosaic_0001>
#map = affine_map<(d0, d1) -> (0, 0, 0, 0)>
#map1 = affine_map<(d0, d1) -> (0, 0)>
#map2 = affine_map<(d0, d1) -> (0, 0, 0)>
module attributes {stable_mosaic.version = 14 : i64} {
  func.func @k(%arg0: i32, %arg1: i32, %arg2: memref<32x80x1x128xi32, #tpu.memory_space<hbm>>, %arg3: memref<128x128xf32, #tpu.memory_space<hbm>>, %arg4: memref<10240x128xf32, #tpu.memory_space<hbm>>, %arg5: memref<2x10240x128xf32, #tpu.memory_space<hbm>>, %arg6: memref<1x128xi32, #tpu.memory_space<vmem>>, %arg7: memref<1x128xi32, #tpu.memory_space<vmem>>, %arg8: memref<128x128xf32, #tpu.memory_space<vmem>>, %arg9: memref<10240x128xf32, #tpu.memory_space<vmem_shared>>, %arg10: memref<!tpu.dma_semaphore, #tpu.memory_space<semaphore_mem>>, %arg11: memref<!tpu.dma_semaphore, #tpu.memory_space<semaphore_mem>>) attributes {dimension_semantics = [#tpu.dimension_semantics<core_parallel>, #tpu.dimension_semantics<subcore_parallel>], iteration_bounds = array<i64: 2, 16>, scalar_prefetch = 0 : i64, scratch_operands = 6 : i64, tpu.core_type = #tpu.core_type<sc_vector_subcore>, window_params = [{transform_indices = #map}, {transform_indices = #map1}, {transform_indices = #map1}, {transform_indices = #map2}]} {
    %mul3A = arith.constant 2 : i32
    %mul3A_0 = arith.muli %arg1, %mul3A : i32
    %add3A = arith.addi %mul3A_0, %arg0 : i32
    "tpu.region"() ({
      %run_scoped3A_41 = tpu.sem_alloc : memref<!tpu.dma_semaphore, #tpu.memory_space<semaphore_mem>>
      tpu.enqueue_dma source(%arg3 : memref<128x128xf32, #tpu.memory_space<hbm>>) target(%arg8 : memref<128x128xf32, #tpu.memory_space<vmem>>) target_semaphore(%run_scoped3A_41 : memref<!tpu.dma_semaphore, #tpu.memory_space<semaphore_mem>>)
      tpu.wait_dma2 semaphore(%run_scoped3A_41 : memref<!tpu.dma_semaphore, #tpu.memory_space<semaphore_mem>>) src(%arg3 : memref<128x128xf32, #tpu.memory_space<hbm>>) dst(%arg8 : memref<128x128xf32, #tpu.memory_space<vmem>>)
      tpu.yield
    }) : () -> ()
    %mul3A_1 = arith.constant 640 : i32
    %mul3A_2 = arith.muli %arg1, %mul3A_1 : i32
    %mul3A_3 = arith.constant 640 : i32
    %mul3A_4 = arith.muli %arg1, %mul3A_3 : i32
    "tpu.region"() ({
      %run_scoped3A_41 = tpu.sem_alloc : memref<!tpu.dma_semaphore, #tpu.memory_space<semaphore_mem>>
      %dma_start3A_42 = arith.constant 0 : i32
      %dma_start3A_43 = tpu.memref_slice %arg9[%mul3A_4, %dma_start3A_42] : memref<10240x128xf32, #tpu.memory_space<vmem_shared>> -> memref<640x128xf32, #tpu.memory_space<vmem_shared>>
      %dma_start3A_44 = arith.constant 0 : i32
      %dma_start3A_45 = tpu.memref_slice %arg4[%mul3A_2, %dma_start3A_44] : memref<10240x128xf32, #tpu.memory_space<hbm>> -> memref<640x128xf32, #tpu.memory_space<hbm>>
      tpu.enqueue_dma source(%dma_start3A_45 : memref<640x128xf32, #tpu.memory_space<hbm>>) target(%dma_start3A_43 : memref<640x128xf32, #tpu.memory_space<vmem_shared>>) target_semaphore(%run_scoped3A_41 : memref<!tpu.dma_semaphore, #tpu.memory_space<semaphore_mem>>)
      %dma_wait3A_46 = arith.constant 0 : i32
      %dma_wait3A_47 = tpu.memref_slice %arg9[%mul3A_4, %dma_wait3A_46] : memref<10240x128xf32, #tpu.memory_space<vmem_shared>> -> memref<640x128xf32, #tpu.memory_space<vmem_shared>>
      %dma_wait3A_48 = arith.constant 0 : i32
      %dma_wait3A_49 = tpu.memref_slice %arg4[%mul3A_2, %dma_wait3A_48] : memref<10240x128xf32, #tpu.memory_space<hbm>> -> memref<640x128xf32, #tpu.memory_space<hbm>>
      tpu.wait_dma2 semaphore(%run_scoped3A_41 : memref<!tpu.dma_semaphore, #tpu.memory_space<semaphore_mem>>) src(%dma_wait3A_49 : memref<640x128xf32, #tpu.memory_space<hbm>>) dst(%dma_wait3A_47 : memref<640x128xf32, #tpu.memory_space<vmem_shared>>)
      tpu.yield
    }) : () -> ()
    %barrier3A = arith.constant 0 : index
    tpu.barrier barrier_id(%barrier3A)
    %run_scoped3A = arith.constant 0 : i32
    "tpu.region"() ({
      %run_scoped3A_41 = tpu.sem_alloc : memref<!tpu.dma_semaphore, #tpu.memory_space<semaphore_mem>>
      %dma_start3A_42 = arith.constant 0 : i32
      %dma_start3A_43 = arith.constant 0 : i32
      %dma_start3A_44 = tpu.memref_slice %arg2[%add3A, %run_scoped3A, %dma_start3A_42, %dma_start3A_43] : memref<32x80x1x128xi32, #tpu.memory_space<hbm>> -> memref<1x1x1x128xi32, #tpu.memory_space<hbm>>
      %dma_start3A_45 = tpu.memref_squeeze %dma_start3A_44 : memref<1x1x1x128xi32, #tpu.memory_space<hbm>> -> memref<1x128xi32, #tpu.memory_space<hbm>>
      %dma_start3A_46 = arith.constant 0 : i32
      %dma_start3A_47 = arith.constant 0 : i32
      %dma_start3A_48 = tpu.memref_slice %arg2[%add3A, %run_scoped3A, %dma_start3A_46, %dma_start3A_47] : memref<32x80x1x128xi32, #tpu.memory_space<hbm>> -> memref<1x1x1x128xi32, #tpu.memory_space<hbm>>
      %dma_start3A_49 = tpu.memref_squeeze %dma_start3A_48 : memref<1x1x1x128xi32, #tpu.memory_space<hbm>> -> memref<1x128xi32, #tpu.memory_space<hbm>>
      tpu.enqueue_dma source(%dma_start3A_49 : memref<1x128xi32, #tpu.memory_space<hbm>>) target(%arg6 : memref<1x128xi32, #tpu.memory_space<vmem>>) target_semaphore(%run_scoped3A_41 : memref<!tpu.dma_semaphore, #tpu.memory_space<semaphore_mem>>)
      %dma_wait3A_50 = arith.constant 0 : i32
      %dma_wait3A_51 = arith.constant 0 : i32
      %dma_wait3A_52 = tpu.memref_slice %arg2[%add3A, %run_scoped3A, %dma_wait3A_50, %dma_wait3A_51] : memref<32x80x1x128xi32, #tpu.memory_space<hbm>> -> memref<1x1x1x128xi32, #tpu.memory_space<hbm>>
      %dma_wait3A_53 = tpu.memref_squeeze %dma_wait3A_52 : memref<1x1x1x128xi32, #tpu.memory_space<hbm>> -> memref<1x128xi32, #tpu.memory_space<hbm>>
      %dma_wait3A_54 = arith.constant 0 : i32
      %dma_wait3A_55 = arith.constant 0 : i32
      %dma_wait3A_56 = tpu.memref_slice %arg2[%add3A, %run_scoped3A, %dma_wait3A_54, %dma_wait3A_55] : memref<32x80x1x128xi32, #tpu.memory_space<hbm>> -> memref<1x1x1x128xi32, #tpu.memory_space<hbm>>
      %dma_wait3A_57 = tpu.memref_squeeze %dma_wait3A_56 : memref<1x1x1x128xi32, #tpu.memory_space<hbm>> -> memref<1x128xi32, #tpu.memory_space<hbm>>
      tpu.wait_dma2 semaphore(%run_scoped3A_41 : memref<!tpu.dma_semaphore, #tpu.memory_space<semaphore_mem>>) src(%dma_wait3A_57 : memref<1x128xi32, #tpu.memory_space<hbm>>) dst(%arg6 : memref<1x128xi32, #tpu.memory_space<vmem>>)
      tpu.yield
    }) : () -> ()
    %dma_start3A = arith.constant 0 : i32
    %dma_start3A_5 = arith.constant 0 : i32
    %dma_start3A_6 = tpu.memref_slice %arg6[%dma_start3A, %dma_start3A_5] : memref<1x128xi32, #tpu.memory_space<vmem>> -> memref<1x128xi32, #tpu.memory_space<vmem>>
    %dma_start3A_7 = tpu.memref_squeeze %dma_start3A_6 : memref<1x128xi32, #tpu.memory_space<vmem>> -> memref<128xi32, #tpu.memory_space<vmem>>
    %dma_start3A_8 = arith.constant 0 : i32
    %dma_start3A_9 = arith.constant 0 : i32
    %dma_start3A_10 = tpu.memref_slice %arg9[%dma_start3A_8, %dma_start3A_9] : memref<10240x128xf32, #tpu.memory_space<vmem_shared>> -> memref<10240x128xf32, #tpu.memory_space<vmem_shared>>
    tpu.enqueue_indirect_dma source(%arg8 : memref<128x128xf32, #tpu.memory_space<vmem>>) target(%dma_start3A_10 : memref<10240x128xf32, #tpu.memory_space<vmem_shared>>) offsets(%dma_start3A_7 : memref<128xi32, #tpu.memory_space<vmem>>) semaphore(%arg10 : memref<!tpu.dma_semaphore, #tpu.memory_space<semaphore_mem>>) {add = true}
    %run_scoped3A_11 = arith.constant 1 : i32
    "tpu.region"() ({
      %run_scoped3A_41 = tpu.sem_alloc : memref<!tpu.dma_semaphore, #tpu.memory_space<semaphore_mem>>
      %dma_start3A_42 = arith.constant 0 : i32
      %dma_start3A_43 = arith.constant 0 : i32
      %dma_start3A_44 = tpu.memref_slice %arg2[%add3A, %run_scoped3A_11, %dma_start3A_42, %dma_start3A_43] : memref<32x80x1x128xi32, #tpu.memory_space<hbm>> -> memref<1x1x1x128xi32, #tpu.memory_space<hbm>>
      %dma_start3A_45 = tpu.memref_squeeze %dma_start3A_44 : memref<1x1x1x128xi32, #tpu.memory_space<hbm>> -> memref<1x128xi32, #tpu.memory_space<hbm>>
      %dma_start3A_46 = arith.constant 0 : i32
      %dma_start3A_47 = arith.constant 0 : i32
      %dma_start3A_48 = tpu.memref_slice %arg2[%add3A, %run_scoped3A_11, %dma_start3A_46, %dma_start3A_47] : memref<32x80x1x128xi32, #tpu.memory_space<hbm>> -> memref<1x1x1x128xi32, #tpu.memory_space<hbm>>
      %dma_start3A_49 = tpu.memref_squeeze %dma_start3A_48 : memref<1x1x1x128xi32, #tpu.memory_space<hbm>> -> memref<1x128xi32, #tpu.memory_space<hbm>>
      tpu.enqueue_dma source(%dma_start3A_49 : memref<1x128xi32, #tpu.memory_space<hbm>>) target(%arg7 : memref<1x128xi32, #tpu.memory_space<vmem>>) target_semaphore(%run_scoped3A_41 : memref<!tpu.dma_semaphore, #tpu.memory_space<semaphore_mem>>)
      %dma_wait3A_50 = arith.constant 0 : i32
      %dma_wait3A_51 = arith.constant 0 : i32
      %dma_wait3A_52 = tpu.memref_slice %arg2[%add3A, %run_scoped3A_11, %dma_wait3A_50, %dma_wait3A_51] : memref<32x80x1x128xi32, #tpu.memory_space<hbm>> -> memref<1x1x1x128xi32, #tpu.memory_space<hbm>>
      %dma_wait3A_53 = tpu.memref_squeeze %dma_wait3A_52 : memref<1x1x1x128xi32, #tpu.memory_space<hbm>> -> memref<1x128xi32, #tpu.memory_space<hbm>>
      %dma_wait3A_54 = arith.constant 0 : i32
      %dma_wait3A_55 = arith.constant 0 : i32
      %dma_wait3A_56 = tpu.memref_slice %arg2[%add3A, %run_scoped3A_11, %dma_wait3A_54, %dma_wait3A_55] : memref<32x80x1x128xi32, #tpu.memory_space<hbm>> -> memref<1x1x1x128xi32, #tpu.memory_space<hbm>>
      %dma_wait3A_57 = tpu.memref_squeeze %dma_wait3A_56 : memref<1x1x1x128xi32, #tpu.memory_space<hbm>> -> memref<1x128xi32, #tpu.memory_space<hbm>>
      tpu.wait_dma2 semaphore(%run_scoped3A_41 : memref<!tpu.dma_semaphore, #tpu.memory_space<semaphore_mem>>) src(%dma_wait3A_57 : memref<1x128xi32, #tpu.memory_space<hbm>>) dst(%arg7 : memref<1x128xi32, #tpu.memory_space<vmem>>)
      tpu.yield
    }) : () -> ()
    %dma_start3A_12 = arith.constant 0 : i32
    %dma_start3A_13 = arith.constant 0 : i32
    %dma_start3A_14 = tpu.memref_slice %arg7[%dma_start3A_12, %dma_start3A_13] : memref<1x128xi32, #tpu.memory_space<vmem>> -> memref<1x128xi32, #tpu.memory_space<vmem>>
    %dma_start3A_15 = tpu.memref_squeeze %dma_start3A_14 : memref<1x128xi32, #tpu.memory_space<vmem>> -> memref<128xi32, #tpu.memory_space<vmem>>
    %dma_start3A_16 = arith.constant 0 : i32
    %dma_start3A_17 = arith.constant 0 : i32
    %dma_start3A_18 = tpu.memref_slice %arg9[%dma_start3A_16, %dma_start3A_17] : memref<10240x128xf32, #tpu.memory_space<vmem_shared>> -> memref<10240x128xf32, #tpu.memory_space<vmem_shared>>
    tpu.enqueue_indirect_dma source(%arg8 : memref<128x128xf32, #tpu.memory_space<vmem>>) target(%dma_start3A_18 : memref<10240x128xf32, #tpu.memory_space<vmem_shared>>) offsets(%dma_start3A_15 : memref<128xi32, #tpu.memory_space<vmem>>) semaphore(%arg11 : memref<!tpu.dma_semaphore, #tpu.memory_space<semaphore_mem>>) {add = true}
    %scan3A = arith.constant 0 : i32
    %scan3A_19 = arith.constant 39 : i32
    %scan3A_20 = arith.addi %scan3A, %scan3A_19 : i32
    %scan3A_21 = arith.constant 1 : i32
    scf.for %scan3A_41 = %scan3A to %scan3A_20 step %scan3A_21  : i32 {
      %mul3A_42 = arith.constant 2 : i32
      %mul3A_43 = arith.muli %scan3A_41, %mul3A_42 : i32
      %add3A_44 = arith.constant 0 : i32
      %add3A_45 = arith.addi %add3A_44, %mul3A_43 : i32
      %dma_wait3A_46 = arith.constant 0 : i32
      %dma_wait3A_47 = arith.constant 0 : i32
      %dma_wait3A_48 = tpu.memref_slice %arg6[%dma_wait3A_46, %dma_wait3A_47] : memref<1x128xi32, #tpu.memory_space<vmem>> -> memref<1x128xi32, #tpu.memory_space<vmem>>
      %dma_wait3A_49 = tpu.memref_squeeze %dma_wait3A_48 : memref<1x128xi32, #tpu.memory_space<vmem>> -> memref<128xi32, #tpu.memory_space<vmem>>
      %dma_wait3A_50 = arith.constant 0 : i32
      %dma_wait3A_51 = arith.constant 0 : i32
      %dma_wait3A_52 = tpu.memref_slice %arg9[%dma_wait3A_50, %dma_wait3A_51] : memref<10240x128xf32, #tpu.memory_space<vmem_shared>> -> memref<10240x128xf32, #tpu.memory_space<vmem_shared>>
      tpu.wait_indirect_dma semaphore(%arg10 : memref<!tpu.dma_semaphore, #tpu.memory_space<semaphore_mem>>) src(%arg8 : memref<128x128xf32, #tpu.memory_space<vmem>>) dst(%dma_wait3A_52 : memref<10240x128xf32, #tpu.memory_space<vmem_shared>>)
      %add3A_53 = arith.constant 2 : i32
      %add3A_54 = arith.addi %add3A_45, %add3A_53 : i32
      "tpu.region"() ({
        %run_scoped3A_78 = tpu.sem_alloc : memref<!tpu.dma_semaphore, #tpu.memory_space<semaphore_mem>>
        %dma_start3A_79 = arith.constant 0 : i32
        %dma_start3A_80 = arith.constant 0 : i32
        %dma_start3A_81 = tpu.memref_slice %arg2[%add3A, %add3A_54, %dma_start3A_79, %dma_start3A_80] : memref<32x80x1x128xi32, #tpu.memory_space<hbm>> -> memref<1x1x1x128xi32, #tpu.memory_space<hbm>>
        %dma_start3A_82 = tpu.memref_squeeze %dma_start3A_81 : memref<1x1x1x128xi32, #tpu.memory_space<hbm>> -> memref<1x128xi32, #tpu.memory_space<hbm>>
        %dma_start3A_83 = arith.constant 0 : i32
        %dma_start3A_84 = arith.constant 0 : i32
        %dma_start3A_85 = tpu.memref_slice %arg2[%add3A, %add3A_54, %dma_start3A_83, %dma_start3A_84] : memref<32x80x1x128xi32, #tpu.memory_space<hbm>> -> memref<1x1x1x128xi32, #tpu.memory_space<hbm>>
        %dma_start3A_86 = tpu.memref_squeeze %dma_start3A_85 : memref<1x1x1x128xi32, #tpu.memory_space<hbm>> -> memref<1x128xi32, #tpu.memory_space<hbm>>
        tpu.enqueue_dma source(%dma_start3A_86 : memref<1x128xi32, #tpu.memory_space<hbm>>) target(%arg6 : memref<1x128xi32, #tpu.memory_space<vmem>>) target_semaphore(%run_scoped3A_78 : memref<!tpu.dma_semaphore, #tpu.memory_space<semaphore_mem>>)
        %dma_wait3A_87 = arith.constant 0 : i32
        %dma_wait3A_88 = arith.constant 0 : i32
        %dma_wait3A_89 = tpu.memref_slice %arg2[%add3A, %add3A_54, %dma_wait3A_87, %dma_wait3A_88] : memref<32x80x1x128xi32, #tpu.memory_space<hbm>> -> memref<1x1x1x128xi32, #tpu.memory_space<hbm>>
        %dma_wait3A_90 = tpu.memref_squeeze %dma_wait3A_89 : memref<1x1x1x128xi32, #tpu.memory_space<hbm>> -> memref<1x128xi32, #tpu.memory_space<hbm>>
        %dma_wait3A_91 = arith.constant 0 : i32
        %dma_wait3A_92 = arith.constant 0 : i32
        %dma_wait3A_93 = tpu.memref_slice %arg2[%add3A, %add3A_54, %dma_wait3A_91, %dma_wait3A_92] : memref<32x80x1x128xi32, #tpu.memory_space<hbm>> -> memref<1x1x1x128xi32, #tpu.memory_space<hbm>>
        %dma_wait3A_94 = tpu.memref_squeeze %dma_wait3A_93 : memref<1x1x1x128xi32, #tpu.memory_space<hbm>> -> memref<1x128xi32, #tpu.memory_space<hbm>>
        tpu.wait_dma2 semaphore(%run_scoped3A_78 : memref<!tpu.dma_semaphore, #tpu.memory_space<semaphore_mem>>) src(%dma_wait3A_94 : memref<1x128xi32, #tpu.memory_space<hbm>>) dst(%arg6 : memref<1x128xi32, #tpu.memory_space<vmem>>)
        tpu.yield
      }) : () -> ()
      %dma_start3A_55 = arith.constant 0 : i32
      %dma_start3A_56 = arith.constant 0 : i32
      %dma_start3A_57 = tpu.memref_slice %arg6[%dma_start3A_55, %dma_start3A_56] : memref<1x128xi32, #tpu.memory_space<vmem>> -> memref<1x128xi32, #tpu.memory_space<vmem>>
      %dma_start3A_58 = tpu.memref_squeeze %dma_start3A_57 : memref<1x128xi32, #tpu.memory_space<vmem>> -> memref<128xi32, #tpu.memory_space<vmem>>
      %dma_start3A_59 = arith.constant 0 : i32
      %dma_start3A_60 = arith.constant 0 : i32
      %dma_start3A_61 = tpu.memref_slice %arg9[%dma_start3A_59, %dma_start3A_60] : memref<10240x128xf32, #tpu.memory_space<vmem_shared>> -> memref<10240x128xf32, #tpu.memory_space<vmem_shared>>
      tpu.enqueue_indirect_dma source(%arg8 : memref<128x128xf32, #tpu.memory_space<vmem>>) target(%dma_start3A_61 : memref<10240x128xf32, #tpu.memory_space<vmem_shared>>) offsets(%dma_start3A_58 : memref<128xi32, #tpu.memory_space<vmem>>) semaphore(%arg10 : memref<!tpu.dma_semaphore, #tpu.memory_space<semaphore_mem>>) {add = true}
      %dma_wait3A_62 = arith.constant 0 : i32
      %dma_wait3A_63 = arith.constant 0 : i32
      %dma_wait3A_64 = tpu.memref_slice %arg7[%dma_wait3A_62, %dma_wait3A_63] : memref<1x128xi32, #tpu.memory_space<vmem>> -> memref<1x128xi32, #tpu.memory_space<vmem>>
      %dma_wait3A_65 = tpu.memref_squeeze %dma_wait3A_64 : memref<1x128xi32, #tpu.memory_space<vmem>> -> memref<128xi32, #tpu.memory_space<vmem>>
      %dma_wait3A_66 = arith.constant 0 : i32
      %dma_wait3A_67 = arith.constant 0 : i32
      %dma_wait3A_68 = tpu.memref_slice %arg9[%dma_wait3A_66, %dma_wait3A_67] : memref<10240x128xf32, #tpu.memory_space<vmem_shared>> -> memref<10240x128xf32, #tpu.memory_space<vmem_shared>>
      tpu.wait_indirect_dma semaphore(%arg11 : memref<!tpu.dma_semaphore, #tpu.memory_space<semaphore_mem>>) src(%arg8 : memref<128x128xf32, #tpu.memory_space<vmem>>) dst(%dma_wait3A_68 : memref<10240x128xf32, #tpu.memory_space<vmem_shared>>)
      %add3A_69 = arith.constant 3 : i32
      %add3A_70 = arith.addi %add3A_45, %add3A_69 : i32
      "tpu.region"() ({
        %run_scoped3A_78 = tpu.sem_alloc : memref<!tpu.dma_semaphore, #tpu.memory_space<semaphore_mem>>
        %dma_start3A_79 = arith.constant 0 : i32
        %dma_start3A_80 = arith.constant 0 : i32
        %dma_start3A_81 = tpu.memref_slice %arg2[%add3A, %add3A_70, %dma_start3A_79, %dma_start3A_80] : memref<32x80x1x128xi32, #tpu.memory_space<hbm>> -> memref<1x1x1x128xi32, #tpu.memory_space<hbm>>
        %dma_start3A_82 = tpu.memref_squeeze %dma_start3A_81 : memref<1x1x1x128xi32, #tpu.memory_space<hbm>> -> memref<1x128xi32, #tpu.memory_space<hbm>>
        %dma_start3A_83 = arith.constant 0 : i32
        %dma_start3A_84 = arith.constant 0 : i32
        %dma_start3A_85 = tpu.memref_slice %arg2[%add3A, %add3A_70, %dma_start3A_83, %dma_start3A_84] : memref<32x80x1x128xi32, #tpu.memory_space<hbm>> -> memref<1x1x1x128xi32, #tpu.memory_space<hbm>>
        %dma_start3A_86 = tpu.memref_squeeze %dma_start3A_85 : memref<1x1x1x128xi32, #tpu.memory_space<hbm>> -> memref<1x128xi32, #tpu.memory_space<hbm>>
        tpu.enqueue_dma source(%dma_start3A_86 : memref<1x128xi32, #tpu.memory_space<hbm>>) target(%arg7 : memref<1x128xi32, #tpu.memory_space<vmem>>) target_semaphore(%run_scoped3A_78 : memref<!tpu.dma_semaphore, #tpu.memory_space<semaphore_mem>>)
        %dma_wait3A_87 = arith.constant 0 : i32
        %dma_wait3A_88 = arith.constant 0 : i32
        %dma_wait3A_89 = tpu.memref_slice %arg2[%add3A, %add3A_70, %dma_wait3A_87, %dma_wait3A_88] : memref<32x80x1x128xi32, #tpu.memory_space<hbm>> -> memref<1x1x1x128xi32, #tpu.memory_space<hbm>>
        %dma_wait3A_90 = tpu.memref_squeeze %dma_wait3A_89 : memref<1x1x1x128xi32, #tpu.memory_space<hbm>> -> memref<1x128xi32, #tpu.memory_space<hbm>>
        %dma_wait3A_91 = arith.constant 0 : i32
        %dma_wait3A_92 = arith.constant 0 : i32
        %dma_wait3A_93 = tpu.memref_slice %arg2[%add3A, %add3A_70, %dma_wait3A_91, %dma_wait3A_92] : memref<32x80x1x128xi32, #tpu.memory_space<hbm>> -> memref<1x1x1x128xi32, #tpu.memory_space<hbm>>
        %dma_wait3A_94 = tpu.memref_squeeze %dma_wait3A_93 : memref<1x1x1x128xi32, #tpu.memory_space<hbm>> -> memref<1x128xi32, #tpu.memory_space<hbm>>
        tpu.wait_dma2 semaphore(%run_scoped3A_78 : memref<!tpu.dma_semaphore, #tpu.memory_space<semaphore_mem>>) src(%dma_wait3A_94 : memref<1x128xi32, #tpu.memory_space<hbm>>) dst(%arg7 : memref<1x128xi32, #tpu.memory_space<vmem>>)
        tpu.yield
      }) : () -> ()
      %dma_start3A_71 = arith.constant 0 : i32
      %dma_start3A_72 = arith.constant 0 : i32
      %dma_start3A_73 = tpu.memref_slice %arg7[%dma_start3A_71, %dma_start3A_72] : memref<1x128xi32, #tpu.memory_space<vmem>> -> memref<1x128xi32, #tpu.memory_space<vmem>>
      %dma_start3A_74 = tpu.memref_squeeze %dma_start3A_73 : memref<1x128xi32, #tpu.memory_space<vmem>> -> memref<128xi32, #tpu.memory_space<vmem>>
      %dma_start3A_75 = arith.constant 0 : i32
      %dma_start3A_76 = arith.constant 0 : i32
      %dma_start3A_77 = tpu.memref_slice %arg9[%dma_start3A_75, %dma_start3A_76] : memref<10240x128xf32, #tpu.memory_space<vmem_shared>> -> memref<10240x128xf32, #tpu.memory_space<vmem_shared>>
      tpu.enqueue_indirect_dma source(%arg8 : memref<128x128xf32, #tpu.memory_space<vmem>>) target(%dma_start3A_77 : memref<10240x128xf32, #tpu.memory_space<vmem_shared>>) offsets(%dma_start3A_74 : memref<128xi32, #tpu.memory_space<vmem>>) semaphore(%arg11 : memref<!tpu.dma_semaphore, #tpu.memory_space<semaphore_mem>>) {add = true}
    }
    %scan3A_22 = arith.constant 39 : i32
    %dma_wait3A = arith.constant 0 : i32
    %dma_wait3A_23 = arith.constant 0 : i32
    %dma_wait3A_24 = tpu.memref_slice %arg6[%dma_wait3A, %dma_wait3A_23] : memref<1x128xi32, #tpu.memory_space<vmem>> -> memref<1x128xi32, #tpu.memory_space<vmem>>
    %dma_wait3A_25 = tpu.memref_squeeze %dma_wait3A_24 : memref<1x128xi32, #tpu.memory_space<vmem>> -> memref<128xi32, #tpu.memory_space<vmem>>
    %dma_wait3A_26 = arith.constant 0 : i32
    %dma_wait3A_27 = arith.constant 0 : i32
    %dma_wait3A_28 = tpu.memref_slice %arg9[%dma_wait3A_26, %dma_wait3A_27] : memref<10240x128xf32, #tpu.memory_space<vmem_shared>> -> memref<10240x128xf32, #tpu.memory_space<vmem_shared>>
    tpu.wait_indirect_dma semaphore(%arg10 : memref<!tpu.dma_semaphore, #tpu.memory_space<semaphore_mem>>) src(%arg8 : memref<128x128xf32, #tpu.memory_space<vmem>>) dst(%dma_wait3A_28 : memref<10240x128xf32, #tpu.memory_space<vmem_shared>>)
    %dma_wait3A_29 = arith.constant 0 : i32
    %dma_wait3A_30 = arith.constant 0 : i32
    %dma_wait3A_31 = tpu.memref_slice %arg7[%dma_wait3A_29, %dma_wait3A_30] : memref<1x128xi32, #tpu.memory_space<vmem>> -> memref<1x128xi32, #tpu.memory_space<vmem>>
    %dma_wait3A_32 = tpu.memref_squeeze %dma_wait3A_31 : memref<1x128xi32, #tpu.memory_space<vmem>> -> memref<128xi32, #tpu.memory_space<vmem>>
    %dma_wait3A_33 = arith.constant 0 : i32
    %dma_wait3A_34 = arith.constant 0 : i32
    %dma_wait3A_35 = tpu.memref_slice %arg9[%dma_wait3A_33, %dma_wait3A_34] : memref<10240x128xf32, #tpu.memory_space<vmem_shared>> -> memref<10240x128xf32, #tpu.memory_space<vmem_shared>>
    tpu.wait_indirect_dma semaphore(%arg11 : memref<!tpu.dma_semaphore, #tpu.memory_space<semaphore_mem>>) src(%arg8 : memref<128x128xf32, #tpu.memory_space<vmem>>) dst(%dma_wait3A_35 : memref<10240x128xf32, #tpu.memory_space<vmem_shared>>)
    %barrier3A_36 = arith.constant 0 : index
    tpu.barrier barrier_id(%barrier3A_36)
    %mul3A_37 = arith.constant 640 : i32
    %mul3A_38 = arith.muli %arg1, %mul3A_37 : i32
    %mul3A_39 = arith.constant 640 : i32
    %mul3A_40 = arith.muli %arg1, %mul3A_39 : i32
    "tpu.region"() ({
      %run_scoped3A_41 = tpu.sem_alloc : memref<!tpu.dma_semaphore, #tpu.memory_space<semaphore_mem>>
      %dma_start3A_42 = arith.constant 0 : i32
      %dma_start3A_43 = tpu.memref_slice %arg5[%arg0, %mul3A_40, %dma_start3A_42] : memref<2x10240x128xf32, #tpu.memory_space<hbm>> -> memref<1x640x128xf32, #tpu.memory_space<hbm>>
      %dma_start3A_44 = tpu.memref_squeeze %dma_start3A_43 : memref<1x640x128xf32, #tpu.memory_space<hbm>> -> memref<640x128xf32, #tpu.memory_space<hbm>>
      %dma_start3A_45 = arith.constant 0 : i32
      %dma_start3A_46 = tpu.memref_slice %arg9[%mul3A_38, %dma_start3A_45] : memref<10240x128xf32, #tpu.memory_space<vmem_shared>> -> memref<640x128xf32, #tpu.memory_space<vmem_shared>>
      tpu.enqueue_dma source(%dma_start3A_46 : memref<640x128xf32, #tpu.memory_space<vmem_shared>>) target(%dma_start3A_44 : memref<640x128xf32, #tpu.memory_space<hbm>>) target_semaphore(%run_scoped3A_41 : memref<!tpu.dma_semaphore, #tpu.memory_space<semaphore_mem>>)
      %dma_wait3A_47 = arith.constant 0 : i32
      %dma_wait3A_48 = tpu.memref_slice %arg5[%arg0, %mul3A_40, %dma_wait3A_47] : memref<2x10240x128xf32, #tpu.memory_space<hbm>> -> memref<1x640x128xf32, #tpu.memory_space<hbm>>
      %dma_wait3A_49 = tpu.memref_squeeze %dma_wait3A_48 : memref<1x640x128xf32, #tpu.memory_space<hbm>> -> memref<640x128xf32, #tpu.memory_space<hbm>>
      %dma_wait3A_50 = arith.constant 0 : i32
      %dma_wait3A_51 = tpu.memref_slice %arg9[%mul3A_38, %dma_wait3A_50] : memref<10240x128xf32, #tpu.memory_space<vmem_shared>> -> memref<640x128xf32, #tpu.memory_space<vmem_shared>>
      tpu.wait_dma2 semaphore(%run_scoped3A_41 : memref<!tpu.dma_semaphore, #tpu.memory_space<semaphore_mem>>) src(%dma_wait3A_51 : memref<640x128xf32, #tpu.memory_space<vmem_shared>>) dst(%dma_wait3A_49 : memref<640x128xf32, #tpu.memory_space<hbm>>)
      tpu.yield
    }) : () -> ()
    return
  }
}

#map = affine_map<(d0, d1) -> (0, 0)>
#map1 = affine_map<(d0, d1) -> (0, 0, 0, 0)>
#map2 = affine_map<(d0, d1) -> (0, 0, 0)>
module attributes {stable_mosaic.version = 14 : i64} {
  func.func @k(%arg0: i32, %arg1: i32, %arg2: memref<10240x128xf32, #tpu.memory_space<hbm>>, %arg3: memref<16x130x2x128xi32, #tpu.memory_space<hbm>>, %arg4: memref<16x30x2x128xi32, #tpu.memory_space<hbm>>, %arg5: memref<10240x128xf32, #tpu.memory_space<hbm>>, %arg6: memref<2x10240x128xf32, #tpu.memory_space<hbm>>, %arg7: memref<2x128xi32, #tpu.memory_space<vmem>>, %arg8: memref<2x128xi32, #tpu.memory_space<vmem>>, %arg9: memref<128x128xf32, #tpu.memory_space<vmem>>, %arg10: memref<128x128xf32, #tpu.memory_space<vmem>>, %arg11: memref<10240x128xf32, #tpu.memory_space<vmem_shared>>, %arg12: memref<!tpu.dma_semaphore, #tpu.memory_space<semaphore_mem>>, %arg13: memref<!tpu.dma_semaphore, #tpu.memory_space<semaphore_mem>>) attributes {dimension_semantics = [#tpu.dimension_semantics<core_parallel>, #tpu.dimension_semantics<subcore_parallel>], iteration_bounds = array<i64: 2, 16>, scalar_prefetch = 0 : i64, scratch_operands = 7 : i64, tpu.core_type = #tpu.core_type<sc_vector_subcore>, window_params = [{transform_indices = #map}, {transform_indices = #map1}, {transform_indices = #map1}, {transform_indices = #map}, {transform_indices = #map2}]} {
    %mul3A = arith.constant 640 : i32
    %mul3A_0 = arith.muli %arg1, %mul3A : i32
    %mul3A_1 = arith.constant 640 : i32
    %mul3A_2 = arith.muli %arg1, %mul3A_1 : i32
    "tpu.region"() ({
      %run_scoped3A = tpu.sem_alloc : memref<!tpu.dma_semaphore, #tpu.memory_space<semaphore_mem>>
      %dma_start3A = arith.constant 0 : i32
      %dma_start3A_15 = tpu.memref_slice %arg11[%mul3A_2, %dma_start3A] : memref<10240x128xf32, #tpu.memory_space<vmem_shared>> -> memref<640x128xf32, #tpu.memory_space<vmem_shared>>
      %dma_start3A_16 = arith.constant 0 : i32
      %dma_start3A_17 = tpu.memref_slice %arg5[%mul3A_0, %dma_start3A_16] : memref<10240x128xf32, #tpu.memory_space<hbm>> -> memref<640x128xf32, #tpu.memory_space<hbm>>
      tpu.enqueue_dma source(%dma_start3A_17 : memref<640x128xf32, #tpu.memory_space<hbm>>) target(%dma_start3A_15 : memref<640x128xf32, #tpu.memory_space<vmem_shared>>) target_semaphore(%run_scoped3A : memref<!tpu.dma_semaphore, #tpu.memory_space<semaphore_mem>>)
      %dma_wait3A = arith.constant 0 : i32
      %dma_wait3A_18 = tpu.memref_slice %arg11[%mul3A_2, %dma_wait3A] : memref<10240x128xf32, #tpu.memory_space<vmem_shared>> -> memref<640x128xf32, #tpu.memory_space<vmem_shared>>
      %dma_wait3A_19 = arith.constant 0 : i32
      %dma_wait3A_20 = tpu.memref_slice %arg5[%mul3A_0, %dma_wait3A_19] : memref<10240x128xf32, #tpu.memory_space<hbm>> -> memref<640x128xf32, #tpu.memory_space<hbm>>
      tpu.wait_dma2 semaphore(%run_scoped3A : memref<!tpu.dma_semaphore, #tpu.memory_space<semaphore_mem>>) src(%dma_wait3A_20 : memref<640x128xf32, #tpu.memory_space<hbm>>) dst(%dma_wait3A_18 : memref<640x128xf32, #tpu.memory_space<vmem_shared>>)
      tpu.yield
    }) : () -> ()
    %barrier3A = arith.constant 0 : index
    tpu.barrier barrier_id(%barrier3A)
    %eq3A = arith.constant 0 : i32
    %eq3A_3 = arith.cmpi eq, %arg0, %eq3A : i32
    %convert_element_type3A = arith.extui %eq3A_3 : i1 to i32
    %cond3A = arith.constant 0 : i32
    %cond3A_4 = arith.cmpi ne, %convert_element_type3A, %cond3A : i32
    scf.if %cond3A_4 {
      %run_scoped3A = arith.constant 0 : i32
      "tpu.region"() ({
        %run_scoped3A_48 = tpu.sem_alloc : memref<!tpu.dma_semaphore, #tpu.memory_space<semaphore_mem>>
        %dma_start3A_49 = arith.constant 0 : i32
        %dma_start3A_50 = arith.constant 0 : i32
        %dma_start3A_51 = tpu.memref_slice %arg3[%arg1, %run_scoped3A, %dma_start3A_49, %dma_start3A_50] : memref<16x130x2x128xi32, #tpu.memory_space<hbm>> -> memref<1x1x2x128xi32, #tpu.memory_space<hbm>>
        %dma_start3A_52 = tpu.memref_squeeze %dma_start3A_51 : memref<1x1x2x128xi32, #tpu.memory_space<hbm>> -> memref<2x128xi32, #tpu.memory_space<hbm>>
        %dma_start3A_53 = arith.constant 0 : i32
        %dma_start3A_54 = arith.constant 0 : i32
        %dma_start3A_55 = tpu.memref_slice %arg3[%arg1, %run_scoped3A, %dma_start3A_53, %dma_start3A_54] : memref<16x130x2x128xi32, #tpu.memory_space<hbm>> -> memref<1x1x2x128xi32, #tpu.memory_space<hbm>>
        %dma_start3A_56 = tpu.memref_squeeze %dma_start3A_55 : memref<1x1x2x128xi32, #tpu.memory_space<hbm>> -> memref<2x128xi32, #tpu.memory_space<hbm>>
        tpu.enqueue_dma source(%dma_start3A_56 : memref<2x128xi32, #tpu.memory_space<hbm>>) target(%arg7 : memref<2x128xi32, #tpu.memory_space<vmem>>) target_semaphore(%run_scoped3A_48 : memref<!tpu.dma_semaphore, #tpu.memory_space<semaphore_mem>>)
        %dma_wait3A_57 = arith.constant 0 : i32
        %dma_wait3A_58 = arith.constant 0 : i32
        %dma_wait3A_59 = tpu.memref_slice %arg3[%arg1, %run_scoped3A, %dma_wait3A_57, %dma_wait3A_58] : memref<16x130x2x128xi32, #tpu.memory_space<hbm>> -> memref<1x1x2x128xi32, #tpu.memory_space<hbm>>
        %dma_wait3A_60 = tpu.memref_squeeze %dma_wait3A_59 : memref<1x1x2x128xi32, #tpu.memory_space<hbm>> -> memref<2x128xi32, #tpu.memory_space<hbm>>
        %dma_wait3A_61 = arith.constant 0 : i32
        %dma_wait3A_62 = arith.constant 0 : i32
        %dma_wait3A_63 = tpu.memref_slice %arg3[%arg1, %run_scoped3A, %dma_wait3A_61, %dma_wait3A_62] : memref<16x130x2x128xi32, #tpu.memory_space<hbm>> -> memref<1x1x2x128xi32, #tpu.memory_space<hbm>>
        %dma_wait3A_64 = tpu.memref_squeeze %dma_wait3A_63 : memref<1x1x2x128xi32, #tpu.memory_space<hbm>> -> memref<2x128xi32, #tpu.memory_space<hbm>>
        tpu.wait_dma2 semaphore(%run_scoped3A_48 : memref<!tpu.dma_semaphore, #tpu.memory_space<semaphore_mem>>) src(%dma_wait3A_64 : memref<2x128xi32, #tpu.memory_space<hbm>>) dst(%arg7 : memref<2x128xi32, #tpu.memory_space<vmem>>)
        tpu.yield
      }) : () -> ()
      %dma_start3A = arith.constant 0 : i32
      %dma_start3A_15 = arith.constant 0 : i32
      %dma_start3A_16 = tpu.memref_slice %arg7[%dma_start3A, %dma_start3A_15] : memref<2x128xi32, #tpu.memory_space<vmem>> -> memref<1x128xi32, #tpu.memory_space<vmem>>
      %dma_start3A_17 = tpu.memref_squeeze %dma_start3A_16 : memref<1x128xi32, #tpu.memory_space<vmem>> -> memref<128xi32, #tpu.memory_space<vmem>>
      %dma_start3A_18 = arith.constant 0 : i32
      %dma_start3A_19 = arith.constant 0 : i32
      %dma_start3A_20 = tpu.memref_slice %arg2[%dma_start3A_18, %dma_start3A_19] : memref<10240x128xf32, #tpu.memory_space<hbm>> -> memref<10240x128xf32, #tpu.memory_space<hbm>>
      tpu.enqueue_indirect_dma source(%dma_start3A_20 : memref<10240x128xf32, #tpu.memory_space<hbm>>) target(%arg9 : memref<128x128xf32, #tpu.memory_space<vmem>>) offsets(%dma_start3A_17 : memref<128xi32, #tpu.memory_space<vmem>>) semaphore(%arg12 : memref<!tpu.dma_semaphore, #tpu.memory_space<semaphore_mem>>)
      %run_scoped3A_21 = arith.constant 1 : i32
      "tpu.region"() ({
        %run_scoped3A_48 = tpu.sem_alloc : memref<!tpu.dma_semaphore, #tpu.memory_space<semaphore_mem>>
        %dma_start3A_49 = arith.constant 0 : i32
        %dma_start3A_50 = arith.constant 0 : i32
        %dma_start3A_51 = tpu.memref_slice %arg3[%arg1, %run_scoped3A_21, %dma_start3A_49, %dma_start3A_50] : memref<16x130x2x128xi32, #tpu.memory_space<hbm>> -> memref<1x1x2x128xi32, #tpu.memory_space<hbm>>
        %dma_start3A_52 = tpu.memref_squeeze %dma_start3A_51 : memref<1x1x2x128xi32, #tpu.memory_space<hbm>> -> memref<2x128xi32, #tpu.memory_space<hbm>>
        %dma_start3A_53 = arith.constant 0 : i32
        %dma_start3A_54 = arith.constant 0 : i32
        %dma_start3A_55 = tpu.memref_slice %arg3[%arg1, %run_scoped3A_21, %dma_start3A_53, %dma_start3A_54] : memref<16x130x2x128xi32, #tpu.memory_space<hbm>> -> memref<1x1x2x128xi32, #tpu.memory_space<hbm>>
        %dma_start3A_56 = tpu.memref_squeeze %dma_start3A_55 : memref<1x1x2x128xi32, #tpu.memory_space<hbm>> -> memref<2x128xi32, #tpu.memory_space<hbm>>
        tpu.enqueue_dma source(%dma_start3A_56 : memref<2x128xi32, #tpu.memory_space<hbm>>) target(%arg8 : memref<2x128xi32, #tpu.memory_space<vmem>>) target_semaphore(%run_scoped3A_48 : memref<!tpu.dma_semaphore, #tpu.memory_space<semaphore_mem>>)
        %dma_wait3A_57 = arith.constant 0 : i32
        %dma_wait3A_58 = arith.constant 0 : i32
        %dma_wait3A_59 = tpu.memref_slice %arg3[%arg1, %run_scoped3A_21, %dma_wait3A_57, %dma_wait3A_58] : memref<16x130x2x128xi32, #tpu.memory_space<hbm>> -> memref<1x1x2x128xi32, #tpu.memory_space<hbm>>
        %dma_wait3A_60 = tpu.memref_squeeze %dma_wait3A_59 : memref<1x1x2x128xi32, #tpu.memory_space<hbm>> -> memref<2x128xi32, #tpu.memory_space<hbm>>
        %dma_wait3A_61 = arith.constant 0 : i32
        %dma_wait3A_62 = arith.constant 0 : i32
        %dma_wait3A_63 = tpu.memref_slice %arg3[%arg1, %run_scoped3A_21, %dma_wait3A_61, %dma_wait3A_62] : memref<16x130x2x128xi32, #tpu.memory_space<hbm>> -> memref<1x1x2x128xi32, #tpu.memory_space<hbm>>
        %dma_wait3A_64 = tpu.memref_squeeze %dma_wait3A_63 : memref<1x1x2x128xi32, #tpu.memory_space<hbm>> -> memref<2x128xi32, #tpu.memory_space<hbm>>
        tpu.wait_dma2 semaphore(%run_scoped3A_48 : memref<!tpu.dma_semaphore, #tpu.memory_space<semaphore_mem>>) src(%dma_wait3A_64 : memref<2x128xi32, #tpu.memory_space<hbm>>) dst(%arg8 : memref<2x128xi32, #tpu.memory_space<vmem>>)
        tpu.yield
      }) : () -> ()
      %dma_start3A_22 = arith.constant 0 : i32
      %dma_start3A_23 = arith.constant 0 : i32
      %dma_start3A_24 = tpu.memref_slice %arg8[%dma_start3A_22, %dma_start3A_23] : memref<2x128xi32, #tpu.memory_space<vmem>> -> memref<1x128xi32, #tpu.memory_space<vmem>>
      %dma_start3A_25 = tpu.memref_squeeze %dma_start3A_24 : memref<1x128xi32, #tpu.memory_space<vmem>> -> memref<128xi32, #tpu.memory_space<vmem>>
      %dma_start3A_26 = arith.constant 0 : i32
      %dma_start3A_27 = arith.constant 0 : i32
      %dma_start3A_28 = tpu.memref_slice %arg2[%dma_start3A_26, %dma_start3A_27] : memref<10240x128xf32, #tpu.memory_space<hbm>> -> memref<10240x128xf32, #tpu.memory_space<hbm>>
      tpu.enqueue_indirect_dma source(%dma_start3A_28 : memref<10240x128xf32, #tpu.memory_space<hbm>>) target(%arg10 : memref<128x128xf32, #tpu.memory_space<vmem>>) offsets(%dma_start3A_25 : memref<128xi32, #tpu.memory_space<vmem>>) semaphore(%arg13 : memref<!tpu.dma_semaphore, #tpu.memory_space<semaphore_mem>>)
      %scan3A = arith.constant 0 : i32
      %scan3A_29 = arith.constant 64 : i32
      %scan3A_30 = arith.addi %scan3A, %scan3A_29 : i32
      %scan3A_31 = arith.constant 1 : i32
      scf.for %scan3A_48 = %scan3A to %scan3A_30 step %scan3A_31  : i32 {
        %mul3A_49 = arith.constant 2 : i32
        %mul3A_50 = arith.muli %scan3A_48, %mul3A_49 : i32
        %add3A = arith.constant 0 : i32
        %add3A_51 = arith.addi %add3A, %mul3A_50 : i32
        %dma_wait3A_52 = arith.constant 0 : i32
        %dma_wait3A_53 = arith.constant 0 : i32
        %dma_wait3A_54 = tpu.memref_slice %arg7[%dma_wait3A_52, %dma_wait3A_53] : memref<2x128xi32, #tpu.memory_space<vmem>> -> memref<1x128xi32, #tpu.memory_space<vmem>>
        %dma_wait3A_55 = tpu.memref_squeeze %dma_wait3A_54 : memref<1x128xi32, #tpu.memory_space<vmem>> -> memref<128xi32, #tpu.memory_space<vmem>>
        %dma_wait3A_56 = arith.constant 0 : i32
        %dma_wait3A_57 = arith.constant 0 : i32
        %dma_wait3A_58 = tpu.memref_slice %arg2[%dma_wait3A_56, %dma_wait3A_57] : memref<10240x128xf32, #tpu.memory_space<hbm>> -> memref<10240x128xf32, #tpu.memory_space<hbm>>
        tpu.wait_indirect_dma semaphore(%arg12 : memref<!tpu.dma_semaphore, #tpu.memory_space<semaphore_mem>>) src(%dma_wait3A_58 : memref<10240x128xf32, #tpu.memory_space<hbm>>) dst(%arg9 : memref<128x128xf32, #tpu.memory_space<vmem>>)
        %run_scoped3A_59 = arith.constant 1 : i32
        "tpu.region"() ({
          %run_scoped3A_86 = tpu.sem_alloc : memref<!tpu.dma_semaphore, #tpu.memory_space<semaphore_mem>>
          %dma_start3A_87 = arith.constant 0 : i32
          %dma_start3A_88 = tpu.memref_slice %arg7[%run_scoped3A_59, %dma_start3A_87] : memref<2x128xi32, #tpu.memory_space<vmem>> -> memref<1x128xi32, #tpu.memory_space<vmem>>
          %dma_start3A_89 = tpu.memref_squeeze %dma_start3A_88 : memref<1x128xi32, #tpu.memory_space<vmem>> -> memref<128xi32, #tpu.memory_space<vmem>>
          %dma_start3A_90 = arith.constant 0 : i32
          %dma_start3A_91 = arith.constant 0 : i32
          %dma_start3A_92 = tpu.memref_slice %arg11[%dma_start3A_90, %dma_start3A_91] : memref<10240x128xf32, #tpu.memory_space<vmem_shared>> -> memref<10240x128xf32, #tpu.memory_space<vmem_shared>>
          tpu.enqueue_indirect_dma source(%arg9 : memref<128x128xf32, #tpu.memory_space<vmem>>) target(%dma_start3A_92 : memref<10240x128xf32, #tpu.memory_space<vmem_shared>>) offsets(%dma_start3A_89 : memref<128xi32, #tpu.memory_space<vmem>>) semaphore(%run_scoped3A_86 : memref<!tpu.dma_semaphore, #tpu.memory_space<semaphore_mem>>) {add = true}
          %dma_wait3A_93 = arith.constant 0 : i32
          %dma_wait3A_94 = tpu.memref_slice %arg7[%run_scoped3A_59, %dma_wait3A_93] : memref<2x128xi32, #tpu.memory_space<vmem>> -> memref<1x128xi32, #tpu.memory_space<vmem>>
          %dma_wait3A_95 = tpu.memref_squeeze %dma_wait3A_94 : memref<1x128xi32, #tpu.memory_space<vmem>> -> memref<128xi32, #tpu.memory_space<vmem>>
          %dma_wait3A_96 = arith.constant 0 : i32
          %dma_wait3A_97 = arith.constant 0 : i32
          %dma_wait3A_98 = tpu.memref_slice %arg11[%dma_wait3A_96, %dma_wait3A_97] : memref<10240x128xf32, #tpu.memory_space<vmem_shared>> -> memref<10240x128xf32, #tpu.memory_space<vmem_shared>>
          tpu.wait_indirect_dma semaphore(%run_scoped3A_86 : memref<!tpu.dma_semaphore, #tpu.memory_space<semaphore_mem>>) src(%arg9 : memref<128x128xf32, #tpu.memory_space<vmem>>) dst(%dma_wait3A_98 : memref<10240x128xf32, #tpu.memory_space<vmem_shared>>)
          tpu.yield
        }) : () -> ()
        %add3A_60 = arith.constant 2 : i32
        %add3A_61 = arith.addi %add3A_51, %add3A_60 : i32
        "tpu.region"() ({
          %run_scoped3A_86 = tpu.sem_alloc : memref<!tpu.dma_semaphore, #tpu.memory_space<semaphore_mem>>
          %dma_start3A_87 = arith.constant 0 : i32
          %dma_start3A_88 = arith.constant 0 : i32
          %dma_start3A_89 = tpu.memref_slice %arg3[%arg1, %add3A_61, %dma_start3A_87, %dma_start3A_88] : memref<16x130x2x128xi32, #tpu.memory_space<hbm>> -> memref<1x1x2x128xi32, #tpu.memory_space<hbm>>
          %dma_start3A_90 = tpu.memref_squeeze %dma_start3A_89 : memref<1x1x2x128xi32, #tpu.memory_space<hbm>> -> memref<2x128xi32, #tpu.memory_space<hbm>>
          %dma_start3A_91 = arith.constant 0 : i32
          %dma_start3A_92 = arith.constant 0 : i32
          %dma_start3A_93 = tpu.memref_slice %arg3[%arg1, %add3A_61, %dma_start3A_91, %dma_start3A_92] : memref<16x130x2x128xi32, #tpu.memory_space<hbm>> -> memref<1x1x2x128xi32, #tpu.memory_space<hbm>>
          %dma_start3A_94 = tpu.memref_squeeze %dma_start3A_93 : memref<1x1x2x128xi32, #tpu.memory_space<hbm>> -> memref<2x128xi32, #tpu.memory_space<hbm>>
          tpu.enqueue_dma source(%dma_start3A_94 : memref<2x128xi32, #tpu.memory_space<hbm>>) target(%arg7 : memref<2x128xi32, #tpu.memory_space<vmem>>) target_semaphore(%run_scoped3A_86 : memref<!tpu.dma_semaphore, #tpu.memory_space<semaphore_mem>>)
          %dma_wait3A_95 = arith.constant 0 : i32
          %dma_wait3A_96 = arith.constant 0 : i32
          %dma_wait3A_97 = tpu.memref_slice %arg3[%arg1, %add3A_61, %dma_wait3A_95, %dma_wait3A_96] : memref<16x130x2x128xi32, #tpu.memory_space<hbm>> -> memref<1x1x2x128xi32, #tpu.memory_space<hbm>>
          %dma_wait3A_98 = tpu.memref_squeeze %dma_wait3A_97 : memref<1x1x2x128xi32, #tpu.memory_space<hbm>> -> memref<2x128xi32, #tpu.memory_space<hbm>>
          %dma_wait3A_99 = arith.constant 0 : i32
          %dma_wait3A_100 = arith.constant 0 : i32
          %dma_wait3A_101 = tpu.memref_slice %arg3[%arg1, %add3A_61, %dma_wait3A_99, %dma_wait3A_100] : memref<16x130x2x128xi32, #tpu.memory_space<hbm>> -> memref<1x1x2x128xi32, #tpu.memory_space<hbm>>
          %dma_wait3A_102 = tpu.memref_squeeze %dma_wait3A_101 : memref<1x1x2x128xi32, #tpu.memory_space<hbm>> -> memref<2x128xi32, #tpu.memory_space<hbm>>
          tpu.wait_dma2 semaphore(%run_scoped3A_86 : memref<!tpu.dma_semaphore, #tpu.memory_space<semaphore_mem>>) src(%dma_wait3A_102 : memref<2x128xi32, #tpu.memory_space<hbm>>) dst(%arg7 : memref<2x128xi32, #tpu.memory_space<vmem>>)
          tpu.yield
        }) : () -> ()
        %dma_start3A_62 = arith.constant 0 : i32
        %dma_start3A_63 = arith.constant 0 : i32
        %dma_start3A_64 = tpu.memref_slice %arg7[%dma_start3A_62, %dma_start3A_63] : memref<2x128xi32, #tpu.memory_space<vmem>> -> memref<1x128xi32, #tpu.memory_space<vmem>>
        %dma_start3A_65 = tpu.memref_squeeze %dma_start3A_64 : memref<1x128xi32, #tpu.memory_space<vmem>> -> memref<128xi32, #tpu.memory_space<vmem>>
        %dma_start3A_66 = arith.constant 0 : i32
        %dma_start3A_67 = arith.constant 0 : i32
        %dma_start3A_68 = tpu.memref_slice %arg2[%dma_start3A_66, %dma_start3A_67] : memref<10240x128xf32, #tpu.memory_space<hbm>> -> memref<10240x128xf32, #tpu.memory_space<hbm>>
        tpu.enqueue_indirect_dma source(%dma_start3A_68 : memref<10240x128xf32, #tpu.memory_space<hbm>>) target(%arg9 : memref<128x128xf32, #tpu.memory_space<vmem>>) offsets(%dma_start3A_65 : memref<128xi32, #tpu.memory_space<vmem>>) semaphore(%arg12 : memref<!tpu.dma_semaphore, #tpu.memory_space<semaphore_mem>>)
        %dma_wait3A_69 = arith.constant 0 : i32
        %dma_wait3A_70 = arith.constant 0 : i32
        %dma_wait3A_71 = tpu.memref_slice %arg8[%dma_wait3A_69, %dma_wait3A_70] : memref<2x128xi32, #tpu.memory_space<vmem>> -> memref<1x128xi32, #tpu.memory_space<vmem>>
        %dma_wait3A_72 = tpu.memref_squeeze %dma_wait3A_71 : memref<1x128xi32, #tpu.memory_space<vmem>> -> memref<128xi32, #tpu.memory_space<vmem>>
        %dma_wait3A_73 = arith.constant 0 : i32
        %dma_wait3A_74 = arith.constant 0 : i32
        %dma_wait3A_75 = tpu.memref_slice %arg2[%dma_wait3A_73, %dma_wait3A_74] : memref<10240x128xf32, #tpu.memory_space<hbm>> -> memref<10240x128xf32, #tpu.memory_space<hbm>>
        tpu.wait_indirect_dma semaphore(%arg13 : memref<!tpu.dma_semaphore, #tpu.memory_space<semaphore_mem>>) src(%dma_wait3A_75 : memref<10240x128xf32, #tpu.memory_space<hbm>>) dst(%arg10 : memref<128x128xf32, #tpu.memory_space<vmem>>)
        %run_scoped3A_76 = arith.constant 1 : i32
        "tpu.region"() ({
          %run_scoped3A_86 = tpu.sem_alloc : memref<!tpu.dma_semaphore, #tpu.memory_space<semaphore_mem>>
          %dma_start3A_87 = arith.constant 0 : i32
          %dma_start3A_88 = tpu.memref_slice %arg8[%run_scoped3A_76, %dma_start3A_87] : memref<2x128xi32, #tpu.memory_space<vmem>> -> memref<1x128xi32, #tpu.memory_space<vmem>>
          %dma_start3A_89 = tpu.memref_squeeze %dma_start3A_88 : memref<1x128xi32, #tpu.memory_space<vmem>> -> memref<128xi32, #tpu.memory_space<vmem>>
          %dma_start3A_90 = arith.constant 0 : i32
          %dma_start3A_91 = arith.constant 0 : i32
          %dma_start3A_92 = tpu.memref_slice %arg11[%dma_start3A_90, %dma_start3A_91] : memref<10240x128xf32, #tpu.memory_space<vmem_shared>> -> memref<10240x128xf32, #tpu.memory_space<vmem_shared>>
          tpu.enqueue_indirect_dma source(%arg10 : memref<128x128xf32, #tpu.memory_space<vmem>>) target(%dma_start3A_92 : memref<10240x128xf32, #tpu.memory_space<vmem_shared>>) offsets(%dma_start3A_89 : memref<128xi32, #tpu.memory_space<vmem>>) semaphore(%run_scoped3A_86 : memref<!tpu.dma_semaphore, #tpu.memory_space<semaphore_mem>>) {add = true}
          %dma_wait3A_93 = arith.constant 0 : i32
          %dma_wait3A_94 = tpu.memref_slice %arg8[%run_scoped3A_76, %dma_wait3A_93] : memref<2x128xi32, #tpu.memory_space<vmem>> -> memref<1x128xi32, #tpu.memory_space<vmem>>
          %dma_wait3A_95 = tpu.memref_squeeze %dma_wait3A_94 : memref<1x128xi32, #tpu.memory_space<vmem>> -> memref<128xi32, #tpu.memory_space<vmem>>
          %dma_wait3A_96 = arith.constant 0 : i32
          %dma_wait3A_97 = arith.constant 0 : i32
          %dma_wait3A_98 = tpu.memref_slice %arg11[%dma_wait3A_96, %dma_wait3A_97] : memref<10240x128xf32, #tpu.memory_space<vmem_shared>> -> memref<10240x128xf32, #tpu.memory_space<vmem_shared>>
          tpu.wait_indirect_dma semaphore(%run_scoped3A_86 : memref<!tpu.dma_semaphore, #tpu.memory_space<semaphore_mem>>) src(%arg10 : memref<128x128xf32, #tpu.memory_space<vmem>>) dst(%dma_wait3A_98 : memref<10240x128xf32, #tpu.memory_space<vmem_shared>>)
          tpu.yield
        }) : () -> ()
        %add3A_77 = arith.constant 3 : i32
        %add3A_78 = arith.addi %add3A_51, %add3A_77 : i32
        "tpu.region"() ({
          %run_scoped3A_86 = tpu.sem_alloc : memref<!tpu.dma_semaphore, #tpu.memory_space<semaphore_mem>>
          %dma_start3A_87 = arith.constant 0 : i32
          %dma_start3A_88 = arith.constant 0 : i32
          %dma_start3A_89 = tpu.memref_slice %arg3[%arg1, %add3A_78, %dma_start3A_87, %dma_start3A_88] : memref<16x130x2x128xi32, #tpu.memory_space<hbm>> -> memref<1x1x2x128xi32, #tpu.memory_space<hbm>>
          %dma_start3A_90 = tpu.memref_squeeze %dma_start3A_89 : memref<1x1x2x128xi32, #tpu.memory_space<hbm>> -> memref<2x128xi32, #tpu.memory_space<hbm>>
          %dma_start3A_91 = arith.constant 0 : i32
          %dma_start3A_92 = arith.constant 0 : i32
          %dma_start3A_93 = tpu.memref_slice %arg3[%arg1, %add3A_78, %dma_start3A_91, %dma_start3A_92] : memref<16x130x2x128xi32, #tpu.memory_space<hbm>> -> memref<1x1x2x128xi32, #tpu.memory_space<hbm>>
          %dma_start3A_94 = tpu.memref_squeeze %dma_start3A_93 : memref<1x1x2x128xi32, #tpu.memory_space<hbm>> -> memref<2x128xi32, #tpu.memory_space<hbm>>
          tpu.enqueue_dma source(%dma_start3A_94 : memref<2x128xi32, #tpu.memory_space<hbm>>) target(%arg8 : memref<2x128xi32, #tpu.memory_space<vmem>>) target_semaphore(%run_scoped3A_86 : memref<!tpu.dma_semaphore, #tpu.memory_space<semaphore_mem>>)
          %dma_wait3A_95 = arith.constant 0 : i32
          %dma_wait3A_96 = arith.constant 0 : i32
          %dma_wait3A_97 = tpu.memref_slice %arg3[%arg1, %add3A_78, %dma_wait3A_95, %dma_wait3A_96] : memref<16x130x2x128xi32, #tpu.memory_space<hbm>> -> memref<1x1x2x128xi32, #tpu.memory_space<hbm>>
          %dma_wait3A_98 = tpu.memref_squeeze %dma_wait3A_97 : memref<1x1x2x128xi32, #tpu.memory_space<hbm>> -> memref<2x128xi32, #tpu.memory_space<hbm>>
          %dma_wait3A_99 = arith.constant 0 : i32
          %dma_wait3A_100 = arith.constant 0 : i32
          %dma_wait3A_101 = tpu.memref_slice %arg3[%arg1, %add3A_78, %dma_wait3A_99, %dma_wait3A_100] : memref<16x130x2x128xi32, #tpu.memory_space<hbm>> -> memref<1x1x2x128xi32, #tpu.memory_space<hbm>>
          %dma_wait3A_102 = tpu.memref_squeeze %dma_wait3A_101 : memref<1x1x2x128xi32, #tpu.memory_space<hbm>> -> memref<2x128xi32, #tpu.memory_space<hbm>>
          tpu.wait_dma2 semaphore(%run_scoped3A_86 : memref<!tpu.dma_semaphore, #tpu.memory_space<semaphore_mem>>) src(%dma_wait3A_102 : memref<2x128xi32, #tpu.memory_space<hbm>>) dst(%arg8 : memref<2x128xi32, #tpu.memory_space<vmem>>)
          tpu.yield
        }) : () -> ()
        %dma_start3A_79 = arith.constant 0 : i32
        %dma_start3A_80 = arith.constant 0 : i32
        %dma_start3A_81 = tpu.memref_slice %arg8[%dma_start3A_79, %dma_start3A_80] : memref<2x128xi32, #tpu.memory_space<vmem>> -> memref<1x128xi32, #tpu.memory_space<vmem>>
        %dma_start3A_82 = tpu.memref_squeeze %dma_start3A_81 : memref<1x128xi32, #tpu.memory_space<vmem>> -> memref<128xi32, #tpu.memory_space<vmem>>
        %dma_start3A_83 = arith.constant 0 : i32
        %dma_start3A_84 = arith.constant 0 : i32
        %dma_start3A_85 = tpu.memref_slice %arg2[%dma_start3A_83, %dma_start3A_84] : memref<10240x128xf32, #tpu.memory_space<hbm>> -> memref<10240x128xf32, #tpu.memory_space<hbm>>
        tpu.enqueue_indirect_dma source(%dma_start3A_85 : memref<10240x128xf32, #tpu.memory_space<hbm>>) target(%arg10 : memref<128x128xf32, #tpu.memory_space<vmem>>) offsets(%dma_start3A_82 : memref<128xi32, #tpu.memory_space<vmem>>) semaphore(%arg13 : memref<!tpu.dma_semaphore, #tpu.memory_space<semaphore_mem>>)
      }
      %scan3A_32 = arith.constant 64 : i32
      %dma_wait3A = arith.constant 0 : i32
      %dma_wait3A_33 = arith.constant 0 : i32
      %dma_wait3A_34 = tpu.memref_slice %arg7[%dma_wait3A, %dma_wait3A_33] : memref<2x128xi32, #tpu.memory_space<vmem>> -> memref<1x128xi32, #tpu.memory_space<vmem>>
      %dma_wait3A_35 = tpu.memref_squeeze %dma_wait3A_34 : memref<1x128xi32, #tpu.memory_space<vmem>> -> memref<128xi32, #tpu.memory_space<vmem>>
      %dma_wait3A_36 = arith.constant 0 : i32
      %dma_wait3A_37 = arith.constant 0 : i32
      %dma_wait3A_38 = tpu.memref_slice %arg2[%dma_wait3A_36, %dma_wait3A_37] : memref<10240x128xf32, #tpu.memory_space<hbm>> -> memref<10240x128xf32, #tpu.memory_space<hbm>>
      tpu.wait_indirect_dma semaphore(%arg12 : memref<!tpu.dma_semaphore, #tpu.memory_space<semaphore_mem>>) src(%dma_wait3A_38 : memref<10240x128xf32, #tpu.memory_space<hbm>>) dst(%arg9 : memref<128x128xf32, #tpu.memory_space<vmem>>)
      %run_scoped3A_39 = arith.constant 1 : i32
      "tpu.region"() ({
        %run_scoped3A_48 = tpu.sem_alloc : memref<!tpu.dma_semaphore, #tpu.memory_space<semaphore_mem>>
        %dma_start3A_49 = arith.constant 0 : i32
        %dma_start3A_50 = tpu.memref_slice %arg7[%run_scoped3A_39, %dma_start3A_49] : memref<2x128xi32, #tpu.memory_space<vmem>> -> memref<1x128xi32, #tpu.memory_space<vmem>>
        %dma_start3A_51 = tpu.memref_squeeze %dma_start3A_50 : memref<1x128xi32, #tpu.memory_space<vmem>> -> memref<128xi32, #tpu.memory_space<vmem>>
        %dma_start3A_52 = arith.constant 0 : i32
        %dma_start3A_53 = arith.constant 0 : i32
        %dma_start3A_54 = tpu.memref_slice %arg11[%dma_start3A_52, %dma_start3A_53] : memref<10240x128xf32, #tpu.memory_space<vmem_shared>> -> memref<10240x128xf32, #tpu.memory_space<vmem_shared>>
        tpu.enqueue_indirect_dma source(%arg9 : memref<128x128xf32, #tpu.memory_space<vmem>>) target(%dma_start3A_54 : memref<10240x128xf32, #tpu.memory_space<vmem_shared>>) offsets(%dma_start3A_51 : memref<128xi32, #tpu.memory_space<vmem>>) semaphore(%run_scoped3A_48 : memref<!tpu.dma_semaphore, #tpu.memory_space<semaphore_mem>>) {add = true}
        %dma_wait3A_55 = arith.constant 0 : i32
        %dma_wait3A_56 = tpu.memref_slice %arg7[%run_scoped3A_39, %dma_wait3A_55] : memref<2x128xi32, #tpu.memory_space<vmem>> -> memref<1x128xi32, #tpu.memory_space<vmem>>
        %dma_wait3A_57 = tpu.memref_squeeze %dma_wait3A_56 : memref<1x128xi32, #tpu.memory_space<vmem>> -> memref<128xi32, #tpu.memory_space<vmem>>
        %dma_wait3A_58 = arith.constant 0 : i32
        %dma_wait3A_59 = arith.constant 0 : i32
        %dma_wait3A_60 = tpu.memref_slice %arg11[%dma_wait3A_58, %dma_wait3A_59] : memref<10240x128xf32, #tpu.memory_space<vmem_shared>> -> memref<10240x128xf32, #tpu.memory_space<vmem_shared>>
        tpu.wait_indirect_dma semaphore(%run_scoped3A_48 : memref<!tpu.dma_semaphore, #tpu.memory_space<semaphore_mem>>) src(%arg9 : memref<128x128xf32, #tpu.memory_space<vmem>>) dst(%dma_wait3A_60 : memref<10240x128xf32, #tpu.memory_space<vmem_shared>>)
        tpu.yield
      }) : () -> ()
      %dma_wait3A_40 = arith.constant 0 : i32
      %dma_wait3A_41 = arith.constant 0 : i32
      %dma_wait3A_42 = tpu.memref_slice %arg8[%dma_wait3A_40, %dma_wait3A_41] : memref<2x128xi32, #tpu.memory_space<vmem>> -> memref<1x128xi32, #tpu.memory_space<vmem>>
      %dma_wait3A_43 = tpu.memref_squeeze %dma_wait3A_42 : memref<1x128xi32, #tpu.memory_space<vmem>> -> memref<128xi32, #tpu.memory_space<vmem>>
      %dma_wait3A_44 = arith.constant 0 : i32
      %dma_wait3A_45 = arith.constant 0 : i32
      %dma_wait3A_46 = tpu.memref_slice %arg2[%dma_wait3A_44, %dma_wait3A_45] : memref<10240x128xf32, #tpu.memory_space<hbm>> -> memref<10240x128xf32, #tpu.memory_space<hbm>>
      tpu.wait_indirect_dma semaphore(%arg13 : memref<!tpu.dma_semaphore, #tpu.memory_space<semaphore_mem>>) src(%dma_wait3A_46 : memref<10240x128xf32, #tpu.memory_space<hbm>>) dst(%arg10 : memref<128x128xf32, #tpu.memory_space<vmem>>)
      %run_scoped3A_47 = arith.constant 1 : i32
      "tpu.region"() ({
        %run_scoped3A_48 = tpu.sem_alloc : memref<!tpu.dma_semaphore, #tpu.memory_space<semaphore_mem>>
        %dma_start3A_49 = arith.constant 0 : i32
        %dma_start3A_50 = tpu.memref_slice %arg8[%run_scoped3A_47, %dma_start3A_49] : memref<2x128xi32, #tpu.memory_space<vmem>> -> memref<1x128xi32, #tpu.memory_space<vmem>>
        %dma_start3A_51 = tpu.memref_squeeze %dma_start3A_50 : memref<1x128xi32, #tpu.memory_space<vmem>> -> memref<128xi32, #tpu.memory_space<vmem>>
        %dma_start3A_52 = arith.constant 0 : i32
        %dma_start3A_53 = arith.constant 0 : i32
        %dma_start3A_54 = tpu.memref_slice %arg11[%dma_start3A_52, %dma_start3A_53] : memref<10240x128xf32, #tpu.memory_space<vmem_shared>> -> memref<10240x128xf32, #tpu.memory_space<vmem_shared>>
        tpu.enqueue_indirect_dma source(%arg10 : memref<128x128xf32, #tpu.memory_space<vmem>>) target(%dma_start3A_54 : memref<10240x128xf32, #tpu.memory_space<vmem_shared>>) offsets(%dma_start3A_51 : memref<128xi32, #tpu.memory_space<vmem>>) semaphore(%run_scoped3A_48 : memref<!tpu.dma_semaphore, #tpu.memory_space<semaphore_mem>>) {add = true}
        %dma_wait3A_55 = arith.constant 0 : i32
        %dma_wait3A_56 = tpu.memref_slice %arg8[%run_scoped3A_47, %dma_wait3A_55] : memref<2x128xi32, #tpu.memory_space<vmem>> -> memref<1x128xi32, #tpu.memory_space<vmem>>
        %dma_wait3A_57 = tpu.memref_squeeze %dma_wait3A_56 : memref<1x128xi32, #tpu.memory_space<vmem>> -> memref<128xi32, #tpu.memory_space<vmem>>
        %dma_wait3A_58 = arith.constant 0 : i32
        %dma_wait3A_59 = arith.constant 0 : i32
        %dma_wait3A_60 = tpu.memref_slice %arg11[%dma_wait3A_58, %dma_wait3A_59] : memref<10240x128xf32, #tpu.memory_space<vmem_shared>> -> memref<10240x128xf32, #tpu.memory_space<vmem_shared>>
        tpu.wait_indirect_dma semaphore(%run_scoped3A_48 : memref<!tpu.dma_semaphore, #tpu.memory_space<semaphore_mem>>) src(%arg10 : memref<128x128xf32, #tpu.memory_space<vmem>>) dst(%dma_wait3A_60 : memref<10240x128xf32, #tpu.memory_space<vmem_shared>>)
        tpu.yield
      }) : () -> ()
    } else {
    }
    %eq3A_5 = arith.constant 1 : i32
    %eq3A_6 = arith.cmpi eq, %arg0, %eq3A_5 : i32
    %convert_element_type3A_7 = arith.extui %eq3A_6 : i1 to i32
    %cond3A_8 = arith.constant 0 : i32
    %cond3A_9 = arith.cmpi ne, %convert_element_type3A_7, %cond3A_8 : i32
    scf.if %cond3A_9 {
      %run_scoped3A = arith.constant 0 : i32
      "tpu.region"() ({
        %run_scoped3A_48 = tpu.sem_alloc : memref<!tpu.dma_semaphore, #tpu.memory_space<semaphore_mem>>
        %dma_start3A_49 = arith.constant 0 : i32
        %dma_start3A_50 = arith.constant 0 : i32
        %dma_start3A_51 = tpu.memref_slice %arg4[%arg1, %run_scoped3A, %dma_start3A_49, %dma_start3A_50] : memref<16x30x2x128xi32, #tpu.memory_space<hbm>> -> memref<1x1x2x128xi32, #tpu.memory_space<hbm>>
        %dma_start3A_52 = tpu.memref_squeeze %dma_start3A_51 : memref<1x1x2x128xi32, #tpu.memory_space<hbm>> -> memref<2x128xi32, #tpu.memory_space<hbm>>
        %dma_start3A_53 = arith.constant 0 : i32
        %dma_start3A_54 = arith.constant 0 : i32
        %dma_start3A_55 = tpu.memref_slice %arg4[%arg1, %run_scoped3A, %dma_start3A_53, %dma_start3A_54] : memref<16x30x2x128xi32, #tpu.memory_space<hbm>> -> memref<1x1x2x128xi32, #tpu.memory_space<hbm>>
        %dma_start3A_56 = tpu.memref_squeeze %dma_start3A_55 : memref<1x1x2x128xi32, #tpu.memory_space<hbm>> -> memref<2x128xi32, #tpu.memory_space<hbm>>
        tpu.enqueue_dma source(%dma_start3A_56 : memref<2x128xi32, #tpu.memory_space<hbm>>) target(%arg7 : memref<2x128xi32, #tpu.memory_space<vmem>>) target_semaphore(%run_scoped3A_48 : memref<!tpu.dma_semaphore, #tpu.memory_space<semaphore_mem>>)
        %dma_wait3A_57 = arith.constant 0 : i32
        %dma_wait3A_58 = arith.constant 0 : i32
        %dma_wait3A_59 = tpu.memref_slice %arg4[%arg1, %run_scoped3A, %dma_wait3A_57, %dma_wait3A_58] : memref<16x30x2x128xi32, #tpu.memory_space<hbm>> -> memref<1x1x2x128xi32, #tpu.memory_space<hbm>>
        %dma_wait3A_60 = tpu.memref_squeeze %dma_wait3A_59 : memref<1x1x2x128xi32, #tpu.memory_space<hbm>> -> memref<2x128xi32, #tpu.memory_space<hbm>>
        %dma_wait3A_61 = arith.constant 0 : i32
        %dma_wait3A_62 = arith.constant 0 : i32
        %dma_wait3A_63 = tpu.memref_slice %arg4[%arg1, %run_scoped3A, %dma_wait3A_61, %dma_wait3A_62] : memref<16x30x2x128xi32, #tpu.memory_space<hbm>> -> memref<1x1x2x128xi32, #tpu.memory_space<hbm>>
        %dma_wait3A_64 = tpu.memref_squeeze %dma_wait3A_63 : memref<1x1x2x128xi32, #tpu.memory_space<hbm>> -> memref<2x128xi32, #tpu.memory_space<hbm>>
        tpu.wait_dma2 semaphore(%run_scoped3A_48 : memref<!tpu.dma_semaphore, #tpu.memory_space<semaphore_mem>>) src(%dma_wait3A_64 : memref<2x128xi32, #tpu.memory_space<hbm>>) dst(%arg7 : memref<2x128xi32, #tpu.memory_space<vmem>>)
        tpu.yield
      }) : () -> ()
      %dma_start3A = arith.constant 0 : i32
      %dma_start3A_15 = arith.constant 0 : i32
      %dma_start3A_16 = tpu.memref_slice %arg7[%dma_start3A, %dma_start3A_15] : memref<2x128xi32, #tpu.memory_space<vmem>> -> memref<1x128xi32, #tpu.memory_space<vmem>>
      %dma_start3A_17 = tpu.memref_squeeze %dma_start3A_16 : memref<1x128xi32, #tpu.memory_space<vmem>> -> memref<128xi32, #tpu.memory_space<vmem>>
      %dma_start3A_18 = arith.constant 0 : i32
      %dma_start3A_19 = arith.constant 0 : i32
      %dma_start3A_20 = tpu.memref_slice %arg2[%dma_start3A_18, %dma_start3A_19] : memref<10240x128xf32, #tpu.memory_space<hbm>> -> memref<10240x128xf32, #tpu.memory_space<hbm>>
      tpu.enqueue_indirect_dma source(%dma_start3A_20 : memref<10240x128xf32, #tpu.memory_space<hbm>>) target(%arg9 : memref<128x128xf32, #tpu.memory_space<vmem>>) offsets(%dma_start3A_17 : memref<128xi32, #tpu.memory_space<vmem>>) semaphore(%arg12 : memref<!tpu.dma_semaphore, #tpu.memory_space<semaphore_mem>>)
      %run_scoped3A_21 = arith.constant 1 : i32
      "tpu.region"() ({
        %run_scoped3A_48 = tpu.sem_alloc : memref<!tpu.dma_semaphore, #tpu.memory_space<semaphore_mem>>
        %dma_start3A_49 = arith.constant 0 : i32
        %dma_start3A_50 = arith.constant 0 : i32
        %dma_start3A_51 = tpu.memref_slice %arg4[%arg1, %run_scoped3A_21, %dma_start3A_49, %dma_start3A_50] : memref<16x30x2x128xi32, #tpu.memory_space<hbm>> -> memref<1x1x2x128xi32, #tpu.memory_space<hbm>>
        %dma_start3A_52 = tpu.memref_squeeze %dma_start3A_51 : memref<1x1x2x128xi32, #tpu.memory_space<hbm>> -> memref<2x128xi32, #tpu.memory_space<hbm>>
        %dma_start3A_53 = arith.constant 0 : i32
        %dma_start3A_54 = arith.constant 0 : i32
        %dma_start3A_55 = tpu.memref_slice %arg4[%arg1, %run_scoped3A_21, %dma_start3A_53, %dma_start3A_54] : memref<16x30x2x128xi32, #tpu.memory_space<hbm>> -> memref<1x1x2x128xi32, #tpu.memory_space<hbm>>
        %dma_start3A_56 = tpu.memref_squeeze %dma_start3A_55 : memref<1x1x2x128xi32, #tpu.memory_space<hbm>> -> memref<2x128xi32, #tpu.memory_space<hbm>>
        tpu.enqueue_dma source(%dma_start3A_56 : memref<2x128xi32, #tpu.memory_space<hbm>>) target(%arg8 : memref<2x128xi32, #tpu.memory_space<vmem>>) target_semaphore(%run_scoped3A_48 : memref<!tpu.dma_semaphore, #tpu.memory_space<semaphore_mem>>)
        %dma_wait3A_57 = arith.constant 0 : i32
        %dma_wait3A_58 = arith.constant 0 : i32
        %dma_wait3A_59 = tpu.memref_slice %arg4[%arg1, %run_scoped3A_21, %dma_wait3A_57, %dma_wait3A_58] : memref<16x30x2x128xi32, #tpu.memory_space<hbm>> -> memref<1x1x2x128xi32, #tpu.memory_space<hbm>>
        %dma_wait3A_60 = tpu.memref_squeeze %dma_wait3A_59 : memref<1x1x2x128xi32, #tpu.memory_space<hbm>> -> memref<2x128xi32, #tpu.memory_space<hbm>>
        %dma_wait3A_61 = arith.constant 0 : i32
        %dma_wait3A_62 = arith.constant 0 : i32
        %dma_wait3A_63 = tpu.memref_slice %arg4[%arg1, %run_scoped3A_21, %dma_wait3A_61, %dma_wait3A_62] : memref<16x30x2x128xi32, #tpu.memory_space<hbm>> -> memref<1x1x2x128xi32, #tpu.memory_space<hbm>>
        %dma_wait3A_64 = tpu.memref_squeeze %dma_wait3A_63 : memref<1x1x2x128xi32, #tpu.memory_space<hbm>> -> memref<2x128xi32, #tpu.memory_space<hbm>>
        tpu.wait_dma2 semaphore(%run_scoped3A_48 : memref<!tpu.dma_semaphore, #tpu.memory_space<semaphore_mem>>) src(%dma_wait3A_64 : memref<2x128xi32, #tpu.memory_space<hbm>>) dst(%arg8 : memref<2x128xi32, #tpu.memory_space<vmem>>)
        tpu.yield
      }) : () -> ()
      %dma_start3A_22 = arith.constant 0 : i32
      %dma_start3A_23 = arith.constant 0 : i32
      %dma_start3A_24 = tpu.memref_slice %arg8[%dma_start3A_22, %dma_start3A_23] : memref<2x128xi32, #tpu.memory_space<vmem>> -> memref<1x128xi32, #tpu.memory_space<vmem>>
      %dma_start3A_25 = tpu.memref_squeeze %dma_start3A_24 : memref<1x128xi32, #tpu.memory_space<vmem>> -> memref<128xi32, #tpu.memory_space<vmem>>
      %dma_start3A_26 = arith.constant 0 : i32
      %dma_start3A_27 = arith.constant 0 : i32
      %dma_start3A_28 = tpu.memref_slice %arg2[%dma_start3A_26, %dma_start3A_27] : memref<10240x128xf32, #tpu.memory_space<hbm>> -> memref<10240x128xf32, #tpu.memory_space<hbm>>
      tpu.enqueue_indirect_dma source(%dma_start3A_28 : memref<10240x128xf32, #tpu.memory_space<hbm>>) target(%arg10 : memref<128x128xf32, #tpu.memory_space<vmem>>) offsets(%dma_start3A_25 : memref<128xi32, #tpu.memory_space<vmem>>) semaphore(%arg13 : memref<!tpu.dma_semaphore, #tpu.memory_space<semaphore_mem>>)
      %scan3A = arith.constant 0 : i32
      %scan3A_29 = arith.constant 14 : i32
      %scan3A_30 = arith.addi %scan3A, %scan3A_29 : i32
      %scan3A_31 = arith.constant 1 : i32
      scf.for %scan3A_48 = %scan3A to %scan3A_30 step %scan3A_31  : i32 {
        %mul3A_49 = arith.constant 2 : i32
        %mul3A_50 = arith.muli %scan3A_48, %mul3A_49 : i32
        %add3A = arith.constant 0 : i32
        %add3A_51 = arith.addi %add3A, %mul3A_50 : i32
        %dma_wait3A_52 = arith.constant 0 : i32
        %dma_wait3A_53 = arith.constant 0 : i32
        %dma_wait3A_54 = tpu.memref_slice %arg7[%dma_wait3A_52, %dma_wait3A_53] : memref<2x128xi32, #tpu.memory_space<vmem>> -> memref<1x128xi32, #tpu.memory_space<vmem>>
        %dma_wait3A_55 = tpu.memref_squeeze %dma_wait3A_54 : memref<1x128xi32, #tpu.memory_space<vmem>> -> memref<128xi32, #tpu.memory_space<vmem>>
        %dma_wait3A_56 = arith.constant 0 : i32
        %dma_wait3A_57 = arith.constant 0 : i32
        %dma_wait3A_58 = tpu.memref_slice %arg2[%dma_wait3A_56, %dma_wait3A_57] : memref<10240x128xf32, #tpu.memory_space<hbm>> -> memref<10240x128xf32, #tpu.memory_space<hbm>>
        tpu.wait_indirect_dma semaphore(%arg12 : memref<!tpu.dma_semaphore, #tpu.memory_space<semaphore_mem>>) src(%dma_wait3A_58 : memref<10240x128xf32, #tpu.memory_space<hbm>>) dst(%arg9 : memref<128x128xf32, #tpu.memory_space<vmem>>)
        %run_scoped3A_59 = arith.constant 1 : i32
        "tpu.region"() ({
          %run_scoped3A_86 = tpu.sem_alloc : memref<!tpu.dma_semaphore, #tpu.memory_space<semaphore_mem>>
          %dma_start3A_87 = arith.constant 0 : i32
          %dma_start3A_88 = tpu.memref_slice %arg7[%run_scoped3A_59, %dma_start3A_87] : memref<2x128xi32, #tpu.memory_space<vmem>> -> memref<1x128xi32, #tpu.memory_space<vmem>>
          %dma_start3A_89 = tpu.memref_squeeze %dma_start3A_88 : memref<1x128xi32, #tpu.memory_space<vmem>> -> memref<128xi32, #tpu.memory_space<vmem>>
          %dma_start3A_90 = arith.constant 0 : i32
          %dma_start3A_91 = arith.constant 0 : i32
          %dma_start3A_92 = tpu.memref_slice %arg11[%dma_start3A_90, %dma_start3A_91] : memref<10240x128xf32, #tpu.memory_space<vmem_shared>> -> memref<10240x128xf32, #tpu.memory_space<vmem_shared>>
          tpu.enqueue_indirect_dma source(%arg9 : memref<128x128xf32, #tpu.memory_space<vmem>>) target(%dma_start3A_92 : memref<10240x128xf32, #tpu.memory_space<vmem_shared>>) offsets(%dma_start3A_89 : memref<128xi32, #tpu.memory_space<vmem>>) semaphore(%run_scoped3A_86 : memref<!tpu.dma_semaphore, #tpu.memory_space<semaphore_mem>>) {add = true}
          %dma_wait3A_93 = arith.constant 0 : i32
          %dma_wait3A_94 = tpu.memref_slice %arg7[%run_scoped3A_59, %dma_wait3A_93] : memref<2x128xi32, #tpu.memory_space<vmem>> -> memref<1x128xi32, #tpu.memory_space<vmem>>
          %dma_wait3A_95 = tpu.memref_squeeze %dma_wait3A_94 : memref<1x128xi32, #tpu.memory_space<vmem>> -> memref<128xi32, #tpu.memory_space<vmem>>
          %dma_wait3A_96 = arith.constant 0 : i32
          %dma_wait3A_97 = arith.constant 0 : i32
          %dma_wait3A_98 = tpu.memref_slice %arg11[%dma_wait3A_96, %dma_wait3A_97] : memref<10240x128xf32, #tpu.memory_space<vmem_shared>> -> memref<10240x128xf32, #tpu.memory_space<vmem_shared>>
          tpu.wait_indirect_dma semaphore(%run_scoped3A_86 : memref<!tpu.dma_semaphore, #tpu.memory_space<semaphore_mem>>) src(%arg9 : memref<128x128xf32, #tpu.memory_space<vmem>>) dst(%dma_wait3A_98 : memref<10240x128xf32, #tpu.memory_space<vmem_shared>>)
          tpu.yield
        }) : () -> ()
        %add3A_60 = arith.constant 2 : i32
        %add3A_61 = arith.addi %add3A_51, %add3A_60 : i32
        "tpu.region"() ({
          %run_scoped3A_86 = tpu.sem_alloc : memref<!tpu.dma_semaphore, #tpu.memory_space<semaphore_mem>>
          %dma_start3A_87 = arith.constant 0 : i32
          %dma_start3A_88 = arith.constant 0 : i32
          %dma_start3A_89 = tpu.memref_slice %arg4[%arg1, %add3A_61, %dma_start3A_87, %dma_start3A_88] : memref<16x30x2x128xi32, #tpu.memory_space<hbm>> -> memref<1x1x2x128xi32, #tpu.memory_space<hbm>>
          %dma_start3A_90 = tpu.memref_squeeze %dma_start3A_89 : memref<1x1x2x128xi32, #tpu.memory_space<hbm>> -> memref<2x128xi32, #tpu.memory_space<hbm>>
          %dma_start3A_91 = arith.constant 0 : i32
          %dma_start3A_92 = arith.constant 0 : i32
          %dma_start3A_93 = tpu.memref_slice %arg4[%arg1, %add3A_61, %dma_start3A_91, %dma_start3A_92] : memref<16x30x2x128xi32, #tpu.memory_space<hbm>> -> memref<1x1x2x128xi32, #tpu.memory_space<hbm>>
          %dma_start3A_94 = tpu.memref_squeeze %dma_start3A_93 : memref<1x1x2x128xi32, #tpu.memory_space<hbm>> -> memref<2x128xi32, #tpu.memory_space<hbm>>
          tpu.enqueue_dma source(%dma_start3A_94 : memref<2x128xi32, #tpu.memory_space<hbm>>) target(%arg7 : memref<2x128xi32, #tpu.memory_space<vmem>>) target_semaphore(%run_scoped3A_86 : memref<!tpu.dma_semaphore, #tpu.memory_space<semaphore_mem>>)
          %dma_wait3A_95 = arith.constant 0 : i32
          %dma_wait3A_96 = arith.constant 0 : i32
          %dma_wait3A_97 = tpu.memref_slice %arg4[%arg1, %add3A_61, %dma_wait3A_95, %dma_wait3A_96] : memref<16x30x2x128xi32, #tpu.memory_space<hbm>> -> memref<1x1x2x128xi32, #tpu.memory_space<hbm>>
          %dma_wait3A_98 = tpu.memref_squeeze %dma_wait3A_97 : memref<1x1x2x128xi32, #tpu.memory_space<hbm>> -> memref<2x128xi32, #tpu.memory_space<hbm>>
          %dma_wait3A_99 = arith.constant 0 : i32
          %dma_wait3A_100 = arith.constant 0 : i32
          %dma_wait3A_101 = tpu.memref_slice %arg4[%arg1, %add3A_61, %dma_wait3A_99, %dma_wait3A_100] : memref<16x30x2x128xi32, #tpu.memory_space<hbm>> -> memref<1x1x2x128xi32, #tpu.memory_space<hbm>>
          %dma_wait3A_102 = tpu.memref_squeeze %dma_wait3A_101 : memref<1x1x2x128xi32, #tpu.memory_space<hbm>> -> memref<2x128xi32, #tpu.memory_space<hbm>>
          tpu.wait_dma2 semaphore(%run_scoped3A_86 : memref<!tpu.dma_semaphore, #tpu.memory_space<semaphore_mem>>) src(%dma_wait3A_102 : memref<2x128xi32, #tpu.memory_space<hbm>>) dst(%arg7 : memref<2x128xi32, #tpu.memory_space<vmem>>)
          tpu.yield
        }) : () -> ()
        %dma_start3A_62 = arith.constant 0 : i32
        %dma_start3A_63 = arith.constant 0 : i32
        %dma_start3A_64 = tpu.memref_slice %arg7[%dma_start3A_62, %dma_start3A_63] : memref<2x128xi32, #tpu.memory_space<vmem>> -> memref<1x128xi32, #tpu.memory_space<vmem>>
        %dma_start3A_65 = tpu.memref_squeeze %dma_start3A_64 : memref<1x128xi32, #tpu.memory_space<vmem>> -> memref<128xi32, #tpu.memory_space<vmem>>
        %dma_start3A_66 = arith.constant 0 : i32
        %dma_start3A_67 = arith.constant 0 : i32
        %dma_start3A_68 = tpu.memref_slice %arg2[%dma_start3A_66, %dma_start3A_67] : memref<10240x128xf32, #tpu.memory_space<hbm>> -> memref<10240x128xf32, #tpu.memory_space<hbm>>
        tpu.enqueue_indirect_dma source(%dma_start3A_68 : memref<10240x128xf32, #tpu.memory_space<hbm>>) target(%arg9 : memref<128x128xf32, #tpu.memory_space<vmem>>) offsets(%dma_start3A_65 : memref<128xi32, #tpu.memory_space<vmem>>) semaphore(%arg12 : memref<!tpu.dma_semaphore, #tpu.memory_space<semaphore_mem>>)
        %dma_wait3A_69 = arith.constant 0 : i32
        %dma_wait3A_70 = arith.constant 0 : i32
        %dma_wait3A_71 = tpu.memref_slice %arg8[%dma_wait3A_69, %dma_wait3A_70] : memref<2x128xi32, #tpu.memory_space<vmem>> -> memref<1x128xi32, #tpu.memory_space<vmem>>
        %dma_wait3A_72 = tpu.memref_squeeze %dma_wait3A_71 : memref<1x128xi32, #tpu.memory_space<vmem>> -> memref<128xi32, #tpu.memory_space<vmem>>
        %dma_wait3A_73 = arith.constant 0 : i32
        %dma_wait3A_74 = arith.constant 0 : i32
        %dma_wait3A_75 = tpu.memref_slice %arg2[%dma_wait3A_73, %dma_wait3A_74] : memref<10240x128xf32, #tpu.memory_space<hbm>> -> memref<10240x128xf32, #tpu.memory_space<hbm>>
        tpu.wait_indirect_dma semaphore(%arg13 : memref<!tpu.dma_semaphore, #tpu.memory_space<semaphore_mem>>) src(%dma_wait3A_75 : memref<10240x128xf32, #tpu.memory_space<hbm>>) dst(%arg10 : memref<128x128xf32, #tpu.memory_space<vmem>>)
        %run_scoped3A_76 = arith.constant 1 : i32
        "tpu.region"() ({
          %run_scoped3A_86 = tpu.sem_alloc : memref<!tpu.dma_semaphore, #tpu.memory_space<semaphore_mem>>
          %dma_start3A_87 = arith.constant 0 : i32
          %dma_start3A_88 = tpu.memref_slice %arg8[%run_scoped3A_76, %dma_start3A_87] : memref<2x128xi32, #tpu.memory_space<vmem>> -> memref<1x128xi32, #tpu.memory_space<vmem>>
          %dma_start3A_89 = tpu.memref_squeeze %dma_start3A_88 : memref<1x128xi32, #tpu.memory_space<vmem>> -> memref<128xi32, #tpu.memory_space<vmem>>
          %dma_start3A_90 = arith.constant 0 : i32
          %dma_start3A_91 = arith.constant 0 : i32
          %dma_start3A_92 = tpu.memref_slice %arg11[%dma_start3A_90, %dma_start3A_91] : memref<10240x128xf32, #tpu.memory_space<vmem_shared>> -> memref<10240x128xf32, #tpu.memory_space<vmem_shared>>
          tpu.enqueue_indirect_dma source(%arg10 : memref<128x128xf32, #tpu.memory_space<vmem>>) target(%dma_start3A_92 : memref<10240x128xf32, #tpu.memory_space<vmem_shared>>) offsets(%dma_start3A_89 : memref<128xi32, #tpu.memory_space<vmem>>) semaphore(%run_scoped3A_86 : memref<!tpu.dma_semaphore, #tpu.memory_space<semaphore_mem>>) {add = true}
          %dma_wait3A_93 = arith.constant 0 : i32
          %dma_wait3A_94 = tpu.memref_slice %arg8[%run_scoped3A_76, %dma_wait3A_93] : memref<2x128xi32, #tpu.memory_space<vmem>> -> memref<1x128xi32, #tpu.memory_space<vmem>>
          %dma_wait3A_95 = tpu.memref_squeeze %dma_wait3A_94 : memref<1x128xi32, #tpu.memory_space<vmem>> -> memref<128xi32, #tpu.memory_space<vmem>>
          %dma_wait3A_96 = arith.constant 0 : i32
          %dma_wait3A_97 = arith.constant 0 : i32
          %dma_wait3A_98 = tpu.memref_slice %arg11[%dma_wait3A_96, %dma_wait3A_97] : memref<10240x128xf32, #tpu.memory_space<vmem_shared>> -> memref<10240x128xf32, #tpu.memory_space<vmem_shared>>
          tpu.wait_indirect_dma semaphore(%run_scoped3A_86 : memref<!tpu.dma_semaphore, #tpu.memory_space<semaphore_mem>>) src(%arg10 : memref<128x128xf32, #tpu.memory_space<vmem>>) dst(%dma_wait3A_98 : memref<10240x128xf32, #tpu.memory_space<vmem_shared>>)
          tpu.yield
        }) : () -> ()
        %add3A_77 = arith.constant 3 : i32
        %add3A_78 = arith.addi %add3A_51, %add3A_77 : i32
        "tpu.region"() ({
          %run_scoped3A_86 = tpu.sem_alloc : memref<!tpu.dma_semaphore, #tpu.memory_space<semaphore_mem>>
          %dma_start3A_87 = arith.constant 0 : i32
          %dma_start3A_88 = arith.constant 0 : i32
          %dma_start3A_89 = tpu.memref_slice %arg4[%arg1, %add3A_78, %dma_start3A_87, %dma_start3A_88] : memref<16x30x2x128xi32, #tpu.memory_space<hbm>> -> memref<1x1x2x128xi32, #tpu.memory_space<hbm>>
          %dma_start3A_90 = tpu.memref_squeeze %dma_start3A_89 : memref<1x1x2x128xi32, #tpu.memory_space<hbm>> -> memref<2x128xi32, #tpu.memory_space<hbm>>
          %dma_start3A_91 = arith.constant 0 : i32
          %dma_start3A_92 = arith.constant 0 : i32
          %dma_start3A_93 = tpu.memref_slice %arg4[%arg1, %add3A_78, %dma_start3A_91, %dma_start3A_92] : memref<16x30x2x128xi32, #tpu.memory_space<hbm>> -> memref<1x1x2x128xi32, #tpu.memory_space<hbm>>
          %dma_start3A_94 = tpu.memref_squeeze %dma_start3A_93 : memref<1x1x2x128xi32, #tpu.memory_space<hbm>> -> memref<2x128xi32, #tpu.memory_space<hbm>>
          tpu.enqueue_dma source(%dma_start3A_94 : memref<2x128xi32, #tpu.memory_space<hbm>>) target(%arg8 : memref<2x128xi32, #tpu.memory_space<vmem>>) target_semaphore(%run_scoped3A_86 : memref<!tpu.dma_semaphore, #tpu.memory_space<semaphore_mem>>)
          %dma_wait3A_95 = arith.constant 0 : i32
          %dma_wait3A_96 = arith.constant 0 : i32
          %dma_wait3A_97 = tpu.memref_slice %arg4[%arg1, %add3A_78, %dma_wait3A_95, %dma_wait3A_96] : memref<16x30x2x128xi32, #tpu.memory_space<hbm>> -> memref<1x1x2x128xi32, #tpu.memory_space<hbm>>
          %dma_wait3A_98 = tpu.memref_squeeze %dma_wait3A_97 : memref<1x1x2x128xi32, #tpu.memory_space<hbm>> -> memref<2x128xi32, #tpu.memory_space<hbm>>
          %dma_wait3A_99 = arith.constant 0 : i32
          %dma_wait3A_100 = arith.constant 0 : i32
          %dma_wait3A_101 = tpu.memref_slice %arg4[%arg1, %add3A_78, %dma_wait3A_99, %dma_wait3A_100] : memref<16x30x2x128xi32, #tpu.memory_space<hbm>> -> memref<1x1x2x128xi32, #tpu.memory_space<hbm>>
          %dma_wait3A_102 = tpu.memref_squeeze %dma_wait3A_101 : memref<1x1x2x128xi32, #tpu.memory_space<hbm>> -> memref<2x128xi32, #tpu.memory_space<hbm>>
          tpu.wait_dma2 semaphore(%run_scoped3A_86 : memref<!tpu.dma_semaphore, #tpu.memory_space<semaphore_mem>>) src(%dma_wait3A_102 : memref<2x128xi32, #tpu.memory_space<hbm>>) dst(%arg8 : memref<2x128xi32, #tpu.memory_space<vmem>>)
          tpu.yield
        }) : () -> ()
        %dma_start3A_79 = arith.constant 0 : i32
        %dma_start3A_80 = arith.constant 0 : i32
        %dma_start3A_81 = tpu.memref_slice %arg8[%dma_start3A_79, %dma_start3A_80] : memref<2x128xi32, #tpu.memory_space<vmem>> -> memref<1x128xi32, #tpu.memory_space<vmem>>
        %dma_start3A_82 = tpu.memref_squeeze %dma_start3A_81 : memref<1x128xi32, #tpu.memory_space<vmem>> -> memref<128xi32, #tpu.memory_space<vmem>>
        %dma_start3A_83 = arith.constant 0 : i32
        %dma_start3A_84 = arith.constant 0 : i32
        %dma_start3A_85 = tpu.memref_slice %arg2[%dma_start3A_83, %dma_start3A_84] : memref<10240x128xf32, #tpu.memory_space<hbm>> -> memref<10240x128xf32, #tpu.memory_space<hbm>>
        tpu.enqueue_indirect_dma source(%dma_start3A_85 : memref<10240x128xf32, #tpu.memory_space<hbm>>) target(%arg10 : memref<128x128xf32, #tpu.memory_space<vmem>>) offsets(%dma_start3A_82 : memref<128xi32, #tpu.memory_space<vmem>>) semaphore(%arg13 : memref<!tpu.dma_semaphore, #tpu.memory_space<semaphore_mem>>)
      }
      %scan3A_32 = arith.constant 14 : i32
      %dma_wait3A = arith.constant 0 : i32
      %dma_wait3A_33 = arith.constant 0 : i32
      %dma_wait3A_34 = tpu.memref_slice %arg7[%dma_wait3A, %dma_wait3A_33] : memref<2x128xi32, #tpu.memory_space<vmem>> -> memref<1x128xi32, #tpu.memory_space<vmem>>
      %dma_wait3A_35 = tpu.memref_squeeze %dma_wait3A_34 : memref<1x128xi32, #tpu.memory_space<vmem>> -> memref<128xi32, #tpu.memory_space<vmem>>
      %dma_wait3A_36 = arith.constant 0 : i32
      %dma_wait3A_37 = arith.constant 0 : i32
      %dma_wait3A_38 = tpu.memref_slice %arg2[%dma_wait3A_36, %dma_wait3A_37] : memref<10240x128xf32, #tpu.memory_space<hbm>> -> memref<10240x128xf32, #tpu.memory_space<hbm>>
      tpu.wait_indirect_dma semaphore(%arg12 : memref<!tpu.dma_semaphore, #tpu.memory_space<semaphore_mem>>) src(%dma_wait3A_38 : memref<10240x128xf32, #tpu.memory_space<hbm>>) dst(%arg9 : memref<128x128xf32, #tpu.memory_space<vmem>>)
      %run_scoped3A_39 = arith.constant 1 : i32
      "tpu.region"() ({
        %run_scoped3A_48 = tpu.sem_alloc : memref<!tpu.dma_semaphore, #tpu.memory_space<semaphore_mem>>
        %dma_start3A_49 = arith.constant 0 : i32
        %dma_start3A_50 = tpu.memref_slice %arg7[%run_scoped3A_39, %dma_start3A_49] : memref<2x128xi32, #tpu.memory_space<vmem>> -> memref<1x128xi32, #tpu.memory_space<vmem>>
        %dma_start3A_51 = tpu.memref_squeeze %dma_start3A_50 : memref<1x128xi32, #tpu.memory_space<vmem>> -> memref<128xi32, #tpu.memory_space<vmem>>
        %dma_start3A_52 = arith.constant 0 : i32
        %dma_start3A_53 = arith.constant 0 : i32
        %dma_start3A_54 = tpu.memref_slice %arg11[%dma_start3A_52, %dma_start3A_53] : memref<10240x128xf32, #tpu.memory_space<vmem_shared>> -> memref<10240x128xf32, #tpu.memory_space<vmem_shared>>
        tpu.enqueue_indirect_dma source(%arg9 : memref<128x128xf32, #tpu.memory_space<vmem>>) target(%dma_start3A_54 : memref<10240x128xf32, #tpu.memory_space<vmem_shared>>) offsets(%dma_start3A_51 : memref<128xi32, #tpu.memory_space<vmem>>) semaphore(%run_scoped3A_48 : memref<!tpu.dma_semaphore, #tpu.memory_space<semaphore_mem>>) {add = true}
        %dma_wait3A_55 = arith.constant 0 : i32
        %dma_wait3A_56 = tpu.memref_slice %arg7[%run_scoped3A_39, %dma_wait3A_55] : memref<2x128xi32, #tpu.memory_space<vmem>> -> memref<1x128xi32, #tpu.memory_space<vmem>>
        %dma_wait3A_57 = tpu.memref_squeeze %dma_wait3A_56 : memref<1x128xi32, #tpu.memory_space<vmem>> -> memref<128xi32, #tpu.memory_space<vmem>>
        %dma_wait3A_58 = arith.constant 0 : i32
        %dma_wait3A_59 = arith.constant 0 : i32
        %dma_wait3A_60 = tpu.memref_slice %arg11[%dma_wait3A_58, %dma_wait3A_59] : memref<10240x128xf32, #tpu.memory_space<vmem_shared>> -> memref<10240x128xf32, #tpu.memory_space<vmem_shared>>
        tpu.wait_indirect_dma semaphore(%run_scoped3A_48 : memref<!tpu.dma_semaphore, #tpu.memory_space<semaphore_mem>>) src(%arg9 : memref<128x128xf32, #tpu.memory_space<vmem>>) dst(%dma_wait3A_60 : memref<10240x128xf32, #tpu.memory_space<vmem_shared>>)
        tpu.yield
      }) : () -> ()
      %dma_wait3A_40 = arith.constant 0 : i32
      %dma_wait3A_41 = arith.constant 0 : i32
      %dma_wait3A_42 = tpu.memref_slice %arg8[%dma_wait3A_40, %dma_wait3A_41] : memref<2x128xi32, #tpu.memory_space<vmem>> -> memref<1x128xi32, #tpu.memory_space<vmem>>
      %dma_wait3A_43 = tpu.memref_squeeze %dma_wait3A_42 : memref<1x128xi32, #tpu.memory_space<vmem>> -> memref<128xi32, #tpu.memory_space<vmem>>
      %dma_wait3A_44 = arith.constant 0 : i32
      %dma_wait3A_45 = arith.constant 0 : i32
      %dma_wait3A_46 = tpu.memref_slice %arg2[%dma_wait3A_44, %dma_wait3A_45] : memref<10240x128xf32, #tpu.memory_space<hbm>> -> memref<10240x128xf32, #tpu.memory_space<hbm>>
      tpu.wait_indirect_dma semaphore(%arg13 : memref<!tpu.dma_semaphore, #tpu.memory_space<semaphore_mem>>) src(%dma_wait3A_46 : memref<10240x128xf32, #tpu.memory_space<hbm>>) dst(%arg10 : memref<128x128xf32, #tpu.memory_space<vmem>>)
      %run_scoped3A_47 = arith.constant 1 : i32
      "tpu.region"() ({
        %run_scoped3A_48 = tpu.sem_alloc : memref<!tpu.dma_semaphore, #tpu.memory_space<semaphore_mem>>
        %dma_start3A_49 = arith.constant 0 : i32
        %dma_start3A_50 = tpu.memref_slice %arg8[%run_scoped3A_47, %dma_start3A_49] : memref<2x128xi32, #tpu.memory_space<vmem>> -> memref<1x128xi32, #tpu.memory_space<vmem>>
        %dma_start3A_51 = tpu.memref_squeeze %dma_start3A_50 : memref<1x128xi32, #tpu.memory_space<vmem>> -> memref<128xi32, #tpu.memory_space<vmem>>
        %dma_start3A_52 = arith.constant 0 : i32
        %dma_start3A_53 = arith.constant 0 : i32
        %dma_start3A_54 = tpu.memref_slice %arg11[%dma_start3A_52, %dma_start3A_53] : memref<10240x128xf32, #tpu.memory_space<vmem_shared>> -> memref<10240x128xf32, #tpu.memory_space<vmem_shared>>
        tpu.enqueue_indirect_dma source(%arg10 : memref<128x128xf32, #tpu.memory_space<vmem>>) target(%dma_start3A_54 : memref<10240x128xf32, #tpu.memory_space<vmem_shared>>) offsets(%dma_start3A_51 : memref<128xi32, #tpu.memory_space<vmem>>) semaphore(%run_scoped3A_48 : memref<!tpu.dma_semaphore, #tpu.memory_space<semaphore_mem>>) {add = true}
        %dma_wait3A_55 = arith.constant 0 : i32
        %dma_wait3A_56 = tpu.memref_slice %arg8[%run_scoped3A_47, %dma_wait3A_55] : memref<2x128xi32, #tpu.memory_space<vmem>> -> memref<1x128xi32, #tpu.memory_space<vmem>>
        %dma_wait3A_57 = tpu.memref_squeeze %dma_wait3A_56 : memref<1x128xi32, #tpu.memory_space<vmem>> -> memref<128xi32, #tpu.memory_space<vmem>>
        %dma_wait3A_58 = arith.constant 0 : i32
        %dma_wait3A_59 = arith.constant 0 : i32
        %dma_wait3A_60 = tpu.memref_slice %arg11[%dma_wait3A_58, %dma_wait3A_59] : memref<10240x128xf32, #tpu.memory_space<vmem_shared>> -> memref<10240x128xf32, #tpu.memory_space<vmem_shared>>
        tpu.wait_indirect_dma semaphore(%run_scoped3A_48 : memref<!tpu.dma_semaphore, #tpu.memory_space<semaphore_mem>>) src(%arg10 : memref<128x128xf32, #tpu.memory_space<vmem>>) dst(%dma_wait3A_60 : memref<10240x128xf32, #tpu.memory_space<vmem_shared>>)
        tpu.yield
      }) : () -> ()
    } else {
    }
    %barrier3A_10 = arith.constant 0 : index
    tpu.barrier barrier_id(%barrier3A_10)
    %mul3A_11 = arith.constant 640 : i32
    %mul3A_12 = arith.muli %arg1, %mul3A_11 : i32
    %mul3A_13 = arith.constant 640 : i32
    %mul3A_14 = arith.muli %arg1, %mul3A_13 : i32
    "tpu.region"() ({
      %run_scoped3A = tpu.sem_alloc : memref<!tpu.dma_semaphore, #tpu.memory_space<semaphore_mem>>
      %dma_start3A = arith.constant 0 : i32
      %dma_start3A_15 = tpu.memref_slice %arg6[%arg0, %mul3A_14, %dma_start3A] : memref<2x10240x128xf32, #tpu.memory_space<hbm>> -> memref<1x640x128xf32, #tpu.memory_space<hbm>>
      %dma_start3A_16 = tpu.memref_squeeze %dma_start3A_15 : memref<1x640x128xf32, #tpu.memory_space<hbm>> -> memref<640x128xf32, #tpu.memory_space<hbm>>
      %dma_start3A_17 = arith.constant 0 : i32
      %dma_start3A_18 = tpu.memref_slice %arg11[%mul3A_12, %dma_start3A_17] : memref<10240x128xf32, #tpu.memory_space<vmem_shared>> -> memref<640x128xf32, #tpu.memory_space<vmem_shared>>
      tpu.enqueue_dma source(%dma_start3A_18 : memref<640x128xf32, #tpu.memory_space<vmem_shared>>) target(%dma_start3A_16 : memref<640x128xf32, #tpu.memory_space<hbm>>) target_semaphore(%run_scoped3A : memref<!tpu.dma_semaphore, #tpu.memory_space<semaphore_mem>>)
      %dma_wait3A = arith.constant 0 : i32
      %dma_wait3A_19 = tpu.memref_slice %arg6[%arg0, %mul3A_14, %dma_wait3A] : memref<2x10240x128xf32, #tpu.memory_space<hbm>> -> memref<1x640x128xf32, #tpu.memory_space<hbm>>
      %dma_wait3A_20 = tpu.memref_squeeze %dma_wait3A_19 : memref<1x640x128xf32, #tpu.memory_space<hbm>> -> memref<640x128xf32, #tpu.memory_space<hbm>>
      %dma_wait3A_21 = arith.constant 0 : i32
      %dma_wait3A_22 = tpu.memref_slice %arg11[%mul3A_12, %dma_wait3A_21] : memref<10240x128xf32, #tpu.memory_space<vmem_shared>> -> memref<640x128xf32, #tpu.memory_space<vmem_shared>>
      tpu.wait_dma2 semaphore(%run_scoped3A : memref<!tpu.dma_semaphore, #tpu.memory_space<semaphore_mem>>) src(%dma_wait3A_22 : memref<640x128xf32, #tpu.memory_space<vmem_shared>>) dst(%dma_wait3A_20 : memref<640x128xf32, #tpu.memory_space<hbm>>)
      tpu.yield
    }) : () -> ()
    return
  }
}

#map = affine_map<(d0, d1) -> (0, 0)>
#map1 = affine_map<(d0, d1) -> (0, 0, 0, 0)>
#map2 = affine_map<(d0, d1) -> (0, 0, 0)>
module attributes {stable_mosaic.version = 14 : i64} {
  func.func @k(%arg0: i32, %arg1: i32, %arg2: memref<10240x128xf32, #tpu.memory_space<hbm>>, %arg3: memref<16x130x2x128xi32, #tpu.memory_space<hbm>>, %arg4: memref<16x30x2x128xi32, #tpu.memory_space<hbm>>, %arg5: memref<10240x128xf32, #tpu.memory_space<hbm>>, %arg6: memref<2x10240x128xf32, #tpu.memory_space<hbm>>, %arg7: memref<2x128xi32, #tpu.memory_space<vmem>>, %arg8: memref<2x128xi32, #tpu.memory_space<vmem>>, %arg9: memref<128x128xf32, #tpu.memory_space<vmem>>, %arg10: memref<128x128xf32, #tpu.memory_space<vmem>>, %arg11: memref<10240x128xf32, #tpu.memory_space<vmem_shared>>, %arg12: memref<!tpu.dma_semaphore, #tpu.memory_space<semaphore_mem>>, %arg13: memref<!tpu.dma_semaphore, #tpu.memory_space<semaphore_mem>>) attributes {dimension_semantics = [#tpu.dimension_semantics<core_parallel>, #tpu.dimension_semantics<subcore_parallel>], iteration_bounds = array<i64: 2, 16>, scalar_prefetch = 0 : i64, scratch_operands = 7 : i64, tpu.core_type = #tpu.core_type<sc_vector_subcore>, window_params = [{transform_indices = #map}, {transform_indices = #map1}, {transform_indices = #map1}, {transform_indices = #map}, {transform_indices = #map2}]} {
    %mul3A = arith.constant 640 : i32
    %mul3A_0 = arith.muli %arg1, %mul3A : i32
    %mul3A_1 = arith.constant 640 : i32
    %mul3A_2 = arith.muli %arg1, %mul3A_1 : i32
    "tpu.region"() ({
      %run_scoped3A = tpu.sem_alloc : memref<!tpu.dma_semaphore, #tpu.memory_space<semaphore_mem>>
      %dma_start3A = arith.constant 0 : i32
      %dma_start3A_15 = tpu.memref_slice %arg11[%mul3A_2, %dma_start3A] : memref<10240x128xf32, #tpu.memory_space<vmem_shared>> -> memref<640x128xf32, #tpu.memory_space<vmem_shared>>
      %dma_start3A_16 = arith.constant 0 : i32
      %dma_start3A_17 = tpu.memref_slice %arg5[%mul3A_0, %dma_start3A_16] : memref<10240x128xf32, #tpu.memory_space<hbm>> -> memref<640x128xf32, #tpu.memory_space<hbm>>
      tpu.enqueue_dma source(%dma_start3A_17 : memref<640x128xf32, #tpu.memory_space<hbm>>) target(%dma_start3A_15 : memref<640x128xf32, #tpu.memory_space<vmem_shared>>) target_semaphore(%run_scoped3A : memref<!tpu.dma_semaphore, #tpu.memory_space<semaphore_mem>>)
      %dma_wait3A = arith.constant 0 : i32
      %dma_wait3A_18 = tpu.memref_slice %arg11[%mul3A_2, %dma_wait3A] : memref<10240x128xf32, #tpu.memory_space<vmem_shared>> -> memref<640x128xf32, #tpu.memory_space<vmem_shared>>
      %dma_wait3A_19 = arith.constant 0 : i32
      %dma_wait3A_20 = tpu.memref_slice %arg5[%mul3A_0, %dma_wait3A_19] : memref<10240x128xf32, #tpu.memory_space<hbm>> -> memref<640x128xf32, #tpu.memory_space<hbm>>
      tpu.wait_dma2 semaphore(%run_scoped3A : memref<!tpu.dma_semaphore, #tpu.memory_space<semaphore_mem>>) src(%dma_wait3A_20 : memref<640x128xf32, #tpu.memory_space<hbm>>) dst(%dma_wait3A_18 : memref<640x128xf32, #tpu.memory_space<vmem_shared>>)
      tpu.yield
    }) : () -> ()
    %barrier3A = arith.constant 0 : index
    tpu.barrier barrier_id(%barrier3A)
    %eq3A = arith.constant 0 : i32
    %eq3A_3 = arith.cmpi eq, %arg0, %eq3A : i32
    %convert_element_type3A = arith.extui %eq3A_3 : i1 to i32
    %cond3A = arith.constant 0 : i32
    %cond3A_4 = arith.cmpi ne, %convert_element_type3A, %cond3A : i32
    scf.if %cond3A_4 {
      %run_scoped3A = arith.constant 0 : i32
      "tpu.region"() ({
        %run_scoped3A_48 = tpu.sem_alloc : memref<!tpu.dma_semaphore, #tpu.memory_space<semaphore_mem>>
        %dma_start3A_49 = arith.constant 0 : i32
        %dma_start3A_50 = arith.constant 0 : i32
        %dma_start3A_51 = tpu.memref_slice %arg3[%arg1, %run_scoped3A, %dma_start3A_49, %dma_start3A_50] : memref<16x130x2x128xi32, #tpu.memory_space<hbm>> -> memref<1x1x2x128xi32, #tpu.memory_space<hbm>>
        %dma_start3A_52 = tpu.memref_squeeze %dma_start3A_51 : memref<1x1x2x128xi32, #tpu.memory_space<hbm>> -> memref<2x128xi32, #tpu.memory_space<hbm>>
        %dma_start3A_53 = arith.constant 0 : i32
        %dma_start3A_54 = arith.constant 0 : i32
        %dma_start3A_55 = tpu.memref_slice %arg3[%arg1, %run_scoped3A, %dma_start3A_53, %dma_start3A_54] : memref<16x130x2x128xi32, #tpu.memory_space<hbm>> -> memref<1x1x2x128xi32, #tpu.memory_space<hbm>>
        %dma_start3A_56 = tpu.memref_squeeze %dma_start3A_55 : memref<1x1x2x128xi32, #tpu.memory_space<hbm>> -> memref<2x128xi32, #tpu.memory_space<hbm>>
        tpu.enqueue_dma source(%dma_start3A_56 : memref<2x128xi32, #tpu.memory_space<hbm>>) target(%arg7 : memref<2x128xi32, #tpu.memory_space<vmem>>) target_semaphore(%run_scoped3A_48 : memref<!tpu.dma_semaphore, #tpu.memory_space<semaphore_mem>>)
        %dma_wait3A_57 = arith.constant 0 : i32
        %dma_wait3A_58 = arith.constant 0 : i32
        %dma_wait3A_59 = tpu.memref_slice %arg3[%arg1, %run_scoped3A, %dma_wait3A_57, %dma_wait3A_58] : memref<16x130x2x128xi32, #tpu.memory_space<hbm>> -> memref<1x1x2x128xi32, #tpu.memory_space<hbm>>
        %dma_wait3A_60 = tpu.memref_squeeze %dma_wait3A_59 : memref<1x1x2x128xi32, #tpu.memory_space<hbm>> -> memref<2x128xi32, #tpu.memory_space<hbm>>
        %dma_wait3A_61 = arith.constant 0 : i32
        %dma_wait3A_62 = arith.constant 0 : i32
        %dma_wait3A_63 = tpu.memref_slice %arg3[%arg1, %run_scoped3A, %dma_wait3A_61, %dma_wait3A_62] : memref<16x130x2x128xi32, #tpu.memory_space<hbm>> -> memref<1x1x2x128xi32, #tpu.memory_space<hbm>>
        %dma_wait3A_64 = tpu.memref_squeeze %dma_wait3A_63 : memref<1x1x2x128xi32, #tpu.memory_space<hbm>> -> memref<2x128xi32, #tpu.memory_space<hbm>>
        tpu.wait_dma2 semaphore(%run_scoped3A_48 : memref<!tpu.dma_semaphore, #tpu.memory_space<semaphore_mem>>) src(%dma_wait3A_64 : memref<2x128xi32, #tpu.memory_space<hbm>>) dst(%arg7 : memref<2x128xi32, #tpu.memory_space<vmem>>)
        tpu.yield
      }) : () -> ()
      %dma_start3A = arith.constant 0 : i32
      %dma_start3A_15 = arith.constant 0 : i32
      %dma_start3A_16 = tpu.memref_slice %arg7[%dma_start3A, %dma_start3A_15] : memref<2x128xi32, #tpu.memory_space<vmem>> -> memref<1x128xi32, #tpu.memory_space<vmem>>
      %dma_start3A_17 = tpu.memref_squeeze %dma_start3A_16 : memref<1x128xi32, #tpu.memory_space<vmem>> -> memref<128xi32, #tpu.memory_space<vmem>>
      %dma_start3A_18 = arith.constant 0 : i32
      %dma_start3A_19 = arith.constant 0 : i32
      %dma_start3A_20 = tpu.memref_slice %arg2[%dma_start3A_18, %dma_start3A_19] : memref<10240x128xf32, #tpu.memory_space<hbm>> -> memref<10240x128xf32, #tpu.memory_space<hbm>>
      tpu.enqueue_indirect_dma source(%dma_start3A_20 : memref<10240x128xf32, #tpu.memory_space<hbm>>) target(%arg9 : memref<128x128xf32, #tpu.memory_space<vmem>>) offsets(%dma_start3A_17 : memref<128xi32, #tpu.memory_space<vmem>>) semaphore(%arg12 : memref<!tpu.dma_semaphore, #tpu.memory_space<semaphore_mem>>)
      %run_scoped3A_21 = arith.constant 1 : i32
      "tpu.region"() ({
        %run_scoped3A_48 = tpu.sem_alloc : memref<!tpu.dma_semaphore, #tpu.memory_space<semaphore_mem>>
        %dma_start3A_49 = arith.constant 0 : i32
        %dma_start3A_50 = arith.constant 0 : i32
        %dma_start3A_51 = tpu.memref_slice %arg3[%arg1, %run_scoped3A_21, %dma_start3A_49, %dma_start3A_50] : memref<16x130x2x128xi32, #tpu.memory_space<hbm>> -> memref<1x1x2x128xi32, #tpu.memory_space<hbm>>
        %dma_start3A_52 = tpu.memref_squeeze %dma_start3A_51 : memref<1x1x2x128xi32, #tpu.memory_space<hbm>> -> memref<2x128xi32, #tpu.memory_space<hbm>>
        %dma_start3A_53 = arith.constant 0 : i32
        %dma_start3A_54 = arith.constant 0 : i32
        %dma_start3A_55 = tpu.memref_slice %arg3[%arg1, %run_scoped3A_21, %dma_start3A_53, %dma_start3A_54] : memref<16x130x2x128xi32, #tpu.memory_space<hbm>> -> memref<1x1x2x128xi32, #tpu.memory_space<hbm>>
        %dma_start3A_56 = tpu.memref_squeeze %dma_start3A_55 : memref<1x1x2x128xi32, #tpu.memory_space<hbm>> -> memref<2x128xi32, #tpu.memory_space<hbm>>
        tpu.enqueue_dma source(%dma_start3A_56 : memref<2x128xi32, #tpu.memory_space<hbm>>) target(%arg8 : memref<2x128xi32, #tpu.memory_space<vmem>>) target_semaphore(%run_scoped3A_48 : memref<!tpu.dma_semaphore, #tpu.memory_space<semaphore_mem>>)
        %dma_wait3A_57 = arith.constant 0 : i32
        %dma_wait3A_58 = arith.constant 0 : i32
        %dma_wait3A_59 = tpu.memref_slice %arg3[%arg1, %run_scoped3A_21, %dma_wait3A_57, %dma_wait3A_58] : memref<16x130x2x128xi32, #tpu.memory_space<hbm>> -> memref<1x1x2x128xi32, #tpu.memory_space<hbm>>
        %dma_wait3A_60 = tpu.memref_squeeze %dma_wait3A_59 : memref<1x1x2x128xi32, #tpu.memory_space<hbm>> -> memref<2x128xi32, #tpu.memory_space<hbm>>
        %dma_wait3A_61 = arith.constant 0 : i32
        %dma_wait3A_62 = arith.constant 0 : i32
        %dma_wait3A_63 = tpu.memref_slice %arg3[%arg1, %run_scoped3A_21, %dma_wait3A_61, %dma_wait3A_62] : memref<16x130x2x128xi32, #tpu.memory_space<hbm>> -> memref<1x1x2x128xi32, #tpu.memory_space<hbm>>
        %dma_wait3A_64 = tpu.memref_squeeze %dma_wait3A_63 : memref<1x1x2x128xi32, #tpu.memory_space<hbm>> -> memref<2x128xi32, #tpu.memory_space<hbm>>
        tpu.wait_dma2 semaphore(%run_scoped3A_48 : memref<!tpu.dma_semaphore, #tpu.memory_space<semaphore_mem>>) src(%dma_wait3A_64 : memref<2x128xi32, #tpu.memory_space<hbm>>) dst(%arg8 : memref<2x128xi32, #tpu.memory_space<vmem>>)
        tpu.yield
      }) : () -> ()
      %dma_start3A_22 = arith.constant 0 : i32
      %dma_start3A_23 = arith.constant 0 : i32
      %dma_start3A_24 = tpu.memref_slice %arg8[%dma_start3A_22, %dma_start3A_23] : memref<2x128xi32, #tpu.memory_space<vmem>> -> memref<1x128xi32, #tpu.memory_space<vmem>>
      %dma_start3A_25 = tpu.memref_squeeze %dma_start3A_24 : memref<1x128xi32, #tpu.memory_space<vmem>> -> memref<128xi32, #tpu.memory_space<vmem>>
      %dma_start3A_26 = arith.constant 0 : i32
      %dma_start3A_27 = arith.constant 0 : i32
      %dma_start3A_28 = tpu.memref_slice %arg2[%dma_start3A_26, %dma_start3A_27] : memref<10240x128xf32, #tpu.memory_space<hbm>> -> memref<10240x128xf32, #tpu.memory_space<hbm>>
      tpu.enqueue_indirect_dma source(%dma_start3A_28 : memref<10240x128xf32, #tpu.memory_space<hbm>>) target(%arg10 : memref<128x128xf32, #tpu.memory_space<vmem>>) offsets(%dma_start3A_25 : memref<128xi32, #tpu.memory_space<vmem>>) semaphore(%arg13 : memref<!tpu.dma_semaphore, #tpu.memory_space<semaphore_mem>>)
      %scan3A = arith.constant 0 : i32
      %scan3A_29 = arith.constant 64 : i32
      %scan3A_30 = arith.addi %scan3A, %scan3A_29 : i32
      %scan3A_31 = arith.constant 1 : i32
      scf.for %scan3A_48 = %scan3A to %scan3A_30 step %scan3A_31  : i32 {
        %mul3A_49 = arith.constant 2 : i32
        %mul3A_50 = arith.muli %scan3A_48, %mul3A_49 : i32
        %add3A = arith.constant 0 : i32
        %add3A_51 = arith.addi %add3A, %mul3A_50 : i32
        %dma_wait3A_52 = arith.constant 0 : i32
        %dma_wait3A_53 = arith.constant 0 : i32
        %dma_wait3A_54 = tpu.memref_slice %arg7[%dma_wait3A_52, %dma_wait3A_53] : memref<2x128xi32, #tpu.memory_space<vmem>> -> memref<1x128xi32, #tpu.memory_space<vmem>>
        %dma_wait3A_55 = tpu.memref_squeeze %dma_wait3A_54 : memref<1x128xi32, #tpu.memory_space<vmem>> -> memref<128xi32, #tpu.memory_space<vmem>>
        %dma_wait3A_56 = arith.constant 0 : i32
        %dma_wait3A_57 = arith.constant 0 : i32
        %dma_wait3A_58 = tpu.memref_slice %arg2[%dma_wait3A_56, %dma_wait3A_57] : memref<10240x128xf32, #tpu.memory_space<hbm>> -> memref<10240x128xf32, #tpu.memory_space<hbm>>
        tpu.wait_indirect_dma semaphore(%arg12 : memref<!tpu.dma_semaphore, #tpu.memory_space<semaphore_mem>>) src(%dma_wait3A_58 : memref<10240x128xf32, #tpu.memory_space<hbm>>) dst(%arg9 : memref<128x128xf32, #tpu.memory_space<vmem>>)
        %run_scoped3A_59 = arith.constant 1 : i32
        "tpu.region"() ({
          %run_scoped3A_86 = tpu.sem_alloc : memref<!tpu.dma_semaphore, #tpu.memory_space<semaphore_mem>>
          %dma_start3A_87 = arith.constant 0 : i32
          %dma_start3A_88 = tpu.memref_slice %arg7[%run_scoped3A_59, %dma_start3A_87] : memref<2x128xi32, #tpu.memory_space<vmem>> -> memref<1x128xi32, #tpu.memory_space<vmem>>
          %dma_start3A_89 = tpu.memref_squeeze %dma_start3A_88 : memref<1x128xi32, #tpu.memory_space<vmem>> -> memref<128xi32, #tpu.memory_space<vmem>>
          %dma_start3A_90 = arith.constant 0 : i32
          %dma_start3A_91 = arith.constant 0 : i32
          %dma_start3A_92 = tpu.memref_slice %arg11[%dma_start3A_90, %dma_start3A_91] : memref<10240x128xf32, #tpu.memory_space<vmem_shared>> -> memref<10240x128xf32, #tpu.memory_space<vmem_shared>>
          tpu.enqueue_indirect_dma source(%arg9 : memref<128x128xf32, #tpu.memory_space<vmem>>) target(%dma_start3A_92 : memref<10240x128xf32, #tpu.memory_space<vmem_shared>>) offsets(%dma_start3A_89 : memref<128xi32, #tpu.memory_space<vmem>>) semaphore(%run_scoped3A_86 : memref<!tpu.dma_semaphore, #tpu.memory_space<semaphore_mem>>) {add = true}
          %dma_wait3A_93 = arith.constant 0 : i32
          %dma_wait3A_94 = tpu.memref_slice %arg7[%run_scoped3A_59, %dma_wait3A_93] : memref<2x128xi32, #tpu.memory_space<vmem>> -> memref<1x128xi32, #tpu.memory_space<vmem>>
          %dma_wait3A_95 = tpu.memref_squeeze %dma_wait3A_94 : memref<1x128xi32, #tpu.memory_space<vmem>> -> memref<128xi32, #tpu.memory_space<vmem>>
          %dma_wait3A_96 = arith.constant 0 : i32
          %dma_wait3A_97 = arith.constant 0 : i32
          %dma_wait3A_98 = tpu.memref_slice %arg11[%dma_wait3A_96, %dma_wait3A_97] : memref<10240x128xf32, #tpu.memory_space<vmem_shared>> -> memref<10240x128xf32, #tpu.memory_space<vmem_shared>>
          tpu.wait_indirect_dma semaphore(%run_scoped3A_86 : memref<!tpu.dma_semaphore, #tpu.memory_space<semaphore_mem>>) src(%arg9 : memref<128x128xf32, #tpu.memory_space<vmem>>) dst(%dma_wait3A_98 : memref<10240x128xf32, #tpu.memory_space<vmem_shared>>)
          tpu.yield
        }) : () -> ()
        %add3A_60 = arith.constant 2 : i32
        %add3A_61 = arith.addi %add3A_51, %add3A_60 : i32
        "tpu.region"() ({
          %run_scoped3A_86 = tpu.sem_alloc : memref<!tpu.dma_semaphore, #tpu.memory_space<semaphore_mem>>
          %dma_start3A_87 = arith.constant 0 : i32
          %dma_start3A_88 = arith.constant 0 : i32
          %dma_start3A_89 = tpu.memref_slice %arg3[%arg1, %add3A_61, %dma_start3A_87, %dma_start3A_88] : memref<16x130x2x128xi32, #tpu.memory_space<hbm>> -> memref<1x1x2x128xi32, #tpu.memory_space<hbm>>
          %dma_start3A_90 = tpu.memref_squeeze %dma_start3A_89 : memref<1x1x2x128xi32, #tpu.memory_space<hbm>> -> memref<2x128xi32, #tpu.memory_space<hbm>>
          %dma_start3A_91 = arith.constant 0 : i32
          %dma_start3A_92 = arith.constant 0 : i32
          %dma_start3A_93 = tpu.memref_slice %arg3[%arg1, %add3A_61, %dma_start3A_91, %dma_start3A_92] : memref<16x130x2x128xi32, #tpu.memory_space<hbm>> -> memref<1x1x2x128xi32, #tpu.memory_space<hbm>>
          %dma_start3A_94 = tpu.memref_squeeze %dma_start3A_93 : memref<1x1x2x128xi32, #tpu.memory_space<hbm>> -> memref<2x128xi32, #tpu.memory_space<hbm>>
          tpu.enqueue_dma source(%dma_start3A_94 : memref<2x128xi32, #tpu.memory_space<hbm>>) target(%arg7 : memref<2x128xi32, #tpu.memory_space<vmem>>) target_semaphore(%run_scoped3A_86 : memref<!tpu.dma_semaphore, #tpu.memory_space<semaphore_mem>>)
          %dma_wait3A_95 = arith.constant 0 : i32
          %dma_wait3A_96 = arith.constant 0 : i32
          %dma_wait3A_97 = tpu.memref_slice %arg3[%arg1, %add3A_61, %dma_wait3A_95, %dma_wait3A_96] : memref<16x130x2x128xi32, #tpu.memory_space<hbm>> -> memref<1x1x2x128xi32, #tpu.memory_space<hbm>>
          %dma_wait3A_98 = tpu.memref_squeeze %dma_wait3A_97 : memref<1x1x2x128xi32, #tpu.memory_space<hbm>> -> memref<2x128xi32, #tpu.memory_space<hbm>>
          %dma_wait3A_99 = arith.constant 0 : i32
          %dma_wait3A_100 = arith.constant 0 : i32
          %dma_wait3A_101 = tpu.memref_slice %arg3[%arg1, %add3A_61, %dma_wait3A_99, %dma_wait3A_100] : memref<16x130x2x128xi32, #tpu.memory_space<hbm>> -> memref<1x1x2x128xi32, #tpu.memory_space<hbm>>
          %dma_wait3A_102 = tpu.memref_squeeze %dma_wait3A_101 : memref<1x1x2x128xi32, #tpu.memory_space<hbm>> -> memref<2x128xi32, #tpu.memory_space<hbm>>
          tpu.wait_dma2 semaphore(%run_scoped3A_86 : memref<!tpu.dma_semaphore, #tpu.memory_space<semaphore_mem>>) src(%dma_wait3A_102 : memref<2x128xi32, #tpu.memory_space<hbm>>) dst(%arg7 : memref<2x128xi32, #tpu.memory_space<vmem>>)
          tpu.yield
        }) : () -> ()
        %dma_start3A_62 = arith.constant 0 : i32
        %dma_start3A_63 = arith.constant 0 : i32
        %dma_start3A_64 = tpu.memref_slice %arg7[%dma_start3A_62, %dma_start3A_63] : memref<2x128xi32, #tpu.memory_space<vmem>> -> memref<1x128xi32, #tpu.memory_space<vmem>>
        %dma_start3A_65 = tpu.memref_squeeze %dma_start3A_64 : memref<1x128xi32, #tpu.memory_space<vmem>> -> memref<128xi32, #tpu.memory_space<vmem>>
        %dma_start3A_66 = arith.constant 0 : i32
        %dma_start3A_67 = arith.constant 0 : i32
        %dma_start3A_68 = tpu.memref_slice %arg2[%dma_start3A_66, %dma_start3A_67] : memref<10240x128xf32, #tpu.memory_space<hbm>> -> memref<10240x128xf32, #tpu.memory_space<hbm>>
        tpu.enqueue_indirect_dma source(%dma_start3A_68 : memref<10240x128xf32, #tpu.memory_space<hbm>>) target(%arg9 : memref<128x128xf32, #tpu.memory_space<vmem>>) offsets(%dma_start3A_65 : memref<128xi32, #tpu.memory_space<vmem>>) semaphore(%arg12 : memref<!tpu.dma_semaphore, #tpu.memory_space<semaphore_mem>>)
        %dma_wait3A_69 = arith.constant 0 : i32
        %dma_wait3A_70 = arith.constant 0 : i32
        %dma_wait3A_71 = tpu.memref_slice %arg8[%dma_wait3A_69, %dma_wait3A_70] : memref<2x128xi32, #tpu.memory_space<vmem>> -> memref<1x128xi32, #tpu.memory_space<vmem>>
        %dma_wait3A_72 = tpu.memref_squeeze %dma_wait3A_71 : memref<1x128xi32, #tpu.memory_space<vmem>> -> memref<128xi32, #tpu.memory_space<vmem>>
        %dma_wait3A_73 = arith.constant 0 : i32
        %dma_wait3A_74 = arith.constant 0 : i32
        %dma_wait3A_75 = tpu.memref_slice %arg2[%dma_wait3A_73, %dma_wait3A_74] : memref<10240x128xf32, #tpu.memory_space<hbm>> -> memref<10240x128xf32, #tpu.memory_space<hbm>>
        tpu.wait_indirect_dma semaphore(%arg13 : memref<!tpu.dma_semaphore, #tpu.memory_space<semaphore_mem>>) src(%dma_wait3A_75 : memref<10240x128xf32, #tpu.memory_space<hbm>>) dst(%arg10 : memref<128x128xf32, #tpu.memory_space<vmem>>)
        %run_scoped3A_76 = arith.constant 1 : i32
        "tpu.region"() ({
          %run_scoped3A_86 = tpu.sem_alloc : memref<!tpu.dma_semaphore, #tpu.memory_space<semaphore_mem>>
          %dma_start3A_87 = arith.constant 0 : i32
          %dma_start3A_88 = tpu.memref_slice %arg8[%run_scoped3A_76, %dma_start3A_87] : memref<2x128xi32, #tpu.memory_space<vmem>> -> memref<1x128xi32, #tpu.memory_space<vmem>>
          %dma_start3A_89 = tpu.memref_squeeze %dma_start3A_88 : memref<1x128xi32, #tpu.memory_space<vmem>> -> memref<128xi32, #tpu.memory_space<vmem>>
          %dma_start3A_90 = arith.constant 0 : i32
          %dma_start3A_91 = arith.constant 0 : i32
          %dma_start3A_92 = tpu.memref_slice %arg11[%dma_start3A_90, %dma_start3A_91] : memref<10240x128xf32, #tpu.memory_space<vmem_shared>> -> memref<10240x128xf32, #tpu.memory_space<vmem_shared>>
          tpu.enqueue_indirect_dma source(%arg10 : memref<128x128xf32, #tpu.memory_space<vmem>>) target(%dma_start3A_92 : memref<10240x128xf32, #tpu.memory_space<vmem_shared>>) offsets(%dma_start3A_89 : memref<128xi32, #tpu.memory_space<vmem>>) semaphore(%run_scoped3A_86 : memref<!tpu.dma_semaphore, #tpu.memory_space<semaphore_mem>>) {add = true}
          %dma_wait3A_93 = arith.constant 0 : i32
          %dma_wait3A_94 = tpu.memref_slice %arg8[%run_scoped3A_76, %dma_wait3A_93] : memref<2x128xi32, #tpu.memory_space<vmem>> -> memref<1x128xi32, #tpu.memory_space<vmem>>
          %dma_wait3A_95 = tpu.memref_squeeze %dma_wait3A_94 : memref<1x128xi32, #tpu.memory_space<vmem>> -> memref<128xi32, #tpu.memory_space<vmem>>
          %dma_wait3A_96 = arith.constant 0 : i32
          %dma_wait3A_97 = arith.constant 0 : i32
          %dma_wait3A_98 = tpu.memref_slice %arg11[%dma_wait3A_96, %dma_wait3A_97] : memref<10240x128xf32, #tpu.memory_space<vmem_shared>> -> memref<10240x128xf32, #tpu.memory_space<vmem_shared>>
          tpu.wait_indirect_dma semaphore(%run_scoped3A_86 : memref<!tpu.dma_semaphore, #tpu.memory_space<semaphore_mem>>) src(%arg10 : memref<128x128xf32, #tpu.memory_space<vmem>>) dst(%dma_wait3A_98 : memref<10240x128xf32, #tpu.memory_space<vmem_shared>>)
          tpu.yield
        }) : () -> ()
        %add3A_77 = arith.constant 3 : i32
        %add3A_78 = arith.addi %add3A_51, %add3A_77 : i32
        "tpu.region"() ({
          %run_scoped3A_86 = tpu.sem_alloc : memref<!tpu.dma_semaphore, #tpu.memory_space<semaphore_mem>>
          %dma_start3A_87 = arith.constant 0 : i32
          %dma_start3A_88 = arith.constant 0 : i32
          %dma_start3A_89 = tpu.memref_slice %arg3[%arg1, %add3A_78, %dma_start3A_87, %dma_start3A_88] : memref<16x130x2x128xi32, #tpu.memory_space<hbm>> -> memref<1x1x2x128xi32, #tpu.memory_space<hbm>>
          %dma_start3A_90 = tpu.memref_squeeze %dma_start3A_89 : memref<1x1x2x128xi32, #tpu.memory_space<hbm>> -> memref<2x128xi32, #tpu.memory_space<hbm>>
          %dma_start3A_91 = arith.constant 0 : i32
          %dma_start3A_92 = arith.constant 0 : i32
          %dma_start3A_93 = tpu.memref_slice %arg3[%arg1, %add3A_78, %dma_start3A_91, %dma_start3A_92] : memref<16x130x2x128xi32, #tpu.memory_space<hbm>> -> memref<1x1x2x128xi32, #tpu.memory_space<hbm>>
          %dma_start3A_94 = tpu.memref_squeeze %dma_start3A_93 : memref<1x1x2x128xi32, #tpu.memory_space<hbm>> -> memref<2x128xi32, #tpu.memory_space<hbm>>
          tpu.enqueue_dma source(%dma_start3A_94 : memref<2x128xi32, #tpu.memory_space<hbm>>) target(%arg8 : memref<2x128xi32, #tpu.memory_space<vmem>>) target_semaphore(%run_scoped3A_86 : memref<!tpu.dma_semaphore, #tpu.memory_space<semaphore_mem>>)
          %dma_wait3A_95 = arith.constant 0 : i32
          %dma_wait3A_96 = arith.constant 0 : i32
          %dma_wait3A_97 = tpu.memref_slice %arg3[%arg1, %add3A_78, %dma_wait3A_95, %dma_wait3A_96] : memref<16x130x2x128xi32, #tpu.memory_space<hbm>> -> memref<1x1x2x128xi32, #tpu.memory_space<hbm>>
          %dma_wait3A_98 = tpu.memref_squeeze %dma_wait3A_97 : memref<1x1x2x128xi32, #tpu.memory_space<hbm>> -> memref<2x128xi32, #tpu.memory_space<hbm>>
          %dma_wait3A_99 = arith.constant 0 : i32
          %dma_wait3A_100 = arith.constant 0 : i32
          %dma_wait3A_101 = tpu.memref_slice %arg3[%arg1, %add3A_78, %dma_wait3A_99, %dma_wait3A_100] : memref<16x130x2x128xi32, #tpu.memory_space<hbm>> -> memref<1x1x2x128xi32, #tpu.memory_space<hbm>>
          %dma_wait3A_102 = tpu.memref_squeeze %dma_wait3A_101 : memref<1x1x2x128xi32, #tpu.memory_space<hbm>> -> memref<2x128xi32, #tpu.memory_space<hbm>>
          tpu.wait_dma2 semaphore(%run_scoped3A_86 : memref<!tpu.dma_semaphore, #tpu.memory_space<semaphore_mem>>) src(%dma_wait3A_102 : memref<2x128xi32, #tpu.memory_space<hbm>>) dst(%arg8 : memref<2x128xi32, #tpu.memory_space<vmem>>)
          tpu.yield
        }) : () -> ()
        %dma_start3A_79 = arith.constant 0 : i32
        %dma_start3A_80 = arith.constant 0 : i32
        %dma_start3A_81 = tpu.memref_slice %arg8[%dma_start3A_79, %dma_start3A_80] : memref<2x128xi32, #tpu.memory_space<vmem>> -> memref<1x128xi32, #tpu.memory_space<vmem>>
        %dma_start3A_82 = tpu.memref_squeeze %dma_start3A_81 : memref<1x128xi32, #tpu.memory_space<vmem>> -> memref<128xi32, #tpu.memory_space<vmem>>
        %dma_start3A_83 = arith.constant 0 : i32
        %dma_start3A_84 = arith.constant 0 : i32
        %dma_start3A_85 = tpu.memref_slice %arg2[%dma_start3A_83, %dma_start3A_84] : memref<10240x128xf32, #tpu.memory_space<hbm>> -> memref<10240x128xf32, #tpu.memory_space<hbm>>
        tpu.enqueue_indirect_dma source(%dma_start3A_85 : memref<10240x128xf32, #tpu.memory_space<hbm>>) target(%arg10 : memref<128x128xf32, #tpu.memory_space<vmem>>) offsets(%dma_start3A_82 : memref<128xi32, #tpu.memory_space<vmem>>) semaphore(%arg13 : memref<!tpu.dma_semaphore, #tpu.memory_space<semaphore_mem>>)
      }
      %scan3A_32 = arith.constant 64 : i32
      %dma_wait3A = arith.constant 0 : i32
      %dma_wait3A_33 = arith.constant 0 : i32
      %dma_wait3A_34 = tpu.memref_slice %arg7[%dma_wait3A, %dma_wait3A_33] : memref<2x128xi32, #tpu.memory_space<vmem>> -> memref<1x128xi32, #tpu.memory_space<vmem>>
      %dma_wait3A_35 = tpu.memref_squeeze %dma_wait3A_34 : memref<1x128xi32, #tpu.memory_space<vmem>> -> memref<128xi32, #tpu.memory_space<vmem>>
      %dma_wait3A_36 = arith.constant 0 : i32
      %dma_wait3A_37 = arith.constant 0 : i32
      %dma_wait3A_38 = tpu.memref_slice %arg2[%dma_wait3A_36, %dma_wait3A_37] : memref<10240x128xf32, #tpu.memory_space<hbm>> -> memref<10240x128xf32, #tpu.memory_space<hbm>>
      tpu.wait_indirect_dma semaphore(%arg12 : memref<!tpu.dma_semaphore, #tpu.memory_space<semaphore_mem>>) src(%dma_wait3A_38 : memref<10240x128xf32, #tpu.memory_space<hbm>>) dst(%arg9 : memref<128x128xf32, #tpu.memory_space<vmem>>)
      %run_scoped3A_39 = arith.constant 1 : i32
      "tpu.region"() ({
        %run_scoped3A_48 = tpu.sem_alloc : memref<!tpu.dma_semaphore, #tpu.memory_space<semaphore_mem>>
        %dma_start3A_49 = arith.constant 0 : i32
        %dma_start3A_50 = tpu.memref_slice %arg7[%run_scoped3A_39, %dma_start3A_49] : memref<2x128xi32, #tpu.memory_space<vmem>> -> memref<1x128xi32, #tpu.memory_space<vmem>>
        %dma_start3A_51 = tpu.memref_squeeze %dma_start3A_50 : memref<1x128xi32, #tpu.memory_space<vmem>> -> memref<128xi32, #tpu.memory_space<vmem>>
        %dma_start3A_52 = arith.constant 0 : i32
        %dma_start3A_53 = arith.constant 0 : i32
        %dma_start3A_54 = tpu.memref_slice %arg11[%dma_start3A_52, %dma_start3A_53] : memref<10240x128xf32, #tpu.memory_space<vmem_shared>> -> memref<10240x128xf32, #tpu.memory_space<vmem_shared>>
        tpu.enqueue_indirect_dma source(%arg9 : memref<128x128xf32, #tpu.memory_space<vmem>>) target(%dma_start3A_54 : memref<10240x128xf32, #tpu.memory_space<vmem_shared>>) offsets(%dma_start3A_51 : memref<128xi32, #tpu.memory_space<vmem>>) semaphore(%run_scoped3A_48 : memref<!tpu.dma_semaphore, #tpu.memory_space<semaphore_mem>>) {add = true}
        %dma_wait3A_55 = arith.constant 0 : i32
        %dma_wait3A_56 = tpu.memref_slice %arg7[%run_scoped3A_39, %dma_wait3A_55] : memref<2x128xi32, #tpu.memory_space<vmem>> -> memref<1x128xi32, #tpu.memory_space<vmem>>
        %dma_wait3A_57 = tpu.memref_squeeze %dma_wait3A_56 : memref<1x128xi32, #tpu.memory_space<vmem>> -> memref<128xi32, #tpu.memory_space<vmem>>
        %dma_wait3A_58 = arith.constant 0 : i32
        %dma_wait3A_59 = arith.constant 0 : i32
        %dma_wait3A_60 = tpu.memref_slice %arg11[%dma_wait3A_58, %dma_wait3A_59] : memref<10240x128xf32, #tpu.memory_space<vmem_shared>> -> memref<10240x128xf32, #tpu.memory_space<vmem_shared>>
        tpu.wait_indirect_dma semaphore(%run_scoped3A_48 : memref<!tpu.dma_semaphore, #tpu.memory_space<semaphore_mem>>) src(%arg9 : memref<128x128xf32, #tpu.memory_space<vmem>>) dst(%dma_wait3A_60 : memref<10240x128xf32, #tpu.memory_space<vmem_shared>>)
        tpu.yield
      }) : () -> ()
      %dma_wait3A_40 = arith.constant 0 : i32
      %dma_wait3A_41 = arith.constant 0 : i32
      %dma_wait3A_42 = tpu.memref_slice %arg8[%dma_wait3A_40, %dma_wait3A_41] : memref<2x128xi32, #tpu.memory_space<vmem>> -> memref<1x128xi32, #tpu.memory_space<vmem>>
      %dma_wait3A_43 = tpu.memref_squeeze %dma_wait3A_42 : memref<1x128xi32, #tpu.memory_space<vmem>> -> memref<128xi32, #tpu.memory_space<vmem>>
      %dma_wait3A_44 = arith.constant 0 : i32
      %dma_wait3A_45 = arith.constant 0 : i32
      %dma_wait3A_46 = tpu.memref_slice %arg2[%dma_wait3A_44, %dma_wait3A_45] : memref<10240x128xf32, #tpu.memory_space<hbm>> -> memref<10240x128xf32, #tpu.memory_space<hbm>>
      tpu.wait_indirect_dma semaphore(%arg13 : memref<!tpu.dma_semaphore, #tpu.memory_space<semaphore_mem>>) src(%dma_wait3A_46 : memref<10240x128xf32, #tpu.memory_space<hbm>>) dst(%arg10 : memref<128x128xf32, #tpu.memory_space<vmem>>)
      %run_scoped3A_47 = arith.constant 1 : i32
      "tpu.region"() ({
        %run_scoped3A_48 = tpu.sem_alloc : memref<!tpu.dma_semaphore, #tpu.memory_space<semaphore_mem>>
        %dma_start3A_49 = arith.constant 0 : i32
        %dma_start3A_50 = tpu.memref_slice %arg8[%run_scoped3A_47, %dma_start3A_49] : memref<2x128xi32, #tpu.memory_space<vmem>> -> memref<1x128xi32, #tpu.memory_space<vmem>>
        %dma_start3A_51 = tpu.memref_squeeze %dma_start3A_50 : memref<1x128xi32, #tpu.memory_space<vmem>> -> memref<128xi32, #tpu.memory_space<vmem>>
        %dma_start3A_52 = arith.constant 0 : i32
        %dma_start3A_53 = arith.constant 0 : i32
        %dma_start3A_54 = tpu.memref_slice %arg11[%dma_start3A_52, %dma_start3A_53] : memref<10240x128xf32, #tpu.memory_space<vmem_shared>> -> memref<10240x128xf32, #tpu.memory_space<vmem_shared>>
        tpu.enqueue_indirect_dma source(%arg10 : memref<128x128xf32, #tpu.memory_space<vmem>>) target(%dma_start3A_54 : memref<10240x128xf32, #tpu.memory_space<vmem_shared>>) offsets(%dma_start3A_51 : memref<128xi32, #tpu.memory_space<vmem>>) semaphore(%run_scoped3A_48 : memref<!tpu.dma_semaphore, #tpu.memory_space<semaphore_mem>>) {add = true}
        %dma_wait3A_55 = arith.constant 0 : i32
        %dma_wait3A_56 = tpu.memref_slice %arg8[%run_scoped3A_47, %dma_wait3A_55] : memref<2x128xi32, #tpu.memory_space<vmem>> -> memref<1x128xi32, #tpu.memory_space<vmem>>
        %dma_wait3A_57 = tpu.memref_squeeze %dma_wait3A_56 : memref<1x128xi32, #tpu.memory_space<vmem>> -> memref<128xi32, #tpu.memory_space<vmem>>
        %dma_wait3A_58 = arith.constant 0 : i32
        %dma_wait3A_59 = arith.constant 0 : i32
        %dma_wait3A_60 = tpu.memref_slice %arg11[%dma_wait3A_58, %dma_wait3A_59] : memref<10240x128xf32, #tpu.memory_space<vmem_shared>> -> memref<10240x128xf32, #tpu.memory_space<vmem_shared>>
        tpu.wait_indirect_dma semaphore(%run_scoped3A_48 : memref<!tpu.dma_semaphore, #tpu.memory_space<semaphore_mem>>) src(%arg10 : memref<128x128xf32, #tpu.memory_space<vmem>>) dst(%dma_wait3A_60 : memref<10240x128xf32, #tpu.memory_space<vmem_shared>>)
        tpu.yield
      }) : () -> ()
    } else {
    }
    %eq3A_5 = arith.constant 1 : i32
    %eq3A_6 = arith.cmpi eq, %arg0, %eq3A_5 : i32
    %convert_element_type3A_7 = arith.extui %eq3A_6 : i1 to i32
    %cond3A_8 = arith.constant 0 : i32
    %cond3A_9 = arith.cmpi ne, %convert_element_type3A_7, %cond3A_8 : i32
    scf.if %cond3A_9 {
      %run_scoped3A = arith.constant 0 : i32
      "tpu.region"() ({
        %run_scoped3A_48 = tpu.sem_alloc : memref<!tpu.dma_semaphore, #tpu.memory_space<semaphore_mem>>
        %dma_start3A_49 = arith.constant 0 : i32
        %dma_start3A_50 = arith.constant 0 : i32
        %dma_start3A_51 = tpu.memref_slice %arg4[%arg1, %run_scoped3A, %dma_start3A_49, %dma_start3A_50] : memref<16x30x2x128xi32, #tpu.memory_space<hbm>> -> memref<1x1x2x128xi32, #tpu.memory_space<hbm>>
        %dma_start3A_52 = tpu.memref_squeeze %dma_start3A_51 : memref<1x1x2x128xi32, #tpu.memory_space<hbm>> -> memref<2x128xi32, #tpu.memory_space<hbm>>
        %dma_start3A_53 = arith.constant 0 : i32
        %dma_start3A_54 = arith.constant 0 : i32
        %dma_start3A_55 = tpu.memref_slice %arg4[%arg1, %run_scoped3A, %dma_start3A_53, %dma_start3A_54] : memref<16x30x2x128xi32, #tpu.memory_space<hbm>> -> memref<1x1x2x128xi32, #tpu.memory_space<hbm>>
        %dma_start3A_56 = tpu.memref_squeeze %dma_start3A_55 : memref<1x1x2x128xi32, #tpu.memory_space<hbm>> -> memref<2x128xi32, #tpu.memory_space<hbm>>
        tpu.enqueue_dma source(%dma_start3A_56 : memref<2x128xi32, #tpu.memory_space<hbm>>) target(%arg7 : memref<2x128xi32, #tpu.memory_space<vmem>>) target_semaphore(%run_scoped3A_48 : memref<!tpu.dma_semaphore, #tpu.memory_space<semaphore_mem>>)
        %dma_wait3A_57 = arith.constant 0 : i32
        %dma_wait3A_58 = arith.constant 0 : i32
        %dma_wait3A_59 = tpu.memref_slice %arg4[%arg1, %run_scoped3A, %dma_wait3A_57, %dma_wait3A_58] : memref<16x30x2x128xi32, #tpu.memory_space<hbm>> -> memref<1x1x2x128xi32, #tpu.memory_space<hbm>>
        %dma_wait3A_60 = tpu.memref_squeeze %dma_wait3A_59 : memref<1x1x2x128xi32, #tpu.memory_space<hbm>> -> memref<2x128xi32, #tpu.memory_space<hbm>>
        %dma_wait3A_61 = arith.constant 0 : i32
        %dma_wait3A_62 = arith.constant 0 : i32
        %dma_wait3A_63 = tpu.memref_slice %arg4[%arg1, %run_scoped3A, %dma_wait3A_61, %dma_wait3A_62] : memref<16x30x2x128xi32, #tpu.memory_space<hbm>> -> memref<1x1x2x128xi32, #tpu.memory_space<hbm>>
        %dma_wait3A_64 = tpu.memref_squeeze %dma_wait3A_63 : memref<1x1x2x128xi32, #tpu.memory_space<hbm>> -> memref<2x128xi32, #tpu.memory_space<hbm>>
        tpu.wait_dma2 semaphore(%run_scoped3A_48 : memref<!tpu.dma_semaphore, #tpu.memory_space<semaphore_mem>>) src(%dma_wait3A_64 : memref<2x128xi32, #tpu.memory_space<hbm>>) dst(%arg7 : memref<2x128xi32, #tpu.memory_space<vmem>>)
        tpu.yield
      }) : () -> ()
      %dma_start3A = arith.constant 0 : i32
      %dma_start3A_15 = arith.constant 0 : i32
      %dma_start3A_16 = tpu.memref_slice %arg7[%dma_start3A, %dma_start3A_15] : memref<2x128xi32, #tpu.memory_space<vmem>> -> memref<1x128xi32, #tpu.memory_space<vmem>>
      %dma_start3A_17 = tpu.memref_squeeze %dma_start3A_16 : memref<1x128xi32, #tpu.memory_space<vmem>> -> memref<128xi32, #tpu.memory_space<vmem>>
      %dma_start3A_18 = arith.constant 0 : i32
      %dma_start3A_19 = arith.constant 0 : i32
      %dma_start3A_20 = tpu.memref_slice %arg2[%dma_start3A_18, %dma_start3A_19] : memref<10240x128xf32, #tpu.memory_space<hbm>> -> memref<10240x128xf32, #tpu.memory_space<hbm>>
      tpu.enqueue_indirect_dma source(%dma_start3A_20 : memref<10240x128xf32, #tpu.memory_space<hbm>>) target(%arg9 : memref<128x128xf32, #tpu.memory_space<vmem>>) offsets(%dma_start3A_17 : memref<128xi32, #tpu.memory_space<vmem>>) semaphore(%arg12 : memref<!tpu.dma_semaphore, #tpu.memory_space<semaphore_mem>>)
      %run_scoped3A_21 = arith.constant 1 : i32
      "tpu.region"() ({
        %run_scoped3A_48 = tpu.sem_alloc : memref<!tpu.dma_semaphore, #tpu.memory_space<semaphore_mem>>
        %dma_start3A_49 = arith.constant 0 : i32
        %dma_start3A_50 = arith.constant 0 : i32
        %dma_start3A_51 = tpu.memref_slice %arg4[%arg1, %run_scoped3A_21, %dma_start3A_49, %dma_start3A_50] : memref<16x30x2x128xi32, #tpu.memory_space<hbm>> -> memref<1x1x2x128xi32, #tpu.memory_space<hbm>>
        %dma_start3A_52 = tpu.memref_squeeze %dma_start3A_51 : memref<1x1x2x128xi32, #tpu.memory_space<hbm>> -> memref<2x128xi32, #tpu.memory_space<hbm>>
        %dma_start3A_53 = arith.constant 0 : i32
        %dma_start3A_54 = arith.constant 0 : i32
        %dma_start3A_55 = tpu.memref_slice %arg4[%arg1, %run_scoped3A_21, %dma_start3A_53, %dma_start3A_54] : memref<16x30x2x128xi32, #tpu.memory_space<hbm>> -> memref<1x1x2x128xi32, #tpu.memory_space<hbm>>
        %dma_start3A_56 = tpu.memref_squeeze %dma_start3A_55 : memref<1x1x2x128xi32, #tpu.memory_space<hbm>> -> memref<2x128xi32, #tpu.memory_space<hbm>>
        tpu.enqueue_dma source(%dma_start3A_56 : memref<2x128xi32, #tpu.memory_space<hbm>>) target(%arg8 : memref<2x128xi32, #tpu.memory_space<vmem>>) target_semaphore(%run_scoped3A_48 : memref<!tpu.dma_semaphore, #tpu.memory_space<semaphore_mem>>)
        %dma_wait3A_57 = arith.constant 0 : i32
        %dma_wait3A_58 = arith.constant 0 : i32
        %dma_wait3A_59 = tpu.memref_slice %arg4[%arg1, %run_scoped3A_21, %dma_wait3A_57, %dma_wait3A_58] : memref<16x30x2x128xi32, #tpu.memory_space<hbm>> -> memref<1x1x2x128xi32, #tpu.memory_space<hbm>>
        %dma_wait3A_60 = tpu.memref_squeeze %dma_wait3A_59 : memref<1x1x2x128xi32, #tpu.memory_space<hbm>> -> memref<2x128xi32, #tpu.memory_space<hbm>>
        %dma_wait3A_61 = arith.constant 0 : i32
        %dma_wait3A_62 = arith.constant 0 : i32
        %dma_wait3A_63 = tpu.memref_slice %arg4[%arg1, %run_scoped3A_21, %dma_wait3A_61, %dma_wait3A_62] : memref<16x30x2x128xi32, #tpu.memory_space<hbm>> -> memref<1x1x2x128xi32, #tpu.memory_space<hbm>>
        %dma_wait3A_64 = tpu.memref_squeeze %dma_wait3A_63 : memref<1x1x2x128xi32, #tpu.memory_space<hbm>> -> memref<2x128xi32, #tpu.memory_space<hbm>>
        tpu.wait_dma2 semaphore(%run_scoped3A_48 : memref<!tpu.dma_semaphore, #tpu.memory_space<semaphore_mem>>) src(%dma_wait3A_64 : memref<2x128xi32, #tpu.memory_space<hbm>>) dst(%arg8 : memref<2x128xi32, #tpu.memory_space<vmem>>)
        tpu.yield
      }) : () -> ()
      %dma_start3A_22 = arith.constant 0 : i32
      %dma_start3A_23 = arith.constant 0 : i32
      %dma_start3A_24 = tpu.memref_slice %arg8[%dma_start3A_22, %dma_start3A_23] : memref<2x128xi32, #tpu.memory_space<vmem>> -> memref<1x128xi32, #tpu.memory_space<vmem>>
      %dma_start3A_25 = tpu.memref_squeeze %dma_start3A_24 : memref<1x128xi32, #tpu.memory_space<vmem>> -> memref<128xi32, #tpu.memory_space<vmem>>
      %dma_start3A_26 = arith.constant 0 : i32
      %dma_start3A_27 = arith.constant 0 : i32
      %dma_start3A_28 = tpu.memref_slice %arg2[%dma_start3A_26, %dma_start3A_27] : memref<10240x128xf32, #tpu.memory_space<hbm>> -> memref<10240x128xf32, #tpu.memory_space<hbm>>
      tpu.enqueue_indirect_dma source(%dma_start3A_28 : memref<10240x128xf32, #tpu.memory_space<hbm>>) target(%arg10 : memref<128x128xf32, #tpu.memory_space<vmem>>) offsets(%dma_start3A_25 : memref<128xi32, #tpu.memory_space<vmem>>) semaphore(%arg13 : memref<!tpu.dma_semaphore, #tpu.memory_space<semaphore_mem>>)
      %scan3A = arith.constant 0 : i32
      %scan3A_29 = arith.constant 14 : i32
      %scan3A_30 = arith.addi %scan3A, %scan3A_29 : i32
      %scan3A_31 = arith.constant 1 : i32
      scf.for %scan3A_48 = %scan3A to %scan3A_30 step %scan3A_31  : i32 {
        %mul3A_49 = arith.constant 2 : i32
        %mul3A_50 = arith.muli %scan3A_48, %mul3A_49 : i32
        %add3A = arith.constant 0 : i32
        %add3A_51 = arith.addi %add3A, %mul3A_50 : i32
        %dma_wait3A_52 = arith.constant 0 : i32
        %dma_wait3A_53 = arith.constant 0 : i32
        %dma_wait3A_54 = tpu.memref_slice %arg7[%dma_wait3A_52, %dma_wait3A_53] : memref<2x128xi32, #tpu.memory_space<vmem>> -> memref<1x128xi32, #tpu.memory_space<vmem>>
        %dma_wait3A_55 = tpu.memref_squeeze %dma_wait3A_54 : memref<1x128xi32, #tpu.memory_space<vmem>> -> memref<128xi32, #tpu.memory_space<vmem>>
        %dma_wait3A_56 = arith.constant 0 : i32
        %dma_wait3A_57 = arith.constant 0 : i32
        %dma_wait3A_58 = tpu.memref_slice %arg2[%dma_wait3A_56, %dma_wait3A_57] : memref<10240x128xf32, #tpu.memory_space<hbm>> -> memref<10240x128xf32, #tpu.memory_space<hbm>>
        tpu.wait_indirect_dma semaphore(%arg12 : memref<!tpu.dma_semaphore, #tpu.memory_space<semaphore_mem>>) src(%dma_wait3A_58 : memref<10240x128xf32, #tpu.memory_space<hbm>>) dst(%arg9 : memref<128x128xf32, #tpu.memory_space<vmem>>)
        %run_scoped3A_59 = arith.constant 1 : i32
        "tpu.region"() ({
          %run_scoped3A_86 = tpu.sem_alloc : memref<!tpu.dma_semaphore, #tpu.memory_space<semaphore_mem>>
          %dma_start3A_87 = arith.constant 0 : i32
          %dma_start3A_88 = tpu.memref_slice %arg7[%run_scoped3A_59, %dma_start3A_87] : memref<2x128xi32, #tpu.memory_space<vmem>> -> memref<1x128xi32, #tpu.memory_space<vmem>>
          %dma_start3A_89 = tpu.memref_squeeze %dma_start3A_88 : memref<1x128xi32, #tpu.memory_space<vmem>> -> memref<128xi32, #tpu.memory_space<vmem>>
          %dma_start3A_90 = arith.constant 0 : i32
          %dma_start3A_91 = arith.constant 0 : i32
          %dma_start3A_92 = tpu.memref_slice %arg11[%dma_start3A_90, %dma_start3A_91] : memref<10240x128xf32, #tpu.memory_space<vmem_shared>> -> memref<10240x128xf32, #tpu.memory_space<vmem_shared>>
          tpu.enqueue_indirect_dma source(%arg9 : memref<128x128xf32, #tpu.memory_space<vmem>>) target(%dma_start3A_92 : memref<10240x128xf32, #tpu.memory_space<vmem_shared>>) offsets(%dma_start3A_89 : memref<128xi32, #tpu.memory_space<vmem>>) semaphore(%run_scoped3A_86 : memref<!tpu.dma_semaphore, #tpu.memory_space<semaphore_mem>>) {add = true}
          %dma_wait3A_93 = arith.constant 0 : i32
          %dma_wait3A_94 = tpu.memref_slice %arg7[%run_scoped3A_59, %dma_wait3A_93] : memref<2x128xi32, #tpu.memory_space<vmem>> -> memref<1x128xi32, #tpu.memory_space<vmem>>
          %dma_wait3A_95 = tpu.memref_squeeze %dma_wait3A_94 : memref<1x128xi32, #tpu.memory_space<vmem>> -> memref<128xi32, #tpu.memory_space<vmem>>
          %dma_wait3A_96 = arith.constant 0 : i32
          %dma_wait3A_97 = arith.constant 0 : i32
          %dma_wait3A_98 = tpu.memref_slice %arg11[%dma_wait3A_96, %dma_wait3A_97] : memref<10240x128xf32, #tpu.memory_space<vmem_shared>> -> memref<10240x128xf32, #tpu.memory_space<vmem_shared>>
          tpu.wait_indirect_dma semaphore(%run_scoped3A_86 : memref<!tpu.dma_semaphore, #tpu.memory_space<semaphore_mem>>) src(%arg9 : memref<128x128xf32, #tpu.memory_space<vmem>>) dst(%dma_wait3A_98 : memref<10240x128xf32, #tpu.memory_space<vmem_shared>>)
          tpu.yield
        }) : () -> ()
        %add3A_60 = arith.constant 2 : i32
        %add3A_61 = arith.addi %add3A_51, %add3A_60 : i32
        "tpu.region"() ({
          %run_scoped3A_86 = tpu.sem_alloc : memref<!tpu.dma_semaphore, #tpu.memory_space<semaphore_mem>>
          %dma_start3A_87 = arith.constant 0 : i32
          %dma_start3A_88 = arith.constant 0 : i32
          %dma_start3A_89 = tpu.memref_slice %arg4[%arg1, %add3A_61, %dma_start3A_87, %dma_start3A_88] : memref<16x30x2x128xi32, #tpu.memory_space<hbm>> -> memref<1x1x2x128xi32, #tpu.memory_space<hbm>>
          %dma_start3A_90 = tpu.memref_squeeze %dma_start3A_89 : memref<1x1x2x128xi32, #tpu.memory_space<hbm>> -> memref<2x128xi32, #tpu.memory_space<hbm>>
          %dma_start3A_91 = arith.constant 0 : i32
          %dma_start3A_92 = arith.constant 0 : i32
          %dma_start3A_93 = tpu.memref_slice %arg4[%arg1, %add3A_61, %dma_start3A_91, %dma_start3A_92] : memref<16x30x2x128xi32, #tpu.memory_space<hbm>> -> memref<1x1x2x128xi32, #tpu.memory_space<hbm>>
          %dma_start3A_94 = tpu.memref_squeeze %dma_start3A_93 : memref<1x1x2x128xi32, #tpu.memory_space<hbm>> -> memref<2x128xi32, #tpu.memory_space<hbm>>
          tpu.enqueue_dma source(%dma_start3A_94 : memref<2x128xi32, #tpu.memory_space<hbm>>) target(%arg7 : memref<2x128xi32, #tpu.memory_space<vmem>>) target_semaphore(%run_scoped3A_86 : memref<!tpu.dma_semaphore, #tpu.memory_space<semaphore_mem>>)
          %dma_wait3A_95 = arith.constant 0 : i32
          %dma_wait3A_96 = arith.constant 0 : i32
          %dma_wait3A_97 = tpu.memref_slice %arg4[%arg1, %add3A_61, %dma_wait3A_95, %dma_wait3A_96] : memref<16x30x2x128xi32, #tpu.memory_space<hbm>> -> memref<1x1x2x128xi32, #tpu.memory_space<hbm>>
          %dma_wait3A_98 = tpu.memref_squeeze %dma_wait3A_97 : memref<1x1x2x128xi32, #tpu.memory_space<hbm>> -> memref<2x128xi32, #tpu.memory_space<hbm>>
          %dma_wait3A_99 = arith.constant 0 : i32
          %dma_wait3A_100 = arith.constant 0 : i32
          %dma_wait3A_101 = tpu.memref_slice %arg4[%arg1, %add3A_61, %dma_wait3A_99, %dma_wait3A_100] : memref<16x30x2x128xi32, #tpu.memory_space<hbm>> -> memref<1x1x2x128xi32, #tpu.memory_space<hbm>>
          %dma_wait3A_102 = tpu.memref_squeeze %dma_wait3A_101 : memref<1x1x2x128xi32, #tpu.memory_space<hbm>> -> memref<2x128xi32, #tpu.memory_space<hbm>>
          tpu.wait_dma2 semaphore(%run_scoped3A_86 : memref<!tpu.dma_semaphore, #tpu.memory_space<semaphore_mem>>) src(%dma_wait3A_102 : memref<2x128xi32, #tpu.memory_space<hbm>>) dst(%arg7 : memref<2x128xi32, #tpu.memory_space<vmem>>)
          tpu.yield
        }) : () -> ()
        %dma_start3A_62 = arith.constant 0 : i32
        %dma_start3A_63 = arith.constant 0 : i32
        %dma_start3A_64 = tpu.memref_slice %arg7[%dma_start3A_62, %dma_start3A_63] : memref<2x128xi32, #tpu.memory_space<vmem>> -> memref<1x128xi32, #tpu.memory_space<vmem>>
        %dma_start3A_65 = tpu.memref_squeeze %dma_start3A_64 : memref<1x128xi32, #tpu.memory_space<vmem>> -> memref<128xi32, #tpu.memory_space<vmem>>
        %dma_start3A_66 = arith.constant 0 : i32
        %dma_start3A_67 = arith.constant 0 : i32
        %dma_start3A_68 = tpu.memref_slice %arg2[%dma_start3A_66, %dma_start3A_67] : memref<10240x128xf32, #tpu.memory_space<hbm>> -> memref<10240x128xf32, #tpu.memory_space<hbm>>
        tpu.enqueue_indirect_dma source(%dma_start3A_68 : memref<10240x128xf32, #tpu.memory_space<hbm>>) target(%arg9 : memref<128x128xf32, #tpu.memory_space<vmem>>) offsets(%dma_start3A_65 : memref<128xi32, #tpu.memory_space<vmem>>) semaphore(%arg12 : memref<!tpu.dma_semaphore, #tpu.memory_space<semaphore_mem>>)
        %dma_wait3A_69 = arith.constant 0 : i32
        %dma_wait3A_70 = arith.constant 0 : i32
        %dma_wait3A_71 = tpu.memref_slice %arg8[%dma_wait3A_69, %dma_wait3A_70] : memref<2x128xi32, #tpu.memory_space<vmem>> -> memref<1x128xi32, #tpu.memory_space<vmem>>
        %dma_wait3A_72 = tpu.memref_squeeze %dma_wait3A_71 : memref<1x128xi32, #tpu.memory_space<vmem>> -> memref<128xi32, #tpu.memory_space<vmem>>
        %dma_wait3A_73 = arith.constant 0 : i32
        %dma_wait3A_74 = arith.constant 0 : i32
        %dma_wait3A_75 = tpu.memref_slice %arg2[%dma_wait3A_73, %dma_wait3A_74] : memref<10240x128xf32, #tpu.memory_space<hbm>> -> memref<10240x128xf32, #tpu.memory_space<hbm>>
        tpu.wait_indirect_dma semaphore(%arg13 : memref<!tpu.dma_semaphore, #tpu.memory_space<semaphore_mem>>) src(%dma_wait3A_75 : memref<10240x128xf32, #tpu.memory_space<hbm>>) dst(%arg10 : memref<128x128xf32, #tpu.memory_space<vmem>>)
        %run_scoped3A_76 = arith.constant 1 : i32
        "tpu.region"() ({
          %run_scoped3A_86 = tpu.sem_alloc : memref<!tpu.dma_semaphore, #tpu.memory_space<semaphore_mem>>
          %dma_start3A_87 = arith.constant 0 : i32
          %dma_start3A_88 = tpu.memref_slice %arg8[%run_scoped3A_76, %dma_start3A_87] : memref<2x128xi32, #tpu.memory_space<vmem>> -> memref<1x128xi32, #tpu.memory_space<vmem>>
          %dma_start3A_89 = tpu.memref_squeeze %dma_start3A_88 : memref<1x128xi32, #tpu.memory_space<vmem>> -> memref<128xi32, #tpu.memory_space<vmem>>
          %dma_start3A_90 = arith.constant 0 : i32
          %dma_start3A_91 = arith.constant 0 : i32
          %dma_start3A_92 = tpu.memref_slice %arg11[%dma_start3A_90, %dma_start3A_91] : memref<10240x128xf32, #tpu.memory_space<vmem_shared>> -> memref<10240x128xf32, #tpu.memory_space<vmem_shared>>
          tpu.enqueue_indirect_dma source(%arg10 : memref<128x128xf32, #tpu.memory_space<vmem>>) target(%dma_start3A_92 : memref<10240x128xf32, #tpu.memory_space<vmem_shared>>) offsets(%dma_start3A_89 : memref<128xi32, #tpu.memory_space<vmem>>) semaphore(%run_scoped3A_86 : memref<!tpu.dma_semaphore, #tpu.memory_space<semaphore_mem>>) {add = true}
          %dma_wait3A_93 = arith.constant 0 : i32
          %dma_wait3A_94 = tpu.memref_slice %arg8[%run_scoped3A_76, %dma_wait3A_93] : memref<2x128xi32, #tpu.memory_space<vmem>> -> memref<1x128xi32, #tpu.memory_space<vmem>>
          %dma_wait3A_95 = tpu.memref_squeeze %dma_wait3A_94 : memref<1x128xi32, #tpu.memory_space<vmem>> -> memref<128xi32, #tpu.memory_space<vmem>>
          %dma_wait3A_96 = arith.constant 0 : i32
          %dma_wait3A_97 = arith.constant 0 : i32
          %dma_wait3A_98 = tpu.memref_slice %arg11[%dma_wait3A_96, %dma_wait3A_97] : memref<10240x128xf32, #tpu.memory_space<vmem_shared>> -> memref<10240x128xf32, #tpu.memory_space<vmem_shared>>
          tpu.wait_indirect_dma semaphore(%run_scoped3A_86 : memref<!tpu.dma_semaphore, #tpu.memory_space<semaphore_mem>>) src(%arg10 : memref<128x128xf32, #tpu.memory_space<vmem>>) dst(%dma_wait3A_98 : memref<10240x128xf32, #tpu.memory_space<vmem_shared>>)
          tpu.yield
        }) : () -> ()
        %add3A_77 = arith.constant 3 : i32
        %add3A_78 = arith.addi %add3A_51, %add3A_77 : i32
        "tpu.region"() ({
          %run_scoped3A_86 = tpu.sem_alloc : memref<!tpu.dma_semaphore, #tpu.memory_space<semaphore_mem>>
          %dma_start3A_87 = arith.constant 0 : i32
          %dma_start3A_88 = arith.constant 0 : i32
          %dma_start3A_89 = tpu.memref_slice %arg4[%arg1, %add3A_78, %dma_start3A_87, %dma_start3A_88] : memref<16x30x2x128xi32, #tpu.memory_space<hbm>> -> memref<1x1x2x128xi32, #tpu.memory_space<hbm>>
          %dma_start3A_90 = tpu.memref_squeeze %dma_start3A_89 : memref<1x1x2x128xi32, #tpu.memory_space<hbm>> -> memref<2x128xi32, #tpu.memory_space<hbm>>
          %dma_start3A_91 = arith.constant 0 : i32
          %dma_start3A_92 = arith.constant 0 : i32
          %dma_start3A_93 = tpu.memref_slice %arg4[%arg1, %add3A_78, %dma_start3A_91, %dma_start3A_92] : memref<16x30x2x128xi32, #tpu.memory_space<hbm>> -> memref<1x1x2x128xi32, #tpu.memory_space<hbm>>
          %dma_start3A_94 = tpu.memref_squeeze %dma_start3A_93 : memref<1x1x2x128xi32, #tpu.memory_space<hbm>> -> memref<2x128xi32, #tpu.memory_space<hbm>>
          tpu.enqueue_dma source(%dma_start3A_94 : memref<2x128xi32, #tpu.memory_space<hbm>>) target(%arg8 : memref<2x128xi32, #tpu.memory_space<vmem>>) target_semaphore(%run_scoped3A_86 : memref<!tpu.dma_semaphore, #tpu.memory_space<semaphore_mem>>)
          %dma_wait3A_95 = arith.constant 0 : i32
          %dma_wait3A_96 = arith.constant 0 : i32
          %dma_wait3A_97 = tpu.memref_slice %arg4[%arg1, %add3A_78, %dma_wait3A_95, %dma_wait3A_96] : memref<16x30x2x128xi32, #tpu.memory_space<hbm>> -> memref<1x1x2x128xi32, #tpu.memory_space<hbm>>
          %dma_wait3A_98 = tpu.memref_squeeze %dma_wait3A_97 : memref<1x1x2x128xi32, #tpu.memory_space<hbm>> -> memref<2x128xi32, #tpu.memory_space<hbm>>
          %dma_wait3A_99 = arith.constant 0 : i32
          %dma_wait3A_100 = arith.constant 0 : i32
          %dma_wait3A_101 = tpu.memref_slice %arg4[%arg1, %add3A_78, %dma_wait3A_99, %dma_wait3A_100] : memref<16x30x2x128xi32, #tpu.memory_space<hbm>> -> memref<1x1x2x128xi32, #tpu.memory_space<hbm>>
          %dma_wait3A_102 = tpu.memref_squeeze %dma_wait3A_101 : memref<1x1x2x128xi32, #tpu.memory_space<hbm>> -> memref<2x128xi32, #tpu.memory_space<hbm>>
          tpu.wait_dma2 semaphore(%run_scoped3A_86 : memref<!tpu.dma_semaphore, #tpu.memory_space<semaphore_mem>>) src(%dma_wait3A_102 : memref<2x128xi32, #tpu.memory_space<hbm>>) dst(%arg8 : memref<2x128xi32, #tpu.memory_space<vmem>>)
          tpu.yield
        }) : () -> ()
        %dma_start3A_79 = arith.constant 0 : i32
        %dma_start3A_80 = arith.constant 0 : i32
        %dma_start3A_81 = tpu.memref_slice %arg8[%dma_start3A_79, %dma_start3A_80] : memref<2x128xi32, #tpu.memory_space<vmem>> -> memref<1x128xi32, #tpu.memory_space<vmem>>
        %dma_start3A_82 = tpu.memref_squeeze %dma_start3A_81 : memref<1x128xi32, #tpu.memory_space<vmem>> -> memref<128xi32, #tpu.memory_space<vmem>>
        %dma_start3A_83 = arith.constant 0 : i32
        %dma_start3A_84 = arith.constant 0 : i32
        %dma_start3A_85 = tpu.memref_slice %arg2[%dma_start3A_83, %dma_start3A_84] : memref<10240x128xf32, #tpu.memory_space<hbm>> -> memref<10240x128xf32, #tpu.memory_space<hbm>>
        tpu.enqueue_indirect_dma source(%dma_start3A_85 : memref<10240x128xf32, #tpu.memory_space<hbm>>) target(%arg10 : memref<128x128xf32, #tpu.memory_space<vmem>>) offsets(%dma_start3A_82 : memref<128xi32, #tpu.memory_space<vmem>>) semaphore(%arg13 : memref<!tpu.dma_semaphore, #tpu.memory_space<semaphore_mem>>)
      }
      %scan3A_32 = arith.constant 14 : i32
      %dma_wait3A = arith.constant 0 : i32
      %dma_wait3A_33 = arith.constant 0 : i32
      %dma_wait3A_34 = tpu.memref_slice %arg7[%dma_wait3A, %dma_wait3A_33] : memref<2x128xi32, #tpu.memory_space<vmem>> -> memref<1x128xi32, #tpu.memory_space<vmem>>
      %dma_wait3A_35 = tpu.memref_squeeze %dma_wait3A_34 : memref<1x128xi32, #tpu.memory_space<vmem>> -> memref<128xi32, #tpu.memory_space<vmem>>
      %dma_wait3A_36 = arith.constant 0 : i32
      %dma_wait3A_37 = arith.constant 0 : i32
      %dma_wait3A_38 = tpu.memref_slice %arg2[%dma_wait3A_36, %dma_wait3A_37] : memref<10240x128xf32, #tpu.memory_space<hbm>> -> memref<10240x128xf32, #tpu.memory_space<hbm>>
      tpu.wait_indirect_dma semaphore(%arg12 : memref<!tpu.dma_semaphore, #tpu.memory_space<semaphore_mem>>) src(%dma_wait3A_38 : memref<10240x128xf32, #tpu.memory_space<hbm>>) dst(%arg9 : memref<128x128xf32, #tpu.memory_space<vmem>>)
      %run_scoped3A_39 = arith.constant 1 : i32
      "tpu.region"() ({
        %run_scoped3A_48 = tpu.sem_alloc : memref<!tpu.dma_semaphore, #tpu.memory_space<semaphore_mem>>
        %dma_start3A_49 = arith.constant 0 : i32
        %dma_start3A_50 = tpu.memref_slice %arg7[%run_scoped3A_39, %dma_start3A_49] : memref<2x128xi32, #tpu.memory_space<vmem>> -> memref<1x128xi32, #tpu.memory_space<vmem>>
        %dma_start3A_51 = tpu.memref_squeeze %dma_start3A_50 : memref<1x128xi32, #tpu.memory_space<vmem>> -> memref<128xi32, #tpu.memory_space<vmem>>
        %dma_start3A_52 = arith.constant 0 : i32
        %dma_start3A_53 = arith.constant 0 : i32
        %dma_start3A_54 = tpu.memref_slice %arg11[%dma_start3A_52, %dma_start3A_53] : memref<10240x128xf32, #tpu.memory_space<vmem_shared>> -> memref<10240x128xf32, #tpu.memory_space<vmem_shared>>
        tpu.enqueue_indirect_dma source(%arg9 : memref<128x128xf32, #tpu.memory_space<vmem>>) target(%dma_start3A_54 : memref<10240x128xf32, #tpu.memory_space<vmem_shared>>) offsets(%dma_start3A_51 : memref<128xi32, #tpu.memory_space<vmem>>) semaphore(%run_scoped3A_48 : memref<!tpu.dma_semaphore, #tpu.memory_space<semaphore_mem>>) {add = true}
        %dma_wait3A_55 = arith.constant 0 : i32
        %dma_wait3A_56 = tpu.memref_slice %arg7[%run_scoped3A_39, %dma_wait3A_55] : memref<2x128xi32, #tpu.memory_space<vmem>> -> memref<1x128xi32, #tpu.memory_space<vmem>>
        %dma_wait3A_57 = tpu.memref_squeeze %dma_wait3A_56 : memref<1x128xi32, #tpu.memory_space<vmem>> -> memref<128xi32, #tpu.memory_space<vmem>>
        %dma_wait3A_58 = arith.constant 0 : i32
        %dma_wait3A_59 = arith.constant 0 : i32
        %dma_wait3A_60 = tpu.memref_slice %arg11[%dma_wait3A_58, %dma_wait3A_59] : memref<10240x128xf32, #tpu.memory_space<vmem_shared>> -> memref<10240x128xf32, #tpu.memory_space<vmem_shared>>
        tpu.wait_indirect_dma semaphore(%run_scoped3A_48 : memref<!tpu.dma_semaphore, #tpu.memory_space<semaphore_mem>>) src(%arg9 : memref<128x128xf32, #tpu.memory_space<vmem>>) dst(%dma_wait3A_60 : memref<10240x128xf32, #tpu.memory_space<vmem_shared>>)
        tpu.yield
      }) : () -> ()
      %dma_wait3A_40 = arith.constant 0 : i32
      %dma_wait3A_41 = arith.constant 0 : i32
      %dma_wait3A_42 = tpu.memref_slice %arg8[%dma_wait3A_40, %dma_wait3A_41] : memref<2x128xi32, #tpu.memory_space<vmem>> -> memref<1x128xi32, #tpu.memory_space<vmem>>
      %dma_wait3A_43 = tpu.memref_squeeze %dma_wait3A_42 : memref<1x128xi32, #tpu.memory_space<vmem>> -> memref<128xi32, #tpu.memory_space<vmem>>
      %dma_wait3A_44 = arith.constant 0 : i32
      %dma_wait3A_45 = arith.constant 0 : i32
      %dma_wait3A_46 = tpu.memref_slice %arg2[%dma_wait3A_44, %dma_wait3A_45] : memref<10240x128xf32, #tpu.memory_space<hbm>> -> memref<10240x128xf32, #tpu.memory_space<hbm>>
      tpu.wait_indirect_dma semaphore(%arg13 : memref<!tpu.dma_semaphore, #tpu.memory_space<semaphore_mem>>) src(%dma_wait3A_46 : memref<10240x128xf32, #tpu.memory_space<hbm>>) dst(%arg10 : memref<128x128xf32, #tpu.memory_space<vmem>>)
      %run_scoped3A_47 = arith.constant 1 : i32
      "tpu.region"() ({
        %run_scoped3A_48 = tpu.sem_alloc : memref<!tpu.dma_semaphore, #tpu.memory_space<semaphore_mem>>
        %dma_start3A_49 = arith.constant 0 : i32
        %dma_start3A_50 = tpu.memref_slice %arg8[%run_scoped3A_47, %dma_start3A_49] : memref<2x128xi32, #tpu.memory_space<vmem>> -> memref<1x128xi32, #tpu.memory_space<vmem>>
        %dma_start3A_51 = tpu.memref_squeeze %dma_start3A_50 : memref<1x128xi32, #tpu.memory_space<vmem>> -> memref<128xi32, #tpu.memory_space<vmem>>
        %dma_start3A_52 = arith.constant 0 : i32
        %dma_start3A_53 = arith.constant 0 : i32
        %dma_start3A_54 = tpu.memref_slice %arg11[%dma_start3A_52, %dma_start3A_53] : memref<10240x128xf32, #tpu.memory_space<vmem_shared>> -> memref<10240x128xf32, #tpu.memory_space<vmem_shared>>
        tpu.enqueue_indirect_dma source(%arg10 : memref<128x128xf32, #tpu.memory_space<vmem>>) target(%dma_start3A_54 : memref<10240x128xf32, #tpu.memory_space<vmem_shared>>) offsets(%dma_start3A_51 : memref<128xi32, #tpu.memory_space<vmem>>) semaphore(%run_scoped3A_48 : memref<!tpu.dma_semaphore, #tpu.memory_space<semaphore_mem>>) {add = true}
        %dma_wait3A_55 = arith.constant 0 : i32
        %dma_wait3A_56 = tpu.memref_slice %arg8[%run_scoped3A_47, %dma_wait3A_55] : memref<2x128xi32, #tpu.memory_space<vmem>> -> memref<1x128xi32, #tpu.memory_space<vmem>>
        %dma_wait3A_57 = tpu.memref_squeeze %dma_wait3A_56 : memref<1x128xi32, #tpu.memory_space<vmem>> -> memref<128xi32, #tpu.memory_space<vmem>>
        %dma_wait3A_58 = arith.constant 0 : i32
        %dma_wait3A_59 = arith.constant 0 : i32
        %dma_wait3A_60 = tpu.memref_slice %arg11[%dma_wait3A_58, %dma_wait3A_59] : memref<10240x128xf32, #tpu.memory_space<vmem_shared>> -> memref<10240x128xf32, #tpu.memory_space<vmem_shared>>
        tpu.wait_indirect_dma semaphore(%run_scoped3A_48 : memref<!tpu.dma_semaphore, #tpu.memory_space<semaphore_mem>>) src(%arg10 : memref<128x128xf32, #tpu.memory_space<vmem>>) dst(%dma_wait3A_60 : memref<10240x128xf32, #tpu.memory_space<vmem_shared>>)
        tpu.yield
      }) : () -> ()
    } else {
    }
    %barrier3A_10 = arith.constant 0 : index
    tpu.barrier barrier_id(%barrier3A_10)
    %mul3A_11 = arith.constant 640 : i32
    %mul3A_12 = arith.muli %arg1, %mul3A_11 : i32
    %mul3A_13 = arith.constant 640 : i32
    %mul3A_14 = arith.muli %arg1, %mul3A_13 : i32
    "tpu.region"() ({
      %run_scoped3A = tpu.sem_alloc : memref<!tpu.dma_semaphore, #tpu.memory_space<semaphore_mem>>
      %dma_start3A = arith.constant 0 : i32
      %dma_start3A_15 = tpu.memref_slice %arg6[%arg0, %mul3A_14, %dma_start3A] : memref<2x10240x128xf32, #tpu.memory_space<hbm>> -> memref<1x640x128xf32, #tpu.memory_space<hbm>>
      %dma_start3A_16 = tpu.memref_squeeze %dma_start3A_15 : memref<1x640x128xf32, #tpu.memory_space<hbm>> -> memref<640x128xf32, #tpu.memory_space<hbm>>
      %dma_start3A_17 = arith.constant 0 : i32
      %dma_start3A_18 = tpu.memref_slice %arg11[%mul3A_12, %dma_start3A_17] : memref<10240x128xf32, #tpu.memory_space<vmem_shared>> -> memref<640x128xf32, #tpu.memory_space<vmem_shared>>
      tpu.enqueue_dma source(%dma_start3A_18 : memref<640x128xf32, #tpu.memory_space<vmem_shared>>) target(%dma_start3A_16 : memref<640x128xf32, #tpu.memory_space<hbm>>) target_semaphore(%run_scoped3A : memref<!tpu.dma_semaphore, #tpu.memory_space<semaphore_mem>>)
      %dma_wait3A = arith.constant 0 : i32
      %dma_wait3A_19 = tpu.memref_slice %arg6[%arg0, %mul3A_14, %dma_wait3A] : memref<2x10240x128xf32, #tpu.memory_space<hbm>> -> memref<1x640x128xf32, #tpu.memory_space<hbm>>
      %dma_wait3A_20 = tpu.memref_squeeze %dma_wait3A_19 : memref<1x640x128xf32, #tpu.memory_space<hbm>> -> memref<640x128xf32, #tpu.memory_space<hbm>>
      %dma_wait3A_21 = arith.constant 0 : i32
      %dma_wait3A_22 = tpu.memref_slice %arg11[%mul3A_12, %dma_wait3A_21] : memref<10240x128xf32, #tpu.memory_space<vmem_shared>> -> memref<640x128xf32, #tpu.memory_space<vmem_shared>>
      tpu.wait_dma2 semaphore(%run_scoped3A : memref<!tpu.dma_semaphore, #tpu.memory_space<semaphore_mem>>) src(%dma_wait3A_22 : memref<640x128xf32, #tpu.memory_space<vmem_shared>>) dst(%dma_wait3A_20 : memref<640x128xf32, #tpu.memory_space<hbm>>)
      tpu.yield
    }) : () -> ()
    return
  }
}

module attributes {stable_mosaic.version = 14 : i64} {
  func.func @body(%arg0: i32, %arg1: memref<2048x128xf32, #tpu.memory_space<vmem>>, %arg2: memref<128x128xf32, #tpu.memory_space<vmem>>, %arg3: memref<2048x128xf32, #tpu.memory_space<vmem>>) attributes {dimension_semantics = [#tpu.dimension_semantics<arbitrary>], iteration_bounds = array<i64: 5>, scalar_prefetch = 0 : i64, scratch_operands = 0 : i64, tpu.core_type = #tpu.core_type<tc>, window_params = [{transform_indices = @transform_0, window_bounds = array<i64: 2048, 128>}, {pipeline_mode = #tpu.pipeline_mode<synchronous>, transform_indices = @transform_1, window_bounds = array<i64: 128, 128>}, {transform_indices = @transform_2, window_bounds = array<i64: 2048, 128>}]} {
    %get3A = arith.constant 0 : index
    %get3A_0 = arith.constant 0 : index
    %get3A_1 = vector.load %arg1[%get3A, %get3A_0] : memref<2048x128xf32, #tpu.memory_space<vmem>>, vector<2048x128xf32>
    %convert_element_type3A = arith.truncf %get3A_1 : vector<2048x128xf32> to vector<2048x128xbf16>
    %get3A_2 = arith.constant 0 : index
    %get3A_3 = arith.constant 0 : index
    %get3A_4 = vector.load %arg2[%get3A_2, %get3A_3] : memref<128x128xf32, #tpu.memory_space<vmem>>, vector<128x128xf32>
    %convert_element_type3A_5 = arith.truncf %get3A_4 : vector<128x128xf32> to vector<128x128xbf16>
    %dot_general3A = arith.constant dense<0.000000e+00> : vector<2048x128xf32>
    %dot_general3A_6 = tpu.matmul %convert_element_type3A, %convert_element_type3A_5, %dot_general3A {dimension_numbers = #tpu.dot_dimension_numbers<[1], [0], [0], [1], [0, 0, 1, 1], [], []>, transpose_lhs_hint = false} : vector<2048x128xbf16>, vector<128x128xbf16>, vector<2048x128xf32> -> vector<2048x128xf32>
    %swap3A = arith.constant 0 : index
    %swap3A_7 = arith.constant 0 : index
    %swap3A_8 = vector.load %arg3[%swap3A, %swap3A_7] : memref<2048x128xf32, #tpu.memory_space<vmem>>, vector<2048x128xf32>
    tpu.vector_store %arg3[%swap3A, %swap3A_7], %dot_general3A_6 {strides = array<i32>} : memref<2048x128xf32, #tpu.memory_space<vmem>>, vector<2048x128xf32>,
    return
  }
  func.func @transform_0(%arg0: i32) -> (i32, i32) {
    %c0_i32 = arith.constant 0 : i32
    %c0_i32_0 = arith.constant 0 : i32
    return %arg0, %c0_i32 : i32, i32
  }
  func.func @transform_1(%arg0: i32) -> (i32, i32) {
    %c0_i32 = arith.constant 0 : i32
    %c0_i32_0 = arith.constant 0 : i32
    %c0_i32_1 = arith.constant 0 : i32
    return %c0_i32, %c0_i32_0 : i32, i32
  }
  func.func @transform_2(%arg0: i32) -> (i32, i32) {
    %c0_i32 = arith.constant 0 : i32
    %c0_i32_0 = arith.constant 0 : i32
    return %arg0, %c0_i32 : i32, i32
  }
}

module attributes {stable_mosaic.version = 14 : i64} {
  func.func @body(%arg0: i32, %arg1: memref<2048x128xf32, #tpu.memory_space<vmem>>, %arg2: memref<2048x128xf32, #tpu.memory_space<vmem>>, %arg3: memref<2048x128xf32, #tpu.memory_space<vmem>>, %arg4: memref<2048x1xf32, #tpu.memory_space<vmem>>, %arg5: memref<2048x128xf32, #tpu.memory_space<vmem>>) attributes {dimension_semantics = [#tpu.dimension_semantics<arbitrary>], iteration_bounds = array<i64: 5>, scalar_prefetch = 0 : i64, scratch_operands = 0 : i64, tpu.core_type = #tpu.core_type<tc>, window_params = [{transform_indices = @transform_0, window_bounds = array<i64: 2048, 128>}, {transform_indices = @transform_1, window_bounds = array<i64: 2048, 128>}, {transform_indices = @transform_2, window_bounds = array<i64: 2048, 128>}, {transform_indices = @transform_3, window_bounds = array<i64: 2048, 1>}, {transform_indices = @transform_4, window_bounds = array<i64: 2048, 128>}]} {
    %get3A = arith.constant 0 : index
    %get3A_0 = arith.constant 0 : index
    %get3A_1 = vector.load %arg1[%get3A, %get3A_0] : memref<2048x128xf32, #tpu.memory_space<vmem>>, vector<2048x1xf32>
    %add3A = arith.constant 1.000000e+00 : f32
    %add3A_2 = vector.broadcast %add3A : f32 to vector<2048x1xf32>
    %add3A_3 = arith.addf %add3A_2, %get3A_1 : vector<2048x1xf32>
    %get3A_4 = arith.constant 0 : index
    %get3A_5 = arith.constant 0 : index
    %get3A_6 = vector.load %arg2[%get3A_4, %get3A_5] : memref<2048x128xf32, #tpu.memory_space<vmem>>, vector<2048x1xf32>
    %add3A_7 = arith.addf %add3A_3, %get3A_6 : vector<2048x1xf32>
    %rsqrt3A = math.rsqrt %add3A_7 : vector<2048x1xf32>
    %swap3A = arith.constant 0 : index
    %swap3A_8 = arith.constant 0 : index
    %swap3A_9 = vector.load %arg4[%swap3A, %swap3A_8] : memref<2048x1xf32, #tpu.memory_space<vmem>>, vector<2048x1xf32>
    tpu.vector_store %arg4[%swap3A, %swap3A_8], %rsqrt3A {strides = array<i32>} : memref<2048x1xf32, #tpu.memory_space<vmem>>, vector<2048x1xf32>,
    %get3A_10 = arith.constant 0 : index
    %get3A_11 = arith.constant 0 : index
    %get3A_12 = vector.load %arg3[%get3A_10, %get3A_11] : memref<2048x128xf32, #tpu.memory_space<vmem>>, vector<2048x128xf32>
    %mul3A = vector.broadcast %rsqrt3A : vector<2048x1xf32> to vector<2048x128xf32>
    %mul3A_13 = arith.mulf %get3A_12, %mul3A : vector<2048x128xf32>
    %swap3A_14 = arith.constant 0 : index
    %swap3A_15 = arith.constant 0 : index
    %swap3A_16 = vector.load %arg5[%swap3A_14, %swap3A_15] : memref<2048x128xf32, #tpu.memory_space<vmem>>, vector<2048x128xf32>
    tpu.vector_store %arg5[%swap3A_14, %swap3A_15], %mul3A_13 {strides = array<i32>} : memref<2048x128xf32, #tpu.memory_space<vmem>>, vector<2048x128xf32>,
    return
  }
  func.func @transform_0(%arg0: i32) -> (i32, i32) {
    %c0_i32 = arith.constant 0 : i32
    %c0_i32_0 = arith.constant 0 : i32
    return %arg0, %c0_i32 : i32, i32
  }
  func.func @transform_1(%arg0: i32) -> (i32, i32) {
    %c0_i32 = arith.constant 0 : i32
    %c0_i32_0 = arith.constant 0 : i32
    return %arg0, %c0_i32 : i32, i32
  }
  func.func @transform_2(%arg0: i32) -> (i32, i32) {
    %c0_i32 = arith.constant 0 : i32
    %c0_i32_0 = arith.constant 0 : i32
    return %arg0, %c0_i32 : i32, i32
  }
  func.func @transform_3(%arg0: i32) -> (i32, i32) {
    %c0_i32 = arith.constant 0 : i32
    %c0_i32_0 = arith.constant 0 : i32
    return %arg0, %c0_i32 : i32, i32
  }
  func.func @transform_4(%arg0: i32) -> (i32, i32) {
    %c0_i32 = arith.constant 0 : i32
    %c0_i32_0 = arith.constant 0 : i32
    return %arg0, %c0_i32 : i32, i32
  }
}

module attributes {stable_mosaic.version = 14 : i64} {
  func.func @body(%arg0: i32, %arg1: memref<2048x128xf32, #tpu.memory_space<vmem>>, %arg2: memref<2048x128xf32, #tpu.memory_space<vmem>>, %arg3: memref<2048x128xf32, #tpu.memory_space<vmem>>, %arg4: memref<2048x1xf32, #tpu.memory_space<vmem>>, %arg5: memref<1x128xf32, #tpu.memory_space<vmem>>, %arg6: memref<128x128xf32, #tpu.memory_space<vmem>>, %arg7: memref<2048x128xf32, #tpu.memory_space<vmem>>) attributes {dimension_semantics = [#tpu.dimension_semantics<arbitrary>], iteration_bounds = array<i64: 5>, scalar_prefetch = 0 : i64, scratch_operands = 0 : i64, tpu.core_type = #tpu.core_type<tc>, window_params = [{transform_indices = @transform_0, window_bounds = array<i64: 2048, 128>}, {transform_indices = @transform_1, window_bounds = array<i64: 2048, 128>}, {transform_indices = @transform_2, window_bounds = array<i64: 2048, 128>}, {transform_indices = @transform_3, window_bounds = array<i64: 2048, 1>}, {pipeline_mode = #tpu.pipeline_mode<synchronous>, transform_indices = @transform_4, window_bounds = array<i64: 1, 128>}, {pipeline_mode = #tpu.pipeline_mode<synchronous>, transform_indices = @transform_5, window_bounds = array<i64: 128, 128>}, {transform_indices = @transform_6, window_bounds = array<i64: 2048, 128>}]} {
    %get3A = arith.constant 0 : index
    %get3A_0 = arith.constant 0 : index
    %get3A_1 = vector.load %arg4[%get3A, %get3A_0] : memref<2048x1xf32, #tpu.memory_space<vmem>>, vector<2048x1xf32>
    %get3A_2 = arith.constant 0 : index
    %get3A_3 = arith.constant 0 : index
    %get3A_4 = vector.load %arg1[%get3A_2, %get3A_3] : memref<2048x128xf32, #tpu.memory_space<vmem>>, vector<2048x128xf32>
    %get3A_5 = arith.constant 0 : index
    %get3A_6 = arith.constant 0 : index
    %get3A_7 = vector.load %arg2[%get3A_5, %get3A_6] : memref<2048x128xf32, #tpu.memory_space<vmem>>, vector<2048x128xf32>
    %add3A = arith.addf %get3A_4, %get3A_7 : vector<2048x128xf32>
    %get3A_8 = arith.constant 0 : index
    %get3A_9 = arith.constant 0 : index
    %get3A_10 = vector.load %arg3[%get3A_8, %get3A_9] : memref<2048x128xf32, #tpu.memory_space<vmem>>, vector<2048x128xf32>
    %add3A_11 = arith.addf %add3A, %get3A_10 : vector<2048x128xf32>
    %mul3A = vector.broadcast %get3A_1 : vector<2048x1xf32> to vector<2048x128xf32>
    %mul3A_12 = arith.mulf %mul3A, %add3A_11 : vector<2048x128xf32>
    %get3A_13 = arith.constant 0 : index
    %get3A_14 = arith.constant 0 : index
    %get3A_15 = vector.load %arg5[%get3A_13, %get3A_14] : memref<1x128xf32, #tpu.memory_space<vmem>>, vector<1x128xf32>
    %add3A_16 = vector.broadcast %get3A_15 : vector<1x128xf32> to vector<2048x128xf32>
    %add3A_17 = arith.addf %mul3A_12, %add3A_16 : vector<2048x128xf32>
    %max3A = arith.constant 0.000000e+00 : f32
    %max3A_18 = vector.broadcast %max3A : f32 to vector<2048x128xf32>
    %max3A_19 = arith.maximumf %add3A_17, %max3A_18 : vector<2048x128xf32>
    %convert_element_type3A = arith.truncf %max3A_19 : vector<2048x128xf32> to vector<2048x128xbf16>
    %get3A_20 = arith.constant 0 : index
    %get3A_21 = arith.constant 0 : index
    %get3A_22 = vector.load %arg6[%get3A_20, %get3A_21] : memref<128x128xf32, #tpu.memory_space<vmem>>, vector<128x128xf32>
    %convert_element_type3A_23 = arith.truncf %get3A_22 : vector<128x128xf32> to vector<128x128xbf16>
    %dot_general3A = arith.constant dense<0.000000e+00> : vector<2048x128xf32>
    %dot_general3A_24 = tpu.matmul %convert_element_type3A, %convert_element_type3A_23, %dot_general3A {dimension_numbers = #tpu.dot_dimension_numbers<[1], [0], [0], [1], [0, 0, 1, 1], [], []>, transpose_lhs_hint = false} : vector<2048x128xbf16>, vector<128x128xbf16>, vector<2048x128xf32> -> vector<2048x128xf32>
    %get3A_25 = arith.constant 0 : index
    %get3A_26 = arith.constant 0 : index
    %get3A_27 = vector.load %arg4[%get3A_25, %get3A_26] : memref<2048x1xf32, #tpu.memory_space<vmem>>, vector<2048x1xf32>
    %mul3A_28 = vector.broadcast %get3A_27 : vector<2048x1xf32> to vector<2048x128xf32>
    %mul3A_29 = arith.mulf %dot_general3A_24, %mul3A_28 : vector<2048x128xf32>
    %swap3A = arith.constant 0 : index
    %swap3A_30 = arith.constant 0 : index
    %swap3A_31 = vector.load %arg7[%swap3A, %swap3A_30] : memref<2048x128xf32, #tpu.memory_space<vmem>>, vector<2048x128xf32>
    tpu.vector_store %arg7[%swap3A, %swap3A_30], %mul3A_29 {strides = array<i32>} : memref<2048x128xf32, #tpu.memory_space<vmem>>, vector<2048x128xf32>,
    return
  }
  func.func @transform_0(%arg0: i32) -> (i32, i32) {
    %c0_i32 = arith.constant 0 : i32
    %c0_i32_0 = arith.constant 0 : i32
    return %arg0, %c0_i32 : i32, i32
  }
  func.func @transform_1(%arg0: i32) -> (i32, i32) {
    %c0_i32 = arith.constant 0 : i32
    %c0_i32_0 = arith.constant 0 : i32
    return %arg0, %c0_i32 : i32, i32
  }
  func.func @transform_2(%arg0: i32) -> (i32, i32) {
    %c0_i32 = arith.constant 0 : i32
    %c0_i32_0 = arith.constant 0 : i32
    return %arg0, %c0_i32 : i32, i32
  }
  func.func @transform_3(%arg0: i32) -> (i32, i32) {
    %c0_i32 = arith.constant 0 : i32
    %c0_i32_0 = arith.constant 0 : i32
    return %arg0, %c0_i32 : i32, i32
  }
  func.func @transform_4(%arg0: i32) -> (i32, i32) {
    %c0_i32 = arith.constant 0 : i32
    %c0_i32_0 = arith.constant 0 : i32
    %c0_i32_1 = arith.constant 0 : i32
    return %c0_i32, %c0_i32_0 : i32, i32
  }
  func.func @transform_5(%arg0: i32) -> (i32, i32) {
    %c0_i32 = arith.constant 0 : i32
    %c0_i32_0 = arith.constant 0 : i32
    %c0_i32_1 = arith.constant 0 : i32
    return %c0_i32, %c0_i32_0 : i32, i32
  }
  func.func @transform_6(%arg0: i32) -> (i32, i32) {
    %c0_i32 = arith.constant 0 : i32
    %c0_i32_0 = arith.constant 0 : i32
    return %arg0, %c0_i32 : i32, i32
  }
}

module attributes {stable_mosaic.version = 14 : i64} {
  func.func @body(%arg0: i32, %arg1: memref<2048x128xf32, #tpu.memory_space<vmem>>, %arg2: memref<2048x128xf32, #tpu.memory_space<vmem>>, %arg3: memref<2048x128xf32, #tpu.memory_space<vmem>>, %arg4: memref<2048x1xf32, #tpu.memory_space<vmem>>, %arg5: memref<1x128xf32, #tpu.memory_space<vmem>>, %arg6: memref<2048x128xf32, #tpu.memory_space<vmem>>) attributes {dimension_semantics = [#tpu.dimension_semantics<arbitrary>], iteration_bounds = array<i64: 5>, scalar_prefetch = 0 : i64, scratch_operands = 0 : i64, tpu.core_type = #tpu.core_type<tc>, window_params = [{transform_indices = @transform_0, window_bounds = array<i64: 2048, 128>}, {transform_indices = @transform_1, window_bounds = array<i64: 2048, 128>}, {transform_indices = @transform_2, window_bounds = array<i64: 2048, 128>}, {transform_indices = @transform_3, window_bounds = array<i64: 2048, 1>}, {pipeline_mode = #tpu.pipeline_mode<synchronous>, transform_indices = @transform_4, window_bounds = array<i64: 1, 128>}, {transform_indices = @transform_5, window_bounds = array<i64: 2048, 128>}]} {
    %get3A = arith.constant 0 : index
    %get3A_0 = arith.constant 0 : index
    %get3A_1 = vector.load %arg4[%get3A, %get3A_0] : memref<2048x1xf32, #tpu.memory_space<vmem>>, vector<2048x1xf32>
    %get3A_2 = arith.constant 0 : index
    %get3A_3 = arith.constant 0 : index
    %get3A_4 = vector.load %arg1[%get3A_2, %get3A_3] : memref<2048x128xf32, #tpu.memory_space<vmem>>, vector<2048x128xf32>
    %get3A_5 = arith.constant 0 : index
    %get3A_6 = arith.constant 0 : index
    %get3A_7 = vector.load %arg2[%get3A_5, %get3A_6] : memref<2048x128xf32, #tpu.memory_space<vmem>>, vector<2048x128xf32>
    %add3A = arith.addf %get3A_4, %get3A_7 : vector<2048x128xf32>
    %get3A_8 = arith.constant 0 : index
    %get3A_9 = arith.constant 0 : index
    %get3A_10 = vector.load %arg3[%get3A_8, %get3A_9] : memref<2048x128xf32, #tpu.memory_space<vmem>>, vector<2048x128xf32>
    %add3A_11 = arith.addf %add3A, %get3A_10 : vector<2048x128xf32>
    %mul3A = vector.broadcast %get3A_1 : vector<2048x1xf32> to vector<2048x128xf32>
    %mul3A_12 = arith.mulf %mul3A, %add3A_11 : vector<2048x128xf32>
    %get3A_13 = arith.constant 0 : index
    %get3A_14 = arith.constant 0 : index
    %get3A_15 = vector.load %arg5[%get3A_13, %get3A_14] : memref<1x128xf32, #tpu.memory_space<vmem>>, vector<1x128xf32>
    %add3A_16 = vector.broadcast %get3A_15 : vector<1x128xf32> to vector<2048x128xf32>
    %add3A_17 = arith.addf %mul3A_12, %add3A_16 : vector<2048x128xf32>
    %max3A = arith.constant 0.000000e+00 : f32
    %max3A_18 = vector.broadcast %max3A : f32 to vector<2048x128xf32>
    %max3A_19 = arith.maximumf %add3A_17, %max3A_18 : vector<2048x128xf32>
    %swap3A = arith.constant 0 : index
    %swap3A_20 = arith.constant 0 : index
    %swap3A_21 = vector.load %arg6[%swap3A, %swap3A_20] : memref<2048x128xf32, #tpu.memory_space<vmem>>, vector<2048x128xf32>
    tpu.vector_store %arg6[%swap3A, %swap3A_20], %max3A_19 {strides = array<i32>} : memref<2048x128xf32, #tpu.memory_space<vmem>>, vector<2048x128xf32>,
    return
  }
  func.func @transform_0(%arg0: i32) -> (i32, i32) {
    %c0_i32 = arith.constant 0 : i32
    %c0_i32_0 = arith.constant 0 : i32
    return %arg0, %c0_i32 : i32, i32
  }
  func.func @transform_1(%arg0: i32) -> (i32, i32) {
    %c0_i32 = arith.constant 0 : i32
    %c0_i32_0 = arith.constant 0 : i32
    return %arg0, %c0_i32 : i32, i32
  }
  func.func @transform_2(%arg0: i32) -> (i32, i32) {
    %c0_i32 = arith.constant 0 : i32
    %c0_i32_0 = arith.constant 0 : i32
    return %arg0, %c0_i32 : i32, i32
  }
  func.func @transform_3(%arg0: i32) -> (i32, i32) {
    %c0_i32 = arith.constant 0 : i32
    %c0_i32_0 = arith.constant 0 : i32
    return %arg0, %c0_i32 : i32, i32
  }
  func.func @transform_4(%arg0: i32) -> (i32, i32) {
    %c0_i32 = arith.constant 0 : i32
    %c0_i32_0 = arith.constant 0 : i32
    %c0_i32_1 = arith.constant 0 : i32
    return %c0_i32, %c0_i32_0 : i32, i32
  }
  func.func @transform_5(%arg0: i32) -> (i32, i32) {
    %c0_i32 = arith.constant 0 : i32
    %c0_i32_0 = arith.constant 0 : i32
    return %arg0, %c0_i32 : i32, i32
  }
}

</mosaic_0001>

<sc_bundles>
// kernel: kernel.12.cloned.1.call-start
scs
__scs_entry_jumppad:
0x0: {  	(pc) =	sbr.rel $0x88, $3  }
0x1: {  	(tag) =	ssettag $0x0;
	lr =	simm.s32 $0x1  }
0x2: {  	[smem:$0x3F9B] =	sst lr;
	_ =	strace $0xD0000000  }
0x3: {  	_ = 	snop  }
0x4: {  	_ = 	snop  }
0x5: {  	_ = 	snop  }
0x6: {  	_ = 	snop  }
0x7: {  	_ = 	snop  }
__scs_overlays_trampoline_lowered:
0x8: {  	[smem:$0x3FAA] =	sst s0  }
0x9: {  	[smem:$0x3FAB] =	sst s1  }
0xa: {  	[smem:$0x3FAC] =	sst s2  }
0xb: {  	[smem:$0x3FAD] =	sst s3  }
0xc: {  	[smem:$0x3FAE] =	sst s4  }
0xd: {  	[smem:$0x3FAF] =	sst s5  }
0xe: {  	[smem:$0x3FB0] =	sst s6  }
0xf: {  	[smem:$0x3FB1] =	sst s7  }
0x10: {  	[smem:$0x3FB2] =	sst s8  }
0x11: {  	[smem:$0x3FB3] =	sst s9;
	s0 =	simm.s32 @!p0 $0x0  }
0x12: {  	s1 =	sld [smem:$0x3F99];
	s0 =	simm.s32 @p0 $0x1  }
0x13: {  	[smem:$0x3FB4] =	sst s0;
	s0 =	simm.s32 @!p1 $0x0  }
0x14: {  	s2 =	sld [smem:$0x3F98];
	s0 =	simm.s32 @p1 $0x1  }
0x15: {  	[smem:$0x3FB5] =	sst s0;
	s0 =	simm.s32 @!p2 $0x0  }
0x16: {  	s3 =	sld [smem:$0x3FDB];
	s0 =	simm.s32 @p2 $0x1  }
0x17: {  	s4 =	simm.s32 $0x1BF5;
	[smem:$0x3FB7] =	sst s0  }
0x18: {  	s0 =	sld [smem:$0x3F9A];
	_ =	swait.ge [sflag:s4], $0x0  }
0x19: {  	s7 =	sld [smem:$0x3F9B]  }
0x1a: {  	s8 =	sadd.s32 $0xFFFFE003, lr  }
0x1b: {  	s9 =	sadd.s32 $0xFFFFFEF7, lr;
	s5 =	simm.s32 $0xFFFFFFFF;
	p2 =	slt.u32 s8, $0xFFFFF086  }
0x1c: {  	p1 =	slt.u32 s9, $0xF7A;
	s5 =	simm.s32 @!p2 $0x0  }
0x1d: {  	s5 =	simm.s32 @p1 $0x1;
	p0 =	seq.s32 s7, s2  }
0x1e: {  	s7 =	smul.u32 @!p0 $0xF7A, s2;
	p2 =	seq.s32 @!p0 s5, $0x0  }
0x1f: {  	s9 =	smul.u32 $0xF7A, s1;
	s8 =	simm.s32 @!p0 $0x1BF5;
	p2 =	por !p2, p0  }
0x20: {  	[sflag:s8] =	ssyncset.s32 @!p0 $0xFFFFF086;
	s6 =	sadd.s32 @!p0 s3, s7;
	s7 =	simm.s32 @!p0 $0x108  }
0x21: {  	s3 =	sadd.s32 s3, s9;
	s6 =	sadd.s32 @!p0 $0x88, s6;
	s7 =	simm.s32 @p2 $0x1082  }
0x22: {  	[simem:s7], [sflag:s8] =	dma.local @!p0 [hbm:s6], $0xF7A  }
0x23: {  	s9 =	sor.u32 $0xD0000000, s2;
	s6 =	simm.s32 $0x108;
	_ =	swait.ge @!p0 [sflag:s8], $0x0  }
0x24: {  	s3 =	sadd.s32 $0x88, s3;
	s6 =	simm.s32 @!p1 $0x1082;
	[sflag:s4] =	ssyncset.s32 $0xFFFFF086  }
0x25: {  	[simem:s6], [sflag:s4] =	dma.local [hbm:s3], $0xF7A  }
0x26: {  	[smem:$0x3F9B] =	sst s1;
	(tag) =	ssettag s2;
	_ =	strace s9  }
0x27: {  	s1 =	sld [smem:$0x3FAB]  }
0x28: {  	s2 =	sld [smem:$0x3FAC]  }
0x29: {  	s4 =	sld [smem:$0x3FAE]  }
0x2a: {  	p0 =	seq.s32 s5, $0x0;
	s5 =	sld [smem:$0x3FAF]  }
0x2b: {  	s6 =	sld [smem:$0x3FB0]  }
0x2c: {  	s7 =	sld [smem:$0x3FB1]  }
0x2d: {  	s3 =	simm.s32 $0x108;
	s8 =	sld [smem:$0x3FB2]  }
0x2e: {  	s3 =	simm.s32 @!p0 $0x1082;
	s9 =	sld [smem:$0x3FB3]  }
0x2f: {  	lr =	sadd.s32 s0, s3;
	s0 =	sld [smem:$0x3FAA]  }
0x30: {  	s3 =	sld [smem:$0x3FAD]  }
0x31: {  	[smem:$0x3FB6] =	sst s10  }
0x32: {  	s10 =	sld [smem:$0x3FB4];
	_ =	sdelay $0x3  }
0x33: {  	p0 =	seq.s32 s10, $0x1;
	s10 =	sld [smem:$0x3FB6];
	_ =	sdelay $0x3  }
0x34: {  	[smem:$0x3FB6] =	sst s10  }
0x35: {  	s10 =	sld [smem:$0x3FB5];
	_ =	sdelay $0x3  }
0x36: {  	p1 =	seq.s32 s10, $0x1;
	s10 =	sld [smem:$0x3FB6];
	_ =	sdelay $0x3  }
0x37: {  	[smem:$0x3FB6] =	sst s10  }
0x38: {  	s10 =	sld [smem:$0x3FB7]  }
0x39: {  	_ = 	snop;
	(pc) =	sbr.ind lr, $3  }
0x3a: {  	_ = 	snop  }
0x3b: {  	_ = 	snop  }
0x3c: {  	p2 =	seq.s32 s10, $0x1;
	s10 =	sld [smem:$0x3FB6]  }
0x3d: {  	_ =	shalt  }
0x3e: {  	_ =	shalt  }
0x3f: {  	_ =	shalt  }
0x40: {  	_ =	shalt  }
0x41: {  	_ =	shalt  }
0x42: {  	_ =	shalt  }
0x43: {  	_ =	shalt  }
0x44: {  	_ =	shalt  }
0x45: {  	_ =	shalt  }
0x46: {  	_ =	shalt  }
0x47: {  	_ =	shalt  }
0x48: {  	_ =	shalt  }
0x49: {  	_ =	shalt  }
0x4a: {  	_ =	shalt  }
0x4b: {  	_ =	shalt  }
0x4c: {  	_ =	shalt  }
0x4d: {  	_ =	shalt  }
0x4e: {  	_ =	shalt  }
0x4f: {  	_ =	shalt  }
0x50: {  	_ =	shalt  }
0x51: {  	_ =	shalt  }
0x52: {  	_ =	shalt  }
0x53: {  	_ =	shalt  }
0x54: {  	_ =	shalt  }
0x55: {  	_ =	shalt  }
0x56: {  	_ =	shalt  }
0x57: {  	_ =	shalt  }
0x58: {  	_ =	shalt  }
0x59: {  	_ =	shalt  }
0x5a: {  	_ =	shalt  }
0x5b: {  	_ =	shalt  }
0x5c: {  	_ =	shalt  }
0x5d: {  	_ =	shalt  }
0x5e: {  	_ =	shalt  }
0x5f: {  	_ =	shalt  }
0x60: {  	_ =	shalt  }
0x61: {  	_ =	shalt  }
0x62: {  	_ =	shalt  }
0x63: {  	_ =	shalt  }
0x64: {  	_ =	shalt  }
0x65: {  	_ =	shalt  }
0x66: {  	_ =	shalt  }
0x67: {  	_ =	shalt  }
0x68: {  	_ =	shalt  }
0x69: {  	_ =	shalt  }
0x6a: {  	_ =	shalt  }
0x6b: {  	_ =	shalt  }
0x6c: {  	_ =	shalt  }
0x6d: {  	_ =	shalt  }
0x6e: {  	_ =	shalt  }
0x6f: {  	_ =	shalt  }
0x70: {  	_ =	shalt  }
0x71: {  	_ =	shalt  }
0x72: {  	_ =	shalt  }
0x73: {  	_ =	shalt  }
0x74: {  	_ =	shalt  }
0x75: {  	_ =	shalt  }
0x76: {  	_ =	shalt  }
0x77: {  	_ =	shalt  }
0x78: {  	_ =	shalt  }
0x79: {  	_ =	shalt  }
0x7a: {  	_ =	shalt  }
0x7b: {  	_ =	shalt  }
0x7c: {  	_ =	shalt  }
0x7d: {  	_ =	shalt  }
0x7e: {  	_ =	shalt  }
0x7f: {  	_ =	shalt  }
0x80: {  	_ =	shalt  }
0x81: {  	_ =	shalt  }
0x82: {  	_ =	shalt  }
0x83: {  	_ =	shalt  }
0x84: {  	_ =	shalt  }
0x85: {  	_ =	shalt  }
0x86: {  	_ =	shalt  }
0x87: {  	_ =	shalt  }
.Lfunc_end0:
.L_simem_size_0:
called_computation.1_lowered:
.L_overlay_start_0:
0x88: {  	s2 =	sld [smem:$0x3FD9]  }
0x89: {  	s3 =	sld [smem:$0x3FFE];
	_ =	sdelay $0x1  }
0x8a: {  	s1 =	srdreg.scid  }
0x8b: {  	s0 =	sand.u32 $0x1, s1  }
0x8c: {  	s17 =	sshll.u32 s0, $0xA;
	s2 =	sadd.s32 s3, s2  }
0x8d: {  	s2 =	sadd.s32 s2, s17  }
0x8e: {  	[smem:$0x3FC2] =	sst s2  }
0x8f: {  	_ = 	snop  }
0x90: {  	s2 =	sld [smem:$0x3FD0];
	(tm) =	ssettm $0x1  }
0x91: {  	s18 =	sld [smem:$0x3FFB];
	_ =	sdelay $0x3  }
0x92: {  	_ =	strace s18  }
0x93: {  	s3 =	sld [smem:$0x3FFC];
	_ =	sdelay $0x3  }
0x94: {  	_ =	strace s3  }
0x95: {  	s3 =	sld [smem:$0x3FFD];
	_ =	sdelay $0x3  }
0x96: {  	_ =	strace s3  }
0x97: {  	_ =	strace $0x8FFFFFFF  }
0x98: {  	s19 =	sld [smem:$0x3FDB];
	_ =	sdelay $0x1  }
0x99: {  	s4 =	simm.s32 $_scs_section_size  }
0x9a: {  	s5 =	simm.s32 $_size__tile_overlayer_lowered;
	s6 =	simm.s32 $_tile_overlayer_lowered  }
0x9b: {  	s22 =	simm.s32 $0x1BFF;
	s21 =	sshll.u32 s6, $0x1;
	s3 =	sadd.s32 s4, s19  }
0x9c: {  	s7 =	simm.s32 $0x0;
	s20 =	sshll.u32 s5, $0x1;
	s5 =	sadd.s32 s21, s3  }
0x9d: {  	[timem:s7], [sflag:s22] =	dma.local [hbm:s5], s20  }
0x9e: {  	_ =	swait.ge [sflag:s22], s20  }
0x9f: {  	s4 =	ssub.s32 $0x0, s20;
	[sflag:s22] =	ssyncset.done $0x0  }
0xa0: {  	[sflag:s22] =	ssyncadd.s32 s4;
	_ =	sdelay $0x1  }
0xa1: {  	s23 =	simm.s32 $0x1B8B  }
0xa2: {  	_ =	swait.ge [sflag:s23], $0x1  }
0xa3: {  	[sflag:s23] =	ssyncset.done $0x0  }
0xa4: {  	s25 =	simm.s32 $0x1B8E;
	s24 =	sld [smem:$0x3FFE];
	[sflag:s23] =	ssyncadd.s32 $0xFFFFFFFF  }
0xa5: {  	s26 =	simm.s32 $execute0_lowered;
	[smem:$0x3FD2] =	sst s25  }
0xa6: {  	s5 =	sshll.u32 s26, $0x1;
	_ =	strace $0x80000049;
	[dreg:$0x1] =	wrdreg $0xFFFFFFFF  }
0xa7: {  	s28 =	simm.s32 $_size_execute0_lowered;
	s3 =	sadd.s32 s3, s5;
	[dreg:$0x0] =	wrdreg $0x0  }
0xa8: {  	s5 =	sshll.u32 s28, $0x1;
	[dreg:$0x2] =	wrdreg s3  }
0xa9: {  	[dreg:$0x3] =	wrdreg s5  }
0xaa: {  	[dreg:$0x4] =	wrdreg $0xC0  }
0xab: {  	_ =	task [dreg:s7], $0x5FFFF  }
0xac: {  	[dreg:$0x1] =	wrdreg $0xFFFFFFFF  }
0xad: {  	[dreg:$0x0] =	wrdreg $0x60  }
0xae: {  	[dreg:$0x2] =	wrdreg s24  }
0xaf: {  	[dreg:$0x3] =	wrdreg s2  }
0xb0: {  	[dreg:$0x4] =	wrdreg $0x82000  }
0xb1: {  	[dreg:$0x5] =	wrdreg $0x9  }
0xb2: {  	_ =	task.clear_ibuf [dreg:s7], $0x6FFFF;
	_ =	strace $0x90000049  }
0xb3: {  	s29 =	simm.s32 $0x9;
	_ =	strace $0x8000004B  }
0xb4: {  	_ =	swait.ge [sflag:s29], $0x1  }
0xb5: {  	[sflag:s29] =	ssyncadd.s32 $0xFFFFFFFF  }
0xb6: {  	_ =	strace $0x9000004B  }
0xb7: {  	_ =	sfence  }
0xb8: {  	s30 =	sld [smem:$0x0];
	_ =	sdelay $0x2  }
0xb9: {  	s31 =	sshll.u32 s1, $0xD;
	s1 =	sshrl.u32 s1, $0x2  }
0xba: {  	s3 =	sand.u32 $0x4000, s31;
	s1 =	sadd.s32 s1, s30  }
0xbb: {  	s0 =	sor.u32 s3, s0;
	s1 =	sshll.u32 s1, $0x11  }
0xbc: {  	s0 =	sor.u32 s1, s0  }
0xbd: {  	s0 =	sadd.s32 $0x8F2B, s0  }
0xbe: {  	[sflag:s0] =	ssyncadd.remote.s32 $0x1  }
0xbf: {  	_ =	sfence.sel $0xFFFF  }
0xc0: {  	[dreg:$0x0] =	wrdreg $0xFFFFFFFF;
	(pc) =	sbr.abs _section_cstart, $3  }
0xc1: {  	[dreg:$0x1] =	wrdreg $0xFFFFFFFF  }
0xc2: {  	_ =	task.clear_ibuf [dreg:s7], $0x2FFFF;
	_ =	strace $0x9FFFFFFF  }
0xc3: {  	(tm) =	ssettm $0x7FFFFFFF  }
tec
execute0_lowered:
.L_overlay_start_1:
0x0: {  	(tag) =	ssettag $0x1  }
0x1: {  	s5 =	rddreg [dreg:$0x0]  }
0x2: {  	s13 =	rddreg [dreg:$0x1]  }
0x3: {  	s2 =	rddreg [dreg:$0x2]  }
0x4: {  	s0 =	rddreg [dreg:$0x3]  }
0x5: {  	s1 =	stileid.u32;
	s4 =	srdreg.scid  }
0x6: {  	s3 =	simm.s32 $0x0;
	s18 =	simm.s32 $0x200;
	s6 =	smul.u32 $0x14000, s1  }
0x7: {  	s19 =	simm.s32 $0x100;
	s20 =	simm.s32 $0x4200;
	s24 =	smul.u32 $0x50000, s1  }
0x8: {  	s21 =	simm.s32 $0x1;
	s22 =	simm.s32 $0x2;
	s28 =	smul.u32 $0x8200, s1  }
0x9: {  	s23 =	simm.s32 $0x180;
	s7 =	sand.u32 $0x1, s4;
	s30 =	smul.u32 $0x1E00, s1  }
0xa: {  	[smem:$0x7FF] =	sst s3;
	s4 =	sadd.s32 $0x35C00, s5;
	s16 =	smul.u32 $0x1040, s1  }
0xb: {  	s14 =	sadd.s32 $0xADC00, s5;
	s29 =	sshll.u32 s1, $0x6;
	s17 =	smul.u32 $0x3C0, s1  }
0xc: {  	s8 =	smul.u32 $0x140000, s7;
	_ =	strace $0x8000004A;
	s10 =	ssub.s32 $0x2, s7  }
0xd: {  	p0 =	seq.s32 s7, $0x1;
	s9 =	sshrl.u32 s6, $0x3;
	s25 =	sshrl.u32 s10, $0x1  }
0xe: {  	s26 =	sshrl.u32 s24, $0x2;
	s31 =	sshrl.u32 s28, $0x3;
	s24 =	simm.s32 $0x0  }
0xf: {  	s6 =	sadd.s32 s6, s8;
	s9 =	sadd.s32 s9, s5;
	s12 =	ssub.s32 s10, s25  }
0x10: {  	s15 =	sadd.s32 s26, s2;
	s7 =	sadd.s32 s13, s31;
	s13 =	sadd.s32 s16, s13  }
.Ltmp0:
0x11: {  	s16 =	simm.s32 $0x3;
	s6 =	sshrl.u32 s6, $0x3;
	(pc) =	sbr.rel .LBB2_1-.Ltmp0, $4  }
0x12: {  	s8 =	sadd.s32 $0x20, s7;
	s12 =	smax.u32 s12, $0x1;
	s15 =	sshrl.u32 s15, $0x3  }
0x13: {  	s11 =	sadd.s32 s6, s5;
	s5 =	sadd.s32 $0xDC00, s9;
	s9 =	sshrl.u32 s30, $0x3  }
0x14: {  	s6 =	sor.u32 $0x1C03, s29;
	s9 =	sadd.s32 s14, s9;
	s11 =	sadd.s32 $0xB1800, s11  }
0x15: {  	s14 =	sadd.s32 s17, s14;
	s17 =	simm.s32 $0x80;
	s10 =	sadd.s32 $0x20, s9  }
.LBB2_7:
0x16: {  	[tilespmem:s20], [sflag:$0x2] =	stream.indirect.gather [hbm4b:s4+s17], $0x80, s19, s17, $0xb8;
	[tilespmem:$0x1C200] =	vst v63  }
.LBB2_8:
0x17: {  	_ =	swait.ge [sflag:s21], $0x4000  }
0x18: {  	[sflag:s21] =	ssyncset.done $0x0  }
0x19: {  	[sflag:s21] =	ssyncadd.s32 $0xFFFFC000  }
0x1a: {  	[spmem:s2] =	stream.indirect.scatter.add.f32 [tilespmem:s18], [sflag:$0x3], $0x80, s17, s17, $0xb8;
	[tilespmem:$0x1C200] =	vst v63  }
0x1b: {  	_ =	swait.ge [sflag:s16], $0x4000  }
0x1c: {  	[sflag:s16] =	ssyncset.done $0x0  }
0x1d: {  	[sflag:s16] =	ssyncadd.s32 $0xFFFFC000  }
0x1e: {  	_ =	swait.ge [sflag:s22], $0x4000  }
0x1f: {  	[sflag:s22] =	ssyncset.done $0x0  }
0x20: {  	[sflag:s22] =	ssyncadd.s32 $0xFFFFC000  }
0x21: {  	[spmem:s2] =	stream.indirect.scatter.add.f32 [tilespmem:s20], [sflag:$0x3], $0x80, s23, s17, $0xb8;
	[tilespmem:$0x1C200] =	vst v63  }
0x22: {  	_ =	swait.ge [sflag:s16], $0x4000  }
0x23: {  	s24 =	sadd.s32 $0x1, s24;
	[sflag:s16] =	ssyncset.done $0x0  }
0x24: {  	p1 =	sne.s32 s24, s12;
	[sflag:s16] =	ssyncadd.s32 $0xFFFFC000  }
.Ltmp1:
0x25: {  	[bflag:$0x0] =	sbarrier.arrive $0xFFFF;
	(pc) =	sbr.rel @!p1 .LBB2_9-.Ltmp1, $4  }
0x26: {  	[hbm:s11], [sflag:s6] =	dma.local [spmem:s15], $0x2800  }
0x27: {  	_ =	swait.ge [sflag:s16], $0x2800  }
0x28: {  	[sflag:s16] =	ssyncset.done $0x0  }
0x29: {  	[sflag:s16] =	ssyncadd.s32 $0xFFFFD800  }
.LBB2_1:
0x2a: {  	[spmem:s15], [sflag:s6] =	dma.local [hbm:s5], $0x2800  }
.Ltmp2:
0x2b: {  	_ =	swait.ge [sflag:s16], $0x2800;
	(pc) =	sbr.rel @!p0 .LBB2_2-.Ltmp2, $3  }
0x2c: {  	[sflag:s16] =	ssyncset.done $0x0  }
0x2d: {  	[sflag:s16] =	ssyncadd.s32 $0xFFFFD800  }
0x2e: {  	[bflag:$0x0] =	sbarrier.arrive $0xFFFF;
	_ =	sdelay $0x1  }
0x2f: {  	[tilespmem:s3], [sflag:$0x3] =	stream.linear.gather [hbm4b:s9+s3], $0x100, $0x38;
	[tilespmem:$0x1C200] =	vst v63  }
0x30: {  	_ =	swait.ge [sflag:s16], $0x100  }
0x31: {  	[sflag:s16] =	ssyncset.done $0x0  }
0x32: {  	[sflag:s16] =	ssyncadd.s32 $0xFFFFFF00  }
0x33: {  	[tilespmem:s18], [sflag:$0x1] =	stream.indirect.gather [hbm4b:s4+s17], $0x80, s3, s17, $0xb8;
	[tilespmem:$0x1C200] =	vst v63  }
0x34: {  	_ = 	snop  }
0x35: {  	[tilespmem:s19], [sflag:$0x3] =	stream.linear.gather [hbm4b:s10+s3], $0x100, $0x38;
	[tilespmem:$0x1C200] =	vst v63  }
0x36: {  	_ =	swait.ge [sflag:s16], $0x100  }
0x37: {  	[sflag:s16] =	ssyncset.done $0x0  }
0x38: {  	[sflag:s16] =	ssyncadd.s32 $0xFFFFFF00  }
0x39: {  	[tilespmem:s20], [sflag:$0x2] =	stream.indirect.gather [hbm4b:s4+s17], $0x80, s19, s17, $0xb8;
	[tilespmem:$0x1C200] =	vst v63  }
0x3a: {  	_ =	swait.ge [sflag:s21], $0x4000  }
0x3b: {  	[sflag:s21] =	ssyncset.done $0x0  }
0x3c: {  	[sflag:s21] =	ssyncadd.s32 $0xFFFFC000  }
0x3d: {  	[spmem:s2] =	stream.indirect.scatter.add.f32 [tilespmem:s18], [sflag:$0x3], $0x80, s17, s17, $0xb8;
	[tilespmem:$0x1C200] =	vst v63  }
0x3e: {  	_ =	swait.ge [sflag:s16], $0x4000  }
0x3f: {  	s25 =	sadd.s32 $0xFFFFFC80, s14;
	[sflag:s16] =	ssyncset.done $0x0  }
0x40: {  	s26 =	sadd.s32 $0x3C0, s25;
	[sflag:s16] =	ssyncadd.s32 $0xFFFFC000  }
0x41: {  	[tilespmem:s3], [sflag:$0x3] =	stream.linear.gather [hbm4b:s26+s3], $0x100, $0x38;
	[tilespmem:$0x1C200] =	vst v63  }
0x42: {  	_ =	swait.ge [sflag:s16], $0x100  }
0x43: {  	[sflag:s16] =	ssyncset.done $0x0  }
0x44: {  	[sflag:s16] =	ssyncadd.s32 $0xFFFFFF00  }
0x45: {  	[tilespmem:s18], [sflag:$0x1] =	stream.indirect.gather [hbm4b:s4+s17], $0x80, s3, s17, $0xb8;
	[tilespmem:$0x1C200] =	vst v63  }
0x46: {  	_ =	swait.ge [sflag:s22], $0x4000  }
0x47: {  	[sflag:s22] =	ssyncset.done $0x0  }
0x48: {  	[sflag:s22] =	ssyncadd.s32 $0xFFFFC000  }
0x49: {  	[spmem:s2] =	stream.indirect.scatter.add.f32 [tilespmem:s20], [sflag:$0x3], $0x80, s23, s17, $0xb8;
	[tilespmem:$0x1C200] =	vst v63  }
0x4a: {  	_ =	swait.ge [sflag:s16], $0x4000  }
0x4b: {  	[sflag:s16] =	ssyncset.done $0x0  }
0x4c: {  	s25 =	sadd.s32 $0x3E0, s25;
	[sflag:s16] =	ssyncadd.s32 $0xFFFFC000  }
0x4d: {  	[tilespmem:s19], [sflag:$0x3] =	stream.linear.gather [hbm4b:s25+s3], $0x100, $0x38;
	[tilespmem:$0x1C200] =	vst v63  }
0x4e: {  	_ =	swait.ge [sflag:s16], $0x100  }
0x4f: {  	[sflag:s16] =	ssyncset.done $0x0  }
0x50: {  	s25 =	simm.s32 $0xFFFFFCC0;
	[sflag:s16] =	ssyncadd.s32 $0xFFFFFF00  }
.LBB2_6:
0x51: {  	[tilespmem:s20], [sflag:$0x2] =	stream.indirect.gather [hbm4b:s4+s17], $0x80, s19, s17, $0xb8;
	[tilespmem:$0x1C200] =	vst v63  }
0x52: {  	s26 =	smov.u32 s25  }
0x53: {  	p1 =	sne.s32 s25, $0xFFFFFFC0;
	s25 =	sadd.s32 $0x40, s25;
	_ =	swait.ge [sflag:s21], $0x4000  }
0x54: {  	[sflag:s21] =	ssyncset.done $0x0  }
0x55: {  	[sflag:s21] =	ssyncadd.s32 $0xFFFFC000  }
0x56: {  	[spmem:s2] =	stream.indirect.scatter.add.f32 [tilespmem:s18], [sflag:$0x3], $0x80, s17, s17, $0xb8;
	[tilespmem:$0x1C200] =	vst v63  }
0x57: {  	_ =	swait.ge [sflag:s16], $0x4000  }
0x58: {  	s26 =	sadd.s32 s26, s14;
	[sflag:s16] =	ssyncset.done $0x0  }
0x59: {  	s28 =	sadd.s32 $0x3C0, s26;
	[sflag:s16] =	ssyncadd.s32 $0xFFFFC000  }
0x5a: {  	[tilespmem:s3], [sflag:$0x3] =	stream.linear.gather [hbm4b:s28+s3], $0x100, $0x38;
	[tilespmem:$0x1C200] =	vst v63  }
0x5b: {  	_ =	swait.ge [sflag:s16], $0x100  }
0x5c: {  	[sflag:s16] =	ssyncset.done $0x0  }
0x5d: {  	[sflag:s16] =	ssyncadd.s32 $0xFFFFFF00  }
0x5e: {  	[tilespmem:s18], [sflag:$0x1] =	stream.indirect.gather [hbm4b:s4+s17], $0x80, s3, s17, $0xb8;
	[tilespmem:$0x1C200] =	vst v63  }
0x5f: {  	_ =	swait.ge [sflag:s22], $0x4000  }
0x60: {  	[sflag:s22] =	ssyncset.done $0x0  }
0x61: {  	[sflag:s22] =	ssyncadd.s32 $0xFFFFC000  }
0x62: {  	[spmem:s2] =	stream.indirect.scatter.add.f32 [tilespmem:s20], [sflag:$0x3], $0x80, s23, s17, $0xb8;
	[tilespmem:$0x1C200] =	vst v63  }
0x63: {  	_ =	swait.ge [sflag:s16], $0x4000  }
0x64: {  	[sflag:s16] =	ssyncset.done $0x0  }
.Ltmp3:
0x65: {  	s26 =	sadd.s32 $0x3E0, s26;
	[sflag:s16] =	ssyncadd.s32 $0xFFFFC000;
	(pc) =	sbr.rel @p1 .LBB2_6-.Ltmp3, $4  }
0x66: {  	[tilespmem:s19], [sflag:$0x3] =	stream.linear.gather [hbm4b:s26+s3], $0x100, $0x38;
	[tilespmem:$0x1C200] =	vst v63  }
0x67: {  	_ =	swait.ge [sflag:s16], $0x100  }
0x68: {  	[sflag:s16] =	ssyncset.done $0x0  }
0x69: {  	[sflag:s16] =	ssyncadd.s32 $0xFFFFFF00  }
.Ltmp4:
0x6a: {  	_ = 	snop;
	(pc) =	sbr.rel .LBB2_7-.Ltmp4, $1  }
0x6b: {  	_ =	sdelay $0x3  }
.LBB2_2:
0x6c: {  	[tilespmem:s3], [sflag:$0x3] =	stream.linear.gather [hbm4b:s7+s3], $0x100, $0x38;
	[tilespmem:$0x1C200] =	vst v63  }
0x6d: {  	_ =	swait.ge [sflag:s16], $0x100  }
0x6e: {  	[sflag:s16] =	ssyncset.done $0x0  }
0x6f: {  	[sflag:s16] =	ssyncadd.s32 $0xFFFFFF00  }
0x70: {  	[tilespmem:s18], [sflag:$0x1] =	stream.indirect.gather [hbm4b:s4+s17], $0x80, s3, s17, $0xb8;
	[tilespmem:$0x1C200] =	vst v63  }
0x71: {  	_ = 	snop  }
0x72: {  	[tilespmem:s19], [sflag:$0x3] =	stream.linear.gather [hbm4b:s8+s3], $0x100, $0x38;
	[tilespmem:$0x1C200] =	vst v63  }
0x73: {  	_ =	swait.ge [sflag:s16], $0x100  }
0x74: {  	[sflag:s16] =	ssyncset.done $0x0  }
0x75: {  	[sflag:s16] =	ssyncadd.s32 $0xFFFFFF00  }
0x76: {  	[tilespmem:s20], [sflag:$0x2] =	stream.indirect.gather [hbm4b:s4+s17], $0x80, s19, s17, $0xb8;
	[tilespmem:$0x1C200] =	vst v63  }
0x77: {  	_ =	swait.ge [sflag:s21], $0x4000  }
0x78: {  	[sflag:s21] =	ssyncset.done $0x0  }
0x79: {  	[sflag:s21] =	ssyncadd.s32 $0xFFFFC000  }
0x7a: {  	[spmem:s2] =	stream.indirect.scatter.add.f32 [tilespmem:s18], [sflag:$0x3], $0x80, s17, s17, $0xb8;
	[tilespmem:$0x1C200] =	vst v63  }
0x7b: {  	_ =	swait.ge [sflag:s16], $0x4000  }
0x7c: {  	s25 =	sadd.s32 $0xFFFFF000, s13;
	[sflag:s16] =	ssyncset.done $0x0  }
0x7d: {  	s26 =	sadd.s32 $0x1040, s25;
	[sflag:s16] =	ssyncadd.s32 $0xFFFFC000  }
0x7e: {  	[tilespmem:s3], [sflag:$0x3] =	stream.linear.gather [hbm4b:s26+s3], $0x100, $0x38;
	[tilespmem:$0x1C200] =	vst v63  }
0x7f: {  	_ =	swait.ge [sflag:s16], $0x100  }
0x80: {  	[sflag:s16] =	ssyncset.done $0x0  }
0x81: {  	[sflag:s16] =	ssyncadd.s32 $0xFFFFFF00  }
0x82: {  	[tilespmem:s18], [sflag:$0x1] =	stream.indirect.gather [hbm4b:s4+s17], $0x80, s3, s17, $0xb8;
	[tilespmem:$0x1C200] =	vst v63  }
0x83: {  	_ =	swait.ge [sflag:s22], $0x4000  }
0x84: {  	[sflag:s22] =	ssyncset.done $0x0  }
0x85: {  	[sflag:s22] =	ssyncadd.s32 $0xFFFFC000  }
0x86: {  	[spmem:s2] =	stream.indirect.scatter.add.f32 [tilespmem:s20], [sflag:$0x3], $0x80, s23, s17, $0xb8;
	[tilespmem:$0x1C200] =	vst v63  }
0x87: {  	_ =	swait.ge [sflag:s16], $0x4000  }
0x88: {  	[sflag:s16] =	ssyncset.done $0x0  }
0x89: {  	s25 =	sadd.s32 $0x1060, s25;
	[sflag:s16] =	ssyncadd.s32 $0xFFFFC000  }
0x8a: {  	[tilespmem:s19], [sflag:$0x3] =	stream.linear.gather [hbm4b:s25+s3], $0x100, $0x38;
	[tilespmem:$0x1C200] =	vst v63  }
0x8b: {  	_ =	swait.ge [sflag:s16], $0x100  }
0x8c: {  	[sflag:s16] =	ssyncset.done $0x0  }
0x8d: {  	s25 =	simm.s32 $0xFFFFF040;
	[sflag:s16] =	ssyncadd.s32 $0xFFFFFF00  }
.LBB2_3:
0x8e: {  	[tilespmem:s20], [sflag:$0x2] =	stream.indirect.gather [hbm4b:s4+s17], $0x80, s19, s17, $0xb8;
	[tilespmem:$0x1C200] =	vst v63  }
0x8f: {  	s26 =	smov.u32 s25  }
0x90: {  	p1 =	seq.s32 s25, $0xFFFFFFC0;
	s25 =	sadd.s32 $0x40, s25;
	_ =	swait.ge [sflag:s21], $0x4000  }
0x91: {  	[sflag:s21] =	ssyncset.done $0x0  }
0x92: {  	[sflag:s21] =	ssyncadd.s32 $0xFFFFC000  }
0x93: {  	[spmem:s2] =	stream.indirect.scatter.add.f32 [tilespmem:s18], [sflag:$0x3], $0x80, s17, s17, $0xb8;
	[tilespmem:$0x1C200] =	vst v63  }
0x94: {  	_ =	swait.ge [sflag:s16], $0x4000  }
0x95: {  	s26 =	sadd.s32 s26, s13;
	[sflag:s16] =	ssyncset.done $0x0  }
0x96: {  	s28 =	sadd.s32 $0x1040, s26;
	[sflag:s16] =	ssyncadd.s32 $0xFFFFC000  }
0x97: {  	[tilespmem:s3], [sflag:$0x3] =	stream.linear.gather [hbm4b:s28+s3], $0x100, $0x38;
	[tilespmem:$0x1C200] =	vst v63  }
0x98: {  	_ =	swait.ge [sflag:s16], $0x100  }
0x99: {  	[sflag:s16] =	ssyncset.done $0x0  }
0x9a: {  	[sflag:s16] =	ssyncadd.s32 $0xFFFFFF00  }
0x9b: {  	[tilespmem:s18], [sflag:$0x1] =	stream.indirect.gather [hbm4b:s4+s17], $0x80, s3, s17, $0xb8;
	[tilespmem:$0x1C200] =	vst v63  }
0x9c: {  	_ =	swait.ge [sflag:s22], $0x4000  }
0x9d: {  	[sflag:s22] =	ssyncset.done $0x0  }
0x9e: {  	[sflag:s22] =	ssyncadd.s32 $0xFFFFC000  }
0x9f: {  	[spmem:s2] =	stream.indirect.scatter.add.f32 [tilespmem:s20], [sflag:$0x3], $0x80, s23, s17, $0xb8;
	[tilespmem:$0x1C200] =	vst v63  }
0xa0: {  	_ =	swait.ge [sflag:s16], $0x4000  }
0xa1: {  	[sflag:s16] =	ssyncset.done $0x0  }
.Ltmp5:
0xa2: {  	s26 =	sadd.s32 $0x1060, s26;
	[sflag:s16] =	ssyncadd.s32 $0xFFFFC000;
	(pc) =	sbr.rel @!p1 .LBB2_3-.Ltmp5, $4  }
0xa3: {  	[tilespmem:s19], [sflag:$0x3] =	stream.linear.gather [hbm4b:s26+s3], $0x100, $0x38;
	[tilespmem:$0x1C200] =	vst v63  }
0xa4: {  	_ =	swait.ge [sflag:s16], $0x100  }
0xa5: {  	[sflag:s16] =	ssyncset.done $0x0  }
0xa6: {  	[sflag:s16] =	ssyncadd.s32 $0xFFFFFF00  }
.Ltmp6:
0xa7: {  	(pc) =	sbr.rel .LBB2_8-.Ltmp6, $2  }
0xa8: {  	_ =	sdelay $0x2  }
0xa9: {  	[tilespmem:s20], [sflag:$0x2] =	stream.indirect.gather [hbm4b:s4+s17], $0x80, s19, s17, $0xb8;
	[tilespmem:$0x1C200] =	vst v63  }
.LBB2_9:
0xaa: {  	_ =	sfence.sel $0x180000  }
0xab: {  	[bflag:$0x0] =	sbarrier.arrive $0xFFFF  }
0xac: {  	p0 =	sne.s32 s1, $0x0;
	_ =	strace $0x9000004A  }
0xad: {  	s0 =	sadd.s32 @!p0 $0x100000, s0;
	[bflag:$0x2] =	sbarrier.arrive $0xFFFF  }
0xae: {  	[sflag:s0] =	ssyncadd.tile.s32 @!p0 $0x1;
	_ =	shalt  }
.Lfunc_end2:
_tile_overlayer_lowered:
.L_overlay_start_2:
0xaf: {  	(tag) =	ssettag $0x2  }
0xb0: {  	s0 =	rddreg [dreg:$0x0];
	s2 =	stileid.u32  }
0xb1: {  	s1 =	rddreg [dreg:$0x1];
	p0 =	sne.s32 s2, $0x0  }
0xb2: {  	s3 =	rddreg [dreg:$0x2];
	[bflag:$0x3] =	sbarrier.arrive $0xFFFF;
	s2 =	simm.s32 @!p0 $0x1C03  }
0xb3: {  	[timem:s3], [sflag:s2] =	dma.local @!p0 [hbm:s0], s1  }
0xb4: {  	s0 =	simm.s32 @!p0 $0x3  }
0xb5: {  	_ =	swait.ge @!p0 [sflag:s0], s1  }
0xb6: {  	s1 =	ssub.s32 @!p0 $0x0, s1;
	[sflag:s0] =	ssyncset.done @!p0 $0x0  }
0xb7: {  	[sflag:s0] =	ssyncadd.s32 @!p0 s1  }
0xb8: {  	[bflag:$0x3] =	sbarrier.arrive $0xFFFF  }
0xb9: {  	_ =	shalt  }

// kernel: kernel.15.cloned.1.call-start
scs
__scs_entry_jumppad:
0x0: {  	(pc) =	sbr.rel $0x88, $3  }
0x1: {  	(tag) =	ssettag $0x0;
	lr =	simm.s32 $0x1  }
0x2: {  	[smem:$0x3F9B] =	sst lr;
	_ =	strace $0xD0000000  }
0x3: {  	_ = 	snop  }
0x4: {  	_ = 	snop  }
0x5: {  	_ = 	snop  }
0x6: {  	_ = 	snop  }
0x7: {  	_ = 	snop  }
__scs_overlays_trampoline_lowered:
0x8: {  	[smem:$0x3FAA] =	sst s0  }
0x9: {  	[smem:$0x3FAB] =	sst s1  }
0xa: {  	[smem:$0x3FAC] =	sst s2  }
0xb: {  	[smem:$0x3FAD] =	sst s3  }
0xc: {  	[smem:$0x3FAE] =	sst s4  }
0xd: {  	[smem:$0x3FAF] =	sst s5  }
0xe: {  	[smem:$0x3FB0] =	sst s6  }
0xf: {  	[smem:$0x3FB1] =	sst s7  }
0x10: {  	[smem:$0x3FB2] =	sst s8  }
0x11: {  	[smem:$0x3FB3] =	sst s9;
	s0 =	simm.s32 @!p0 $0x0  }
0x12: {  	s1 =	sld [smem:$0x3F99];
	s0 =	simm.s32 @p0 $0x1  }
0x13: {  	[smem:$0x3FB4] =	sst s0;
	s0 =	simm.s32 @!p1 $0x0  }
0x14: {  	s2 =	sld [smem:$0x3F98];
	s0 =	simm.s32 @p1 $0x1  }
0x15: {  	[smem:$0x3FB5] =	sst s0;
	s0 =	simm.s32 @!p2 $0x0  }
0x16: {  	s3 =	sld [smem:$0x3FDB];
	s0 =	simm.s32 @p2 $0x1  }
0x17: {  	s4 =	simm.s32 $0x1BF5;
	[smem:$0x3FB7] =	sst s0  }
0x18: {  	s0 =	sld [smem:$0x3F9A];
	_ =	swait.ge [sflag:s4], $0x0  }
0x19: {  	s7 =	sld [smem:$0x3F9B]  }
0x1a: {  	s8 =	sadd.s32 $0xFFFFE003, lr  }
0x1b: {  	s9 =	sadd.s32 $0xFFFFFEF7, lr;
	s5 =	simm.s32 $0xFFFFFFFF;
	p2 =	slt.u32 s8, $0xFFFFF086  }
0x1c: {  	p1 =	slt.u32 s9, $0xF7A;
	s5 =	simm.s32 @!p2 $0x0  }
0x1d: {  	s5 =	simm.s32 @p1 $0x1;
	p0 =	seq.s32 s7, s2  }
0x1e: {  	s7 =	smul.u32 @!p0 $0xF7A, s2;
	p2 =	seq.s32 @!p0 s5, $0x0  }
0x1f: {  	s9 =	smul.u32 $0xF7A, s1;
	s8 =	simm.s32 @!p0 $0x1BF5;
	p2 =	por !p2, p0  }
0x20: {  	[sflag:s8] =	ssyncset.s32 @!p0 $0xFFFFF086;
	s6 =	sadd.s32 @!p0 s3, s7;
	s7 =	simm.s32 @!p0 $0x108  }
0x21: {  	s3 =	sadd.s32 s3, s9;
	s6 =	sadd.s32 @!p0 $0x88, s6;
	s7 =	simm.s32 @p2 $0x1082  }
0x22: {  	[simem:s7], [sflag:s8] =	dma.local @!p0 [hbm:s6], $0xF7A  }
0x23: {  	s9 =	sor.u32 $0xD0000000, s2;
	s6 =	simm.s32 $0x108;
	_ =	swait.ge @!p0 [sflag:s8], $0x0  }
0x24: {  	s3 =	sadd.s32 $0x88, s3;
	s6 =	simm.s32 @!p1 $0x1082;
	[sflag:s4] =	ssyncset.s32 $0xFFFFF086  }
0x25: {  	[simem:s6], [sflag:s4] =	dma.local [hbm:s3], $0xF7A  }
0x26: {  	[smem:$0x3F9B] =	sst s1;
	(tag) =	ssettag s2;
	_ =	strace s9  }
0x27: {  	s1 =	sld [smem:$0x3FAB]  }
0x28: {  	s2 =	sld [smem:$0x3FAC]  }
0x29: {  	s4 =	sld [smem:$0x3FAE]  }
0x2a: {  	p0 =	seq.s32 s5, $0x0;
	s5 =	sld [smem:$0x3FAF]  }
0x2b: {  	s6 =	sld [smem:$0x3FB0]  }
0x2c: {  	s7 =	sld [smem:$0x3FB1]  }
0x2d: {  	s3 =	simm.s32 $0x108;
	s8 =	sld [smem:$0x3FB2]  }
0x2e: {  	s3 =	simm.s32 @!p0 $0x1082;
	s9 =	sld [smem:$0x3FB3]  }
0x2f: {  	lr =	sadd.s32 s0, s3;
	s0 =	sld [smem:$0x3FAA]  }
0x30: {  	s3 =	sld [smem:$0x3FAD]  }
0x31: {  	[smem:$0x3FB6] =	sst s10  }
0x32: {  	s10 =	sld [smem:$0x3FB4];
	_ =	sdelay $0x3  }
0x33: {  	p0 =	seq.s32 s10, $0x1;
	s10 =	sld [smem:$0x3FB6];
	_ =	sdelay $0x3  }
0x34: {  	[smem:$0x3FB6] =	sst s10  }
0x35: {  	s10 =	sld [smem:$0x3FB5];
	_ =	sdelay $0x3  }
0x36: {  	p1 =	seq.s32 s10, $0x1;
	s10 =	sld [smem:$0x3FB6];
	_ =	sdelay $0x3  }
0x37: {  	[smem:$0x3FB6] =	sst s10  }
0x38: {  	s10 =	sld [smem:$0x3FB7]  }
0x39: {  	_ = 	snop;
	(pc) =	sbr.ind lr, $3  }
0x3a: {  	_ = 	snop  }
0x3b: {  	_ = 	snop  }
0x3c: {  	p2 =	seq.s32 s10, $0x1;
	s10 =	sld [smem:$0x3FB6]  }
0x3d: {  	_ =	shalt  }
0x3e: {  	_ =	shalt  }
0x3f: {  	_ =	shalt  }
0x40: {  	_ =	shalt  }
0x41: {  	_ =	shalt  }
0x42: {  	_ =	shalt  }
0x43: {  	_ =	shalt  }
0x44: {  	_ =	shalt  }
0x45: {  	_ =	shalt  }
0x46: {  	_ =	shalt  }
0x47: {  	_ =	shalt  }
0x48: {  	_ =	shalt  }
0x49: {  	_ =	shalt  }
0x4a: {  	_ =	shalt  }
0x4b: {  	_ =	shalt  }
0x4c: {  	_ =	shalt  }
0x4d: {  	_ =	shalt  }
0x4e: {  	_ =	shalt  }
0x4f: {  	_ =	shalt  }
0x50: {  	_ =	shalt  }
0x51: {  	_ =	shalt  }
0x52: {  	_ =	shalt  }
0x53: {  	_ =	shalt  }
0x54: {  	_ =	shalt  }
0x55: {  	_ =	shalt  }
0x56: {  	_ =	shalt  }
0x57: {  	_ =	shalt  }
0x58: {  	_ =	shalt  }
0x59: {  	_ =	shalt  }
0x5a: {  	_ =	shalt  }
0x5b: {  	_ =	shalt  }
0x5c: {  	_ =	shalt  }
0x5d: {  	_ =	shalt  }
0x5e: {  	_ =	shalt  }
0x5f: {  	_ =	shalt  }
0x60: {  	_ =	shalt  }
0x61: {  	_ =	shalt  }
0x62: {  	_ =	shalt  }
0x63: {  	_ =	shalt  }
0x64: {  	_ =	shalt  }
0x65: {  	_ =	shalt  }
0x66: {  	_ =	shalt  }
0x67: {  	_ =	shalt  }
0x68: {  	_ =	shalt  }
0x69: {  	_ =	shalt  }
0x6a: {  	_ =	shalt  }
0x6b: {  	_ =	shalt  }
0x6c: {  	_ =	shalt  }
0x6d: {  	_ =	shalt  }
0x6e: {  	_ =	shalt  }
0x6f: {  	_ =	shalt  }
0x70: {  	_ =	shalt  }
0x71: {  	_ =	shalt  }
0x72: {  	_ =	shalt  }
0x73: {  	_ =	shalt  }
0x74: {  	_ =	shalt  }
0x75: {  	_ =	shalt  }
0x76: {  	_ =	shalt  }
0x77: {  	_ =	shalt  }
0x78: {  	_ =	shalt  }
0x79: {  	_ =	shalt  }
0x7a: {  	_ =	shalt  }
0x7b: {  	_ =	shalt  }
0x7c: {  	_ =	shalt  }
0x7d: {  	_ =	shalt  }
0x7e: {  	_ =	shalt  }
0x7f: {  	_ =	shalt  }
0x80: {  	_ =	shalt  }
0x81: {  	_ =	shalt  }
0x82: {  	_ =	shalt  }
0x83: {  	_ =	shalt  }
0x84: {  	_ =	shalt  }
0x85: {  	_ =	shalt  }
0x86: {  	_ =	shalt  }
0x87: {  	_ =	shalt  }
.Lfunc_end0:
.L_simem_size_0:
called_computation.2_lowered:
.L_overlay_start_0:
0x88: {  	s2 =	sld [smem:$0x3FD9]  }
0x89: {  	s3 =	sld [smem:$0x3FFE];
	_ =	sdelay $0x1  }
0x8a: {  	s1 =	srdreg.scid  }
0x8b: {  	s0 =	sand.u32 $0x1, s1  }
0x8c: {  	s17 =	sshll.u32 s0, $0xA;
	s2 =	sadd.s32 s3, s2  }
0x8d: {  	s2 =	sadd.s32 s2, s17  }
0x8e: {  	[smem:$0x3FC2] =	sst s2  }
0x8f: {  	_ = 	snop  }
0x90: {  	s2 =	sld [smem:$0x3FD0];
	(tm) =	ssettm $0x1  }
0x91: {  	s18 =	sld [smem:$0x3FFB];
	_ =	sdelay $0x3  }
0x92: {  	_ =	strace s18  }
0x93: {  	s3 =	sld [smem:$0x3FFC];
	_ =	sdelay $0x3  }
0x94: {  	_ =	strace s3  }
0x95: {  	s3 =	sld [smem:$0x3FFD];
	_ =	sdelay $0x3  }
0x96: {  	_ =	strace s3  }
0x97: {  	_ =	strace $0x8FFFFFFF  }
0x98: {  	s19 =	sld [smem:$0x3FDB];
	_ =	sdelay $0x1  }
0x99: {  	s4 =	simm.s32 $_scs_section_size  }
0x9a: {  	s5 =	simm.s32 $_size__tile_overlayer_lowered;
	s6 =	simm.s32 $_tile_overlayer_lowered  }
0x9b: {  	s22 =	simm.s32 $0x1BFF;
	s21 =	sshll.u32 s6, $0x1;
	s3 =	sadd.s32 s4, s19  }
0x9c: {  	s7 =	simm.s32 $0x0;
	s20 =	sshll.u32 s5, $0x1;
	s5 =	sadd.s32 s21, s3  }
0x9d: {  	[timem:s7], [sflag:s22] =	dma.local [hbm:s5], s20  }
0x9e: {  	_ =	swait.ge [sflag:s22], s20  }
0x9f: {  	s4 =	ssub.s32 $0x0, s20;
	[sflag:s22] =	ssyncset.done $0x0  }
0xa0: {  	[sflag:s22] =	ssyncadd.s32 s4;
	_ =	sdelay $0x1  }
0xa1: {  	s23 =	simm.s32 $0x1B8B  }
0xa2: {  	_ =	swait.ge [sflag:s23], $0x1  }
0xa3: {  	[sflag:s23] =	ssyncset.done $0x0  }
0xa4: {  	s25 =	simm.s32 $0x1B8E;
	s24 =	sld [smem:$0x3FFE];
	[sflag:s23] =	ssyncadd.s32 $0xFFFFFFFF  }
0xa5: {  	s26 =	simm.s32 $execute0_lowered;
	[smem:$0x3FD2] =	sst s25  }
0xa6: {  	s5 =	sshll.u32 s26, $0x1;
	_ =	strace $0x8000004C;
	[dreg:$0x1] =	wrdreg $0xFFFFFFFF  }
0xa7: {  	s28 =	simm.s32 $_size_execute0_lowered;
	s3 =	sadd.s32 s3, s5;
	[dreg:$0x0] =	wrdreg $0x0  }
0xa8: {  	s5 =	sshll.u32 s28, $0x1;
	[dreg:$0x2] =	wrdreg s3  }
0xa9: {  	[dreg:$0x3] =	wrdreg s5  }
0xaa: {  	[dreg:$0x4] =	wrdreg $0xC0  }
0xab: {  	_ =	task [dreg:s7], $0x5FFFF  }
0xac: {  	[dreg:$0x1] =	wrdreg $0xFFFFFFFF  }
0xad: {  	[dreg:$0x0] =	wrdreg $0x60  }
0xae: {  	[dreg:$0x2] =	wrdreg s24  }
0xaf: {  	[dreg:$0x3] =	wrdreg s2  }
0xb0: {  	[dreg:$0x4] =	wrdreg $0x82000  }
0xb1: {  	[dreg:$0x5] =	wrdreg $0x9  }
0xb2: {  	_ =	task.clear_ibuf [dreg:s7], $0x6FFFF;
	_ =	strace $0x9000004C  }
0xb3: {  	s29 =	simm.s32 $0x9;
	_ =	strace $0x8000004E  }
0xb4: {  	_ =	swait.ge [sflag:s29], $0x1  }
0xb5: {  	[sflag:s29] =	ssyncadd.s32 $0xFFFFFFFF  }
0xb6: {  	_ =	strace $0x9000004E  }
0xb7: {  	_ =	sfence  }
0xb8: {  	s30 =	sld [smem:$0x0];
	_ =	sdelay $0x2  }
0xb9: {  	s31 =	sshll.u32 s1, $0xD;
	s1 =	sshrl.u32 s1, $0x2  }
0xba: {  	s3 =	sand.u32 $0x4000, s31;
	s1 =	sadd.s32 s1, s30  }
0xbb: {  	s0 =	sor.u32 s3, s0;
	s1 =	sshll.u32 s1, $0x11  }
0xbc: {  	s0 =	sor.u32 s1, s0  }
0xbd: {  	s0 =	sadd.s32 $0x8F2B, s0  }
0xbe: {  	[sflag:s0] =	ssyncadd.remote.s32 $0x1  }
0xbf: {  	_ =	sfence.sel $0xFFFF  }
0xc0: {  	[dreg:$0x0] =	wrdreg $0xFFFFFFFF;
	(pc) =	sbr.abs _section_cstart, $3  }
0xc1: {  	[dreg:$0x1] =	wrdreg $0xFFFFFFFF  }
0xc2: {  	_ =	task.clear_ibuf [dreg:s7], $0x2FFFF;
	_ =	strace $0x9FFFFFFF  }
0xc3: {  	(tm) =	ssettm $0x7FFFFFFF  }
tec
execute0_lowered:
.L_overlay_start_1:
0x0: {  	(tag) =	ssettag $0x1  }
0x1: {  	s5 =	rddreg [dreg:$0x0]  }
0x2: {  	s13 =	rddreg [dreg:$0x1]  }
0x3: {  	s2 =	rddreg [dreg:$0x2]  }
0x4: {  	s0 =	rddreg [dreg:$0x3]  }
0x5: {  	s1 =	stileid.u32;
	s4 =	srdreg.scid  }
0x6: {  	s3 =	simm.s32 $0x0;
	s18 =	simm.s32 $0x200;
	s6 =	smul.u32 $0x14000, s1  }
0x7: {  	s19 =	simm.s32 $0x100;
	s20 =	simm.s32 $0x4200;
	s24 =	smul.u32 $0x50000, s1  }
0x8: {  	s21 =	simm.s32 $0x1;
	s22 =	simm.s32 $0x2;
	s28 =	smul.u32 $0x8200, s1  }
0x9: {  	s23 =	simm.s32 $0x180;
	s7 =	sand.u32 $0x1, s4;
	s30 =	smul.u32 $0x1E00, s1  }
0xa: {  	[smem:$0x7FF] =	sst s3;
	s4 =	sadd.s32 $0x35C00, s5;
	s16 =	smul.u32 $0x1040, s1  }
0xb: {  	s14 =	sadd.s32 $0xADC00, s5;
	s29 =	sshll.u32 s1, $0x6;
	s17 =	smul.u32 $0x3C0, s1  }
0xc: {  	s8 =	smul.u32 $0x140000, s7;
	_ =	strace $0x8000004D;
	s10 =	ssub.s32 $0x2, s7  }
0xd: {  	p0 =	seq.s32 s7, $0x1;
	s9 =	sshrl.u32 s6, $0x3;
	s25 =	sshrl.u32 s10, $0x1  }
0xe: {  	s26 =	sshrl.u32 s24, $0x2;
	s31 =	sshrl.u32 s28, $0x3;
	s24 =	simm.s32 $0x0  }
0xf: {  	s6 =	sadd.s32 s6, s8;
	s9 =	sadd.s32 s9, s5;
	s12 =	ssub.s32 s10, s25  }
0x10: {  	s15 =	sadd.s32 s26, s2;
	s7 =	sadd.s32 s13, s31;
	s13 =	sadd.s32 s16, s13  }
.Ltmp0:
0x11: {  	s16 =	simm.s32 $0x3;
	s6 =	sshrl.u32 s6, $0x3;
	(pc) =	sbr.rel .LBB2_1-.Ltmp0, $4  }
0x12: {  	s8 =	sadd.s32 $0x20, s7;
	s12 =	smax.u32 s12, $0x1;
	s15 =	sshrl.u32 s15, $0x3  }
0x13: {  	s11 =	sadd.s32 s6, s5;
	s5 =	sadd.s32 $0xDC00, s9;
	s9 =	sshrl.u32 s30, $0x3  }
0x14: {  	s6 =	sor.u32 $0x1C03, s29;
	s9 =	sadd.s32 s14, s9;
	s11 =	sadd.s32 $0xB1800, s11  }
0x15: {  	s14 =	sadd.s32 s17, s14;
	s17 =	simm.s32 $0x80;
	s10 =	sadd.s32 $0x20, s9  }
.LBB2_7:
0x16: {  	[tilespmem:s20], [sflag:$0x2] =	stream.indirect.gather [hbm4b:s4+s17], $0x80, s19, s17, $0xb8;
	[tilespmem:$0x1C200] =	vst v63  }
.LBB2_8:
0x17: {  	_ =	swait.ge [sflag:s21], $0x4000  }
0x18: {  	[sflag:s21] =	ssyncset.done $0x0  }
0x19: {  	[sflag:s21] =	ssyncadd.s32 $0xFFFFC000  }
0x1a: {  	[spmem:s2] =	stream.indirect.scatter.add.f32 [tilespmem:s18], [sflag:$0x3], $0x80, s17, s17, $0xb8;
	[tilespmem:$0x1C200] =	vst v63  }
0x1b: {  	_ =	swait.ge [sflag:s16], $0x4000  }
0x1c: {  	[sflag:s16] =	ssyncset.done $0x0  }
0x1d: {  	[sflag:s16] =	ssyncadd.s32 $0xFFFFC000  }
0x1e: {  	_ =	swait.ge [sflag:s22], $0x4000  }
0x1f: {  	[sflag:s22] =	ssyncset.done $0x0  }
0x20: {  	[sflag:s22] =	ssyncadd.s32 $0xFFFFC000  }
0x21: {  	[spmem:s2] =	stream.indirect.scatter.add.f32 [tilespmem:s20], [sflag:$0x3], $0x80, s23, s17, $0xb8;
	[tilespmem:$0x1C200] =	vst v63  }
0x22: {  	_ =	swait.ge [sflag:s16], $0x4000  }
0x23: {  	s24 =	sadd.s32 $0x1, s24;
	[sflag:s16] =	ssyncset.done $0x0  }
0x24: {  	p1 =	sne.s32 s24, s12;
	[sflag:s16] =	ssyncadd.s32 $0xFFFFC000  }
.Ltmp1:
0x25: {  	[bflag:$0x0] =	sbarrier.arrive $0xFFFF;
	(pc) =	sbr.rel @!p1 .LBB2_9-.Ltmp1, $4  }
0x26: {  	[hbm:s11], [sflag:s6] =	dma.local [spmem:s15], $0x2800  }
0x27: {  	_ =	swait.ge [sflag:s16], $0x2800  }
0x28: {  	[sflag:s16] =	ssyncset.done $0x0  }
0x29: {  	[sflag:s16] =	ssyncadd.s32 $0xFFFFD800  }
.LBB2_1:
0x2a: {  	[spmem:s15], [sflag:s6] =	dma.local [hbm:s5], $0x2800  }
.Ltmp2:
0x2b: {  	_ =	swait.ge [sflag:s16], $0x2800;
	(pc) =	sbr.rel @!p0 .LBB2_2-.Ltmp2, $3  }
0x2c: {  	[sflag:s16] =	ssyncset.done $0x0  }
0x2d: {  	[sflag:s16] =	ssyncadd.s32 $0xFFFFD800  }
0x2e: {  	[bflag:$0x0] =	sbarrier.arrive $0xFFFF;
	_ =	sdelay $0x1  }
0x2f: {  	[tilespmem:s3], [sflag:$0x3] =	stream.linear.gather [hbm4b:s9+s3], $0x100, $0x38;
	[tilespmem:$0x1C200] =	vst v63  }
0x30: {  	_ =	swait.ge [sflag:s16], $0x100  }
0x31: {  	[sflag:s16] =	ssyncset.done $0x0  }
0x32: {  	[sflag:s16] =	ssyncadd.s32 $0xFFFFFF00  }
0x33: {  	[tilespmem:s18], [sflag:$0x1] =	stream.indirect.gather [hbm4b:s4+s17], $0x80, s3, s17, $0xb8;
	[tilespmem:$0x1C200] =	vst v63  }
0x34: {  	_ = 	snop  }
0x35: {  	[tilespmem:s19], [sflag:$0x3] =	stream.linear.gather [hbm4b:s10+s3], $0x100, $0x38;
	[tilespmem:$0x1C200] =	vst v63  }
0x36: {  	_ =	swait.ge [sflag:s16], $0x100  }
0x37: {  	[sflag:s16] =	ssyncset.done $0x0  }
0x38: {  	[sflag:s16] =	ssyncadd.s32 $0xFFFFFF00  }
0x39: {  	[tilespmem:s20], [sflag:$0x2] =	stream.indirect.gather [hbm4b:s4+s17], $0x80, s19, s17, $0xb8;
	[tilespmem:$0x1C200] =	vst v63  }
0x3a: {  	_ =	swait.ge [sflag:s21], $0x4000  }
0x3b: {  	[sflag:s21] =	ssyncset.done $0x0  }
0x3c: {  	[sflag:s21] =	ssyncadd.s32 $0xFFFFC000  }
0x3d: {  	[spmem:s2] =	stream.indirect.scatter.add.f32 [tilespmem:s18], [sflag:$0x3], $0x80, s17, s17, $0xb8;
	[tilespmem:$0x1C200] =	vst v63  }
0x3e: {  	_ =	swait.ge [sflag:s16], $0x4000  }
0x3f: {  	s25 =	sadd.s32 $0xFFFFFC80, s14;
	[sflag:s16] =	ssyncset.done $0x0  }
0x40: {  	s26 =	sadd.s32 $0x3C0, s25;
	[sflag:s16] =	ssyncadd.s32 $0xFFFFC000  }
0x41: {  	[tilespmem:s3], [sflag:$0x3] =	stream.linear.gather [hbm4b:s26+s3], $0x100, $0x38;
	[tilespmem:$0x1C200] =	vst v63  }
0x42: {  	_ =	swait.ge [sflag:s16], $0x100  }
0x43: {  	[sflag:s16] =	ssyncset.done $0x0  }
0x44: {  	[sflag:s16] =	ssyncadd.s32 $0xFFFFFF00  }
0x45: {  	[tilespmem:s18], [sflag:$0x1] =	stream.indirect.gather [hbm4b:s4+s17], $0x80, s3, s17, $0xb8;
	[tilespmem:$0x1C200] =	vst v63  }
0x46: {  	_ =	swait.ge [sflag:s22], $0x4000  }
0x47: {  	[sflag:s22] =	ssyncset.done $0x0  }
0x48: {  	[sflag:s22] =	ssyncadd.s32 $0xFFFFC000  }
0x49: {  	[spmem:s2] =	stream.indirect.scatter.add.f32 [tilespmem:s20], [sflag:$0x3], $0x80, s23, s17, $0xb8;
	[tilespmem:$0x1C200] =	vst v63  }
0x4a: {  	_ =	swait.ge [sflag:s16], $0x4000  }
0x4b: {  	[sflag:s16] =	ssyncset.done $0x0  }
0x4c: {  	s25 =	sadd.s32 $0x3E0, s25;
	[sflag:s16] =	ssyncadd.s32 $0xFFFFC000  }
0x4d: {  	[tilespmem:s19], [sflag:$0x3] =	stream.linear.gather [hbm4b:s25+s3], $0x100, $0x38;
	[tilespmem:$0x1C200] =	vst v63  }
0x4e: {  	_ =	swait.ge [sflag:s16], $0x100  }
0x4f: {  	[sflag:s16] =	ssyncset.done $0x0  }
0x50: {  	s25 =	simm.s32 $0xFFFFFCC0;
	[sflag:s16] =	ssyncadd.s32 $0xFFFFFF00  }
.LBB2_6:
0x51: {  	[tilespmem:s20], [sflag:$0x2] =	stream.indirect.gather [hbm4b:s4+s17], $0x80, s19, s17, $0xb8;
	[tilespmem:$0x1C200] =	vst v63  }
0x52: {  	s26 =	smov.u32 s25  }
0x53: {  	p1 =	sne.s32 s25, $0xFFFFFFC0;
	s25 =	sadd.s32 $0x40, s25;
	_ =	swait.ge [sflag:s21], $0x4000  }
0x54: {  	[sflag:s21] =	ssyncset.done $0x0  }
0x55: {  	[sflag:s21] =	ssyncadd.s32 $0xFFFFC000  }
0x56: {  	[spmem:s2] =	stream.indirect.scatter.add.f32 [tilespmem:s18], [sflag:$0x3], $0x80, s17, s17, $0xb8;
	[tilespmem:$0x1C200] =	vst v63  }
0x57: {  	_ =	swait.ge [sflag:s16], $0x4000  }
0x58: {  	s26 =	sadd.s32 s26, s14;
	[sflag:s16] =	ssyncset.done $0x0  }
0x59: {  	s28 =	sadd.s32 $0x3C0, s26;
	[sflag:s16] =	ssyncadd.s32 $0xFFFFC000  }
0x5a: {  	[tilespmem:s3], [sflag:$0x3] =	stream.linear.gather [hbm4b:s28+s3], $0x100, $0x38;
	[tilespmem:$0x1C200] =	vst v63  }
0x5b: {  	_ =	swait.ge [sflag:s16], $0x100  }
0x5c: {  	[sflag:s16] =	ssyncset.done $0x0  }
0x5d: {  	[sflag:s16] =	ssyncadd.s32 $0xFFFFFF00  }
0x5e: {  	[tilespmem:s18], [sflag:$0x1] =	stream.indirect.gather [hbm4b:s4+s17], $0x80, s3, s17, $0xb8;
	[tilespmem:$0x1C200] =	vst v63  }
0x5f: {  	_ =	swait.ge [sflag:s22], $0x4000  }
0x60: {  	[sflag:s22] =	ssyncset.done $0x0  }
0x61: {  	[sflag:s22] =	ssyncadd.s32 $0xFFFFC000  }
0x62: {  	[spmem:s2] =	stream.indirect.scatter.add.f32 [tilespmem:s20], [sflag:$0x3], $0x80, s23, s17, $0xb8;
	[tilespmem:$0x1C200] =	vst v63  }
0x63: {  	_ =	swait.ge [sflag:s16], $0x4000  }
0x64: {  	[sflag:s16] =	ssyncset.done $0x0  }
.Ltmp3:
0x65: {  	s26 =	sadd.s32 $0x3E0, s26;
	[sflag:s16] =	ssyncadd.s32 $0xFFFFC000;
	(pc) =	sbr.rel @p1 .LBB2_6-.Ltmp3, $4  }
0x66: {  	[tilespmem:s19], [sflag:$0x3] =	stream.linear.gather [hbm4b:s26+s3], $0x100, $0x38;
	[tilespmem:$0x1C200] =	vst v63  }
0x67: {  	_ =	swait.ge [sflag:s16], $0x100  }
0x68: {  	[sflag:s16] =	ssyncset.done $0x0  }
0x69: {  	[sflag:s16] =	ssyncadd.s32 $0xFFFFFF00  }
.Ltmp4:
0x6a: {  	_ = 	snop;
	(pc) =	sbr.rel .LBB2_7-.Ltmp4, $1  }
0x6b: {  	_ =	sdelay $0x3  }
.LBB2_2:
0x6c: {  	[tilespmem:s3], [sflag:$0x3] =	stream.linear.gather [hbm4b:s7+s3], $0x100, $0x38;
	[tilespmem:$0x1C200] =	vst v63  }
0x6d: {  	_ =	swait.ge [sflag:s16], $0x100  }
0x6e: {  	[sflag:s16] =	ssyncset.done $0x0  }
0x6f: {  	[sflag:s16] =	ssyncadd.s32 $0xFFFFFF00  }
0x70: {  	[tilespmem:s18], [sflag:$0x1] =	stream.indirect.gather [hbm4b:s4+s17], $0x80, s3, s17, $0xb8;
	[tilespmem:$0x1C200] =	vst v63  }
0x71: {  	_ = 	snop  }
0x72: {  	[tilespmem:s19], [sflag:$0x3] =	stream.linear.gather [hbm4b:s8+s3], $0x100, $0x38;
	[tilespmem:$0x1C200] =	vst v63  }
0x73: {  	_ =	swait.ge [sflag:s16], $0x100  }
0x74: {  	[sflag:s16] =	ssyncset.done $0x0  }
0x75: {  	[sflag:s16] =	ssyncadd.s32 $0xFFFFFF00  }
0x76: {  	[tilespmem:s20], [sflag:$0x2] =	stream.indirect.gather [hbm4b:s4+s17], $0x80, s19, s17, $0xb8;
	[tilespmem:$0x1C200] =	vst v63  }
0x77: {  	_ =	swait.ge [sflag:s21], $0x4000  }
0x78: {  	[sflag:s21] =	ssyncset.done $0x0  }
0x79: {  	[sflag:s21] =	ssyncadd.s32 $0xFFFFC000  }
0x7a: {  	[spmem:s2] =	stream.indirect.scatter.add.f32 [tilespmem:s18], [sflag:$0x3], $0x80, s17, s17, $0xb8;
	[tilespmem:$0x1C200] =	vst v63  }
0x7b: {  	_ =	swait.ge [sflag:s16], $0x4000  }
0x7c: {  	s25 =	sadd.s32 $0xFFFFF000, s13;
	[sflag:s16] =	ssyncset.done $0x0  }
0x7d: {  	s26 =	sadd.s32 $0x1040, s25;
	[sflag:s16] =	ssyncadd.s32 $0xFFFFC000  }
0x7e: {  	[tilespmem:s3], [sflag:$0x3] =	stream.linear.gather [hbm4b:s26+s3], $0x100, $0x38;
	[tilespmem:$0x1C200] =	vst v63  }
0x7f: {  	_ =	swait.ge [sflag:s16], $0x100  }
0x80: {  	[sflag:s16] =	ssyncset.done $0x0  }
0x81: {  	[sflag:s16] =	ssyncadd.s32 $0xFFFFFF00  }
0x82: {  	[tilespmem:s18], [sflag:$0x1] =	stream.indirect.gather [hbm4b:s4+s17], $0x80, s3, s17, $0xb8;
	[tilespmem:$0x1C200] =	vst v63  }
0x83: {  	_ =	swait.ge [sflag:s22], $0x4000  }
0x84: {  	[sflag:s22] =	ssyncset.done $0x0  }
0x85: {  	[sflag:s22] =	ssyncadd.s32 $0xFFFFC000  }
0x86: {  	[spmem:s2] =	stream.indirect.scatter.add.f32 [tilespmem:s20], [sflag:$0x3], $0x80, s23, s17, $0xb8;
	[tilespmem:$0x1C200] =	vst v63  }
0x87: {  	_ =	swait.ge [sflag:s16], $0x4000  }
0x88: {  	[sflag:s16] =	ssyncset.done $0x0  }
0x89: {  	s25 =	sadd.s32 $0x1060, s25;
	[sflag:s16] =	ssyncadd.s32 $0xFFFFC000  }
0x8a: {  	[tilespmem:s19], [sflag:$0x3] =	stream.linear.gather [hbm4b:s25+s3], $0x100, $0x38;
	[tilespmem:$0x1C200] =	vst v63  }
0x8b: {  	_ =	swait.ge [sflag:s16], $0x100  }
0x8c: {  	[sflag:s16] =	ssyncset.done $0x0  }
0x8d: {  	s25 =	simm.s32 $0xFFFFF040;
	[sflag:s16] =	ssyncadd.s32 $0xFFFFFF00  }
.LBB2_3:
0x8e: {  	[tilespmem:s20], [sflag:$0x2] =	stream.indirect.gather [hbm4b:s4+s17], $0x80, s19, s17, $0xb8;
	[tilespmem:$0x1C200] =	vst v63  }
0x8f: {  	s26 =	smov.u32 s25  }
0x90: {  	p1 =	seq.s32 s25, $0xFFFFFFC0;
	s25 =	sadd.s32 $0x40, s25;
	_ =	swait.ge [sflag:s21], $0x4000  }
0x91: {  	[sflag:s21] =	ssyncset.done $0x0  }
0x92: {  	[sflag:s21] =	ssyncadd.s32 $0xFFFFC000  }
0x93: {  	[spmem:s2] =	stream.indirect.scatter.add.f32 [tilespmem:s18], [sflag:$0x3], $0x80, s17, s17, $0xb8;
	[tilespmem:$0x1C200] =	vst v63  }
0x94: {  	_ =	swait.ge [sflag:s16], $0x4000  }
0x95: {  	s26 =	sadd.s32 s26, s13;
	[sflag:s16] =	ssyncset.done $0x0  }
0x96: {  	s28 =	sadd.s32 $0x1040, s26;
	[sflag:s16] =	ssyncadd.s32 $0xFFFFC000  }
0x97: {  	[tilespmem:s3], [sflag:$0x3] =	stream.linear.gather [hbm4b:s28+s3], $0x100, $0x38;
	[tilespmem:$0x1C200] =	vst v63  }
0x98: {  	_ =	swait.ge [sflag:s16], $0x100  }
0x99: {  	[sflag:s16] =	ssyncset.done $0x0  }
0x9a: {  	[sflag:s16] =	ssyncadd.s32 $0xFFFFFF00  }
0x9b: {  	[tilespmem:s18], [sflag:$0x1] =	stream.indirect.gather [hbm4b:s4+s17], $0x80, s3, s17, $0xb8;
	[tilespmem:$0x1C200] =	vst v63  }
0x9c: {  	_ =	swait.ge [sflag:s22], $0x4000  }
0x9d: {  	[sflag:s22] =	ssyncset.done $0x0  }
0x9e: {  	[sflag:s22] =	ssyncadd.s32 $0xFFFFC000  }
0x9f: {  	[spmem:s2] =	stream.indirect.scatter.add.f32 [tilespmem:s20], [sflag:$0x3], $0x80, s23, s17, $0xb8;
	[tilespmem:$0x1C200] =	vst v63  }
0xa0: {  	_ =	swait.ge [sflag:s16], $0x4000  }
0xa1: {  	[sflag:s16] =	ssyncset.done $0x0  }
.Ltmp5:
0xa2: {  	s26 =	sadd.s32 $0x1060, s26;
	[sflag:s16] =	ssyncadd.s32 $0xFFFFC000;
	(pc) =	sbr.rel @!p1 .LBB2_3-.Ltmp5, $4  }
0xa3: {  	[tilespmem:s19], [sflag:$0x3] =	stream.linear.gather [hbm4b:s26+s3], $0x100, $0x38;
	[tilespmem:$0x1C200] =	vst v63  }
0xa4: {  	_ =	swait.ge [sflag:s16], $0x100  }
0xa5: {  	[sflag:s16] =	ssyncset.done $0x0  }
0xa6: {  	[sflag:s16] =	ssyncadd.s32 $0xFFFFFF00  }
.Ltmp6:
0xa7: {  	(pc) =	sbr.rel .LBB2_8-.Ltmp6, $2  }
0xa8: {  	_ =	sdelay $0x2  }
0xa9: {  	[tilespmem:s20], [sflag:$0x2] =	stream.indirect.gather [hbm4b:s4+s17], $0x80, s19, s17, $0xb8;
	[tilespmem:$0x1C200] =	vst v63  }
.LBB2_9:
0xaa: {  	_ =	sfence.sel $0x180000  }
0xab: {  	[bflag:$0x0] =	sbarrier.arrive $0xFFFF  }
0xac: {  	p0 =	sne.s32 s1, $0x0;
	_ =	strace $0x9000004D  }
0xad: {  	s0 =	sadd.s32 @!p0 $0x100000, s0;
	[bflag:$0x2] =	sbarrier.arrive $0xFFFF  }
0xae: {  	[sflag:s0] =	ssyncadd.tile.s32 @!p0 $0x1;
	_ =	shalt  }
.Lfunc_end2:
_tile_overlayer_lowered:
.L_overlay_start_2:
0xaf: {  	(tag) =	ssettag $0x2  }
0xb0: {  	s0 =	rddreg [dreg:$0x0];
	s2 =	stileid.u32  }
0xb1: {  	s1 =	rddreg [dreg:$0x1];
	p0 =	sne.s32 s2, $0x0  }
0xb2: {  	s3 =	rddreg [dreg:$0x2];
	[bflag:$0x3] =	sbarrier.arrive $0xFFFF;
	s2 =	simm.s32 @!p0 $0x1C03  }
0xb3: {  	[timem:s3], [sflag:s2] =	dma.local @!p0 [hbm:s0], s1  }
0xb4: {  	s0 =	simm.s32 @!p0 $0x3  }
0xb5: {  	_ =	swait.ge @!p0 [sflag:s0], s1  }
0xb6: {  	s1 =	ssub.s32 @!p0 $0x0, s1;
	[sflag:s0] =	ssyncset.done @!p0 $0x0  }
0xb7: {  	[sflag:s0] =	ssyncadd.s32 @!p0 s1  }
0xb8: {  	[bflag:$0x3] =	sbarrier.arrive $0xFFFF  }
0xb9: {  	_ =	shalt  }

// kernel: kernel.9.cloned.1.call-start
scs
__scs_entry_jumppad:
0x0: {  	(pc) =	sbr.rel $0x88, $3  }
0x1: {  	(tag) =	ssettag $0x0;
	lr =	simm.s32 $0x1  }
0x2: {  	[smem:$0x3F9B] =	sst lr;
	_ =	strace $0xD0000000  }
0x3: {  	_ = 	snop  }
0x4: {  	_ = 	snop  }
0x5: {  	_ = 	snop  }
0x6: {  	_ = 	snop  }
0x7: {  	_ = 	snop  }
__scs_overlays_trampoline_lowered:
0x8: {  	[smem:$0x3FAA] =	sst s0  }
0x9: {  	[smem:$0x3FAB] =	sst s1  }
0xa: {  	[smem:$0x3FAC] =	sst s2  }
0xb: {  	[smem:$0x3FAD] =	sst s3  }
0xc: {  	[smem:$0x3FAE] =	sst s4  }
0xd: {  	[smem:$0x3FAF] =	sst s5  }
0xe: {  	[smem:$0x3FB0] =	sst s6  }
0xf: {  	[smem:$0x3FB1] =	sst s7  }
0x10: {  	[smem:$0x3FB2] =	sst s8  }
0x11: {  	[smem:$0x3FB3] =	sst s9;
	s0 =	simm.s32 @!p0 $0x0  }
0x12: {  	s1 =	sld [smem:$0x3F99];
	s0 =	simm.s32 @p0 $0x1  }
0x13: {  	[smem:$0x3FB4] =	sst s0;
	s0 =	simm.s32 @!p1 $0x0  }
0x14: {  	s2 =	sld [smem:$0x3F98];
	s0 =	simm.s32 @p1 $0x1  }
0x15: {  	[smem:$0x3FB5] =	sst s0;
	s0 =	simm.s32 @!p2 $0x0  }
0x16: {  	s3 =	sld [smem:$0x3FDB];
	s0 =	simm.s32 @p2 $0x1  }
0x17: {  	s4 =	simm.s32 $0x1BF5;
	[smem:$0x3FB7] =	sst s0  }
0x18: {  	s0 =	sld [smem:$0x3F9A];
	_ =	swait.ge [sflag:s4], $0x0  }
0x19: {  	s7 =	sld [smem:$0x3F9B]  }
0x1a: {  	s8 =	sadd.s32 $0xFFFFE003, lr  }
0x1b: {  	s9 =	sadd.s32 $0xFFFFFEF7, lr;
	s5 =	simm.s32 $0xFFFFFFFF;
	p2 =	slt.u32 s8, $0xFFFFF086  }
0x1c: {  	p1 =	slt.u32 s9, $0xF7A;
	s5 =	simm.s32 @!p2 $0x0  }
0x1d: {  	s5 =	simm.s32 @p1 $0x1;
	p0 =	seq.s32 s7, s2  }
0x1e: {  	s7 =	smul.u32 @!p0 $0xF7A, s2;
	p2 =	seq.s32 @!p0 s5, $0x0  }
0x1f: {  	s9 =	smul.u32 $0xF7A, s1;
	s8 =	simm.s32 @!p0 $0x1BF5;
	p2 =	por !p2, p0  }
0x20: {  	[sflag:s8] =	ssyncset.s32 @!p0 $0xFFFFF086;
	s6 =	sadd.s32 @!p0 s3, s7;
	s7 =	simm.s32 @!p0 $0x108  }
0x21: {  	s3 =	sadd.s32 s3, s9;
	s6 =	sadd.s32 @!p0 $0x88, s6;
	s7 =	simm.s32 @p2 $0x1082  }
0x22: {  	[simem:s7], [sflag:s8] =	dma.local @!p0 [hbm:s6], $0xF7A  }
0x23: {  	s9 =	sor.u32 $0xD0000000, s2;
	s6 =	simm.s32 $0x108;
	_ =	swait.ge @!p0 [sflag:s8], $0x0  }
0x24: {  	s3 =	sadd.s32 $0x88, s3;
	s6 =	simm.s32 @!p1 $0x1082;
	[sflag:s4] =	ssyncset.s32 $0xFFFFF086  }
0x25: {  	[simem:s6], [sflag:s4] =	dma.local [hbm:s3], $0xF7A  }
0x26: {  	[smem:$0x3F9B] =	sst s1;
	(tag) =	ssettag s2;
	_ =	strace s9  }
0x27: {  	s1 =	sld [smem:$0x3FAB]  }
0x28: {  	s2 =	sld [smem:$0x3FAC]  }
0x29: {  	s4 =	sld [smem:$0x3FAE]  }
0x2a: {  	p0 =	seq.s32 s5, $0x0;
	s5 =	sld [smem:$0x3FAF]  }
0x2b: {  	s6 =	sld [smem:$0x3FB0]  }
0x2c: {  	s7 =	sld [smem:$0x3FB1]  }
0x2d: {  	s3 =	simm.s32 $0x108;
	s8 =	sld [smem:$0x3FB2]  }
0x2e: {  	s3 =	simm.s32 @!p0 $0x1082;
	s9 =	sld [smem:$0x3FB3]  }
0x2f: {  	lr =	sadd.s32 s0, s3;
	s0 =	sld [smem:$0x3FAA]  }
0x30: {  	s3 =	sld [smem:$0x3FAD]  }
0x31: {  	[smem:$0x3FB6] =	sst s10  }
0x32: {  	s10 =	sld [smem:$0x3FB4];
	_ =	sdelay $0x3  }
0x33: {  	p0 =	seq.s32 s10, $0x1;
	s10 =	sld [smem:$0x3FB6];
	_ =	sdelay $0x3  }
0x34: {  	[smem:$0x3FB6] =	sst s10  }
0x35: {  	s10 =	sld [smem:$0x3FB5];
	_ =	sdelay $0x3  }
0x36: {  	p1 =	seq.s32 s10, $0x1;
	s10 =	sld [smem:$0x3FB6];
	_ =	sdelay $0x3  }
0x37: {  	[smem:$0x3FB6] =	sst s10  }
0x38: {  	s10 =	sld [smem:$0x3FB7]  }
0x39: {  	_ = 	snop;
	(pc) =	sbr.ind lr, $3  }
0x3a: {  	_ = 	snop  }
0x3b: {  	_ = 	snop  }
0x3c: {  	p2 =	seq.s32 s10, $0x1;
	s10 =	sld [smem:$0x3FB6]  }
0x3d: {  	_ =	shalt  }
0x3e: {  	_ =	shalt  }
0x3f: {  	_ =	shalt  }
0x40: {  	_ =	shalt  }
0x41: {  	_ =	shalt  }
0x42: {  	_ =	shalt  }
0x43: {  	_ =	shalt  }
0x44: {  	_ =	shalt  }
0x45: {  	_ =	shalt  }
0x46: {  	_ =	shalt  }
0x47: {  	_ =	shalt  }
0x48: {  	_ =	shalt  }
0x49: {  	_ =	shalt  }
0x4a: {  	_ =	shalt  }
0x4b: {  	_ =	shalt  }
0x4c: {  	_ =	shalt  }
0x4d: {  	_ =	shalt  }
0x4e: {  	_ =	shalt  }
0x4f: {  	_ =	shalt  }
0x50: {  	_ =	shalt  }
0x51: {  	_ =	shalt  }
0x52: {  	_ =	shalt  }
0x53: {  	_ =	shalt  }
0x54: {  	_ =	shalt  }
0x55: {  	_ =	shalt  }
0x56: {  	_ =	shalt  }
0x57: {  	_ =	shalt  }
0x58: {  	_ =	shalt  }
0x59: {  	_ =	shalt  }
0x5a: {  	_ =	shalt  }
0x5b: {  	_ =	shalt  }
0x5c: {  	_ =	shalt  }
0x5d: {  	_ =	shalt  }
0x5e: {  	_ =	shalt  }
0x5f: {  	_ =	shalt  }
0x60: {  	_ =	shalt  }
0x61: {  	_ =	shalt  }
0x62: {  	_ =	shalt  }
0x63: {  	_ =	shalt  }
0x64: {  	_ =	shalt  }
0x65: {  	_ =	shalt  }
0x66: {  	_ =	shalt  }
0x67: {  	_ =	shalt  }
0x68: {  	_ =	shalt  }
0x69: {  	_ =	shalt  }
0x6a: {  	_ =	shalt  }
0x6b: {  	_ =	shalt  }
0x6c: {  	_ =	shalt  }
0x6d: {  	_ =	shalt  }
0x6e: {  	_ =	shalt  }
0x6f: {  	_ =	shalt  }
0x70: {  	_ =	shalt  }
0x71: {  	_ =	shalt  }
0x72: {  	_ =	shalt  }
0x73: {  	_ =	shalt  }
0x74: {  	_ =	shalt  }
0x75: {  	_ =	shalt  }
0x76: {  	_ =	shalt  }
0x77: {  	_ =	shalt  }
0x78: {  	_ =	shalt  }
0x79: {  	_ =	shalt  }
0x7a: {  	_ =	shalt  }
0x7b: {  	_ =	shalt  }
0x7c: {  	_ =	shalt  }
0x7d: {  	_ =	shalt  }
0x7e: {  	_ =	shalt  }
0x7f: {  	_ =	shalt  }
0x80: {  	_ =	shalt  }
0x81: {  	_ =	shalt  }
0x82: {  	_ =	shalt  }
0x83: {  	_ =	shalt  }
0x84: {  	_ =	shalt  }
0x85: {  	_ =	shalt  }
0x86: {  	_ =	shalt  }
0x87: {  	_ =	shalt  }
.Lfunc_end0:
.L_simem_size_0:
called_computation_lowered:
.L_overlay_start_0:
0x88: {  	s2 =	sld [smem:$0x3FD9]  }
0x89: {  	s3 =	sld [smem:$0x3FFE];
	_ =	sdelay $0x1  }
0x8a: {  	s1 =	srdreg.scid  }
0x8b: {  	s0 =	sand.u32 $0x1, s1  }
0x8c: {  	s16 =	sshll.u32 s0, $0xA;
	s2 =	sadd.s32 s3, s2  }
0x8d: {  	s2 =	sadd.s32 s2, s16  }
0x8e: {  	[smem:$0x3FC2] =	sst s2  }
0x8f: {  	_ = 	snop  }
0x90: {  	(tm) =	ssettm $0x1  }
0x91: {  	s17 =	sld [smem:$0x3FFB];
	_ =	sdelay $0x3  }
0x92: {  	_ =	strace s17  }
0x93: {  	s2 =	sld [smem:$0x3FFC];
	_ =	sdelay $0x3  }
0x94: {  	_ =	strace s2  }
0x95: {  	s2 =	sld [smem:$0x3FFD];
	_ =	sdelay $0x3  }
0x96: {  	_ =	strace s2  }
0x97: {  	_ =	strace $0x8FFFFFFF  }
0x98: {  	s18 =	sld [smem:$0x3FDB];
	_ =	sdelay $0x1  }
0x99: {  	s19 =	simm.s32 $_scs_section_size  }
0x9a: {  	s4 =	simm.s32 $_size__tile_overlayer_lowered;
	s5 =	simm.s32 $_tile_overlayer_lowered  }
0x9b: {  	s22 =	simm.s32 $0x1BFF;
	s21 =	sshll.u32 s5, $0x1;
	s2 =	sadd.s32 s19, s18  }
0x9c: {  	s6 =	simm.s32 $0x0;
	s20 =	sshll.u32 s4, $0x1;
	s4 =	sadd.s32 s21, s2  }
0x9d: {  	[timem:s6], [sflag:s22] =	dma.local [hbm:s4], s20  }
0x9e: {  	_ =	swait.ge [sflag:s22], s20  }
0x9f: {  	s3 =	ssub.s32 $0x0, s20;
	[sflag:s22] =	ssyncset.done $0x0  }
0xa0: {  	[sflag:s22] =	ssyncadd.s32 s3;
	_ =	sdelay $0x1  }
0xa1: {  	s23 =	simm.s32 $0x1B8B  }
0xa2: {  	_ =	swait.ge [sflag:s23], $0x1  }
0xa3: {  	[sflag:s23] =	ssyncset.done $0x0  }
0xa4: {  	s25 =	simm.s32 $0x1B8E;
	s24 =	sld [smem:$0x3FFE];
	[sflag:s23] =	ssyncadd.s32 $0xFFFFFFFF  }
0xa5: {  	s26 =	simm.s32 $execute0_lowered;
	[smem:$0x3FD2] =	sst s25  }
0xa6: {  	s4 =	sshll.u32 s26, $0x1;
	_ =	strace $0x80000046;
	[dreg:$0x1] =	wrdreg $0xFFFFFFFF  }
0xa7: {  	s28 =	simm.s32 $_size_execute0_lowered;
	s2 =	sadd.s32 s2, s4;
	[dreg:$0x0] =	wrdreg $0x0  }
0xa8: {  	s4 =	sshll.u32 s28, $0x1;
	[dreg:$0x2] =	wrdreg s2  }
0xa9: {  	[dreg:$0x3] =	wrdreg s4  }
0xaa: {  	[dreg:$0x4] =	wrdreg $0xC0  }
0xab: {  	_ =	task [dreg:s6], $0x5FFFF  }
0xac: {  	[dreg:$0x1] =	wrdreg $0xFFFFFFFF  }
0xad: {  	[dreg:$0x0] =	wrdreg $0x60  }
0xae: {  	[dreg:$0x2] =	wrdreg s24  }
0xaf: {  	[dreg:$0x3] =	wrdreg $0x41000  }
0xb0: {  	[dreg:$0x4] =	wrdreg $0x9  }
0xb1: {  	_ =	task.clear_ibuf [dreg:s6], $0x5FFFF;
	_ =	strace $0x90000046  }
0xb2: {  	s29 =	simm.s32 $0x9;
	_ =	strace $0x80000048  }
0xb3: {  	_ =	swait.ge [sflag:s29], $0x1  }
0xb4: {  	[sflag:s29] =	ssyncadd.s32 $0xFFFFFFFF  }
0xb5: {  	_ =	strace $0x90000048  }
0xb6: {  	_ =	sfence  }
0xb7: {  	s30 =	sld [smem:$0x0];
	_ =	sdelay $0x2  }
0xb8: {  	s31 =	sshll.u32 s1, $0xD;
	s1 =	sshrl.u32 s1, $0x2  }
0xb9: {  	s3 =	sand.u32 $0x4000, s31;
	s1 =	sadd.s32 s1, s30  }
0xba: {  	s0 =	sor.u32 s3, s0;
	s1 =	sshll.u32 s1, $0x11  }
0xbb: {  	s0 =	sor.u32 s1, s0  }
0xbc: {  	s0 =	sadd.s32 $0x8F2B, s0  }
0xbd: {  	[sflag:s0] =	ssyncadd.remote.s32 $0x1  }
0xbe: {  	_ =	sfence.sel $0xFFFF  }
0xbf: {  	[dreg:$0x0] =	wrdreg $0xFFFFFFFF;
	(pc) =	sbr.abs _section_cstart, $3  }
0xc0: {  	[dreg:$0x1] =	wrdreg $0xFFFFFFFF  }
0xc1: {  	_ =	task.clear_ibuf [dreg:s6], $0x2FFFF;
	_ =	strace $0x9FFFFFFF  }
0xc2: {  	(tm) =	ssettm $0x7FFFFFFF  }
0xc3: {  	_ =	shalt  }
tec
execute0_lowered:
.L_overlay_start_1:
0x0: {  	(tag) =	ssettag $0x1  }
0x1: {  	s5 =	rddreg [dreg:$0x0]  }
0x2: {  	s2 =	rddreg [dreg:$0x1]  }
0x3: {  	s0 =	rddreg [dreg:$0x2]  }
0x4: {  	s3 =	simm.s32 $0x0;
	s1 =	stileid.u32;
	s4 =	srdreg.scid  }
0x5: {  	s16 =	simm.s32 $0x80;
	s17 =	simm.s32 $0x1;
	s18 =	simm.s32 $0x2  }
0x6: {  	s19 =	simm.s32 $0x0;
	[smem:$0x7FF] =	sst s3;
	s6 =	smul.u32 $0x14000, s1  }
0x7: {  	s7 =	sand.u32 $0x1, s4;
	s11 =	sadd.s32 $0x3400, s5;
	s21 =	smul.u32 $0x50000, s1  }
0x8: {  	s4 =	sadd.s32 $0xD400, s5;
	s10 =	sshll.u32 s1, $0x1;
	s13 =	smul.u32 $0x5000, s1  }
0x9: {  	s31 =	sshll.u32 s1, $0x6;
	_ =	strace $0x80000047;
	s8 =	smul.u32 $0x140000, s7  }
0xa: {  	s10 =	sor.u32 s7, s10;
	s22 =	ssub.s32 $0x2, s7;
	s7 =	smul.u32 $0x2800, s7  }
0xb: {  	s9 =	sshrl.u32 s6, $0x3;
	s10 =	smul.u32 $0x2800, s10;
	s23 =	sshrl.u32 s22, $0x1  }
0xc: {  	s6 =	sadd.s32 s6, s8;
	s9 =	sadd.s32 s9, s5;
	s8 =	sshrl.u32 s21, $0x2  }
0xd: {  	s14 =	ssub.s32 s22, s23;
	s25 =	sadd.s32 s7, s13;
	s13 =	simm.s32 $0x3  }
0xe: {  	s6 =	sshrl.u32 s6, $0x3;
	s15 =	sadd.s32 s8, s2;
	s24 =	sshrl.u32 s10, $0x3  }
0xf: {  	s26 =	sor.u32 $0x180, s25;
	s28 =	sor.u32 $0x100, s25;
	s12 =	sadd.s32 s6, s5  }
0x10: {  	s5 =	sadd.s32 $0xDC00, s9;
	s6 =	sadd.s32 s11, s24;
	s29 =	sshrl.u32 s26, $0x3  }
0x11: {  	s30 =	sshrl.u32 s28, $0x3;
	s9 =	smax.u32 s14, $0x1;
	s14 =	sor.u32 $0x1C03, s31  }
0x12: {  	s15 =	sshrl.u32 s15, $0x3;
	s7 =	sadd.s32 $0x10, s6;
	s8 =	sadd.s32 $0x35C00, s12  }
0x13: {  	s10 =	sadd.s32 s29, s11;
	s11 =	sadd.s32 s30, s11;
	s12 =	simm.s32 $0x100  }
.LBB2_1:
0x14: {  	[tilespmem:s12], [sflag:$0x3] =	stream.linear.gather [hbm4b:s4+s3], $0x4000, $0x38;
	[tilespmem:$0x18100] =	vst v63  }
0x15: {  	_ =	swait.ge [sflag:s13], $0x4000  }
0x16: {  	[sflag:s13] =	ssyncset.done $0x0  }
0x17: {  	[sflag:s13] =	ssyncadd.s32 $0xFFFFC000  }
0x18: {  	[spmem:s15], [sflag:s14] =	dma.local [hbm:s5], $0x2800  }
0x19: {  	_ =	swait.ge [sflag:s13], $0x2800  }
0x1a: {  	[sflag:s13] =	ssyncset.done $0x0  }
0x1b: {  	[sflag:s13] =	ssyncadd.s32 $0xFFFFD800  }
0x1c: {  	[bflag:$0x0] =	sbarrier.arrive $0xFFFF  }
0x1d: {  	[tilespmem:s3], [sflag:$0x3] =	stream.linear.gather [hbm4b:s6+s3], $0x80, $0x38;
	[tilespmem:$0x18100] =	vst v63  }
0x1e: {  	_ =	swait.ge [sflag:s13], $0x80  }
0x1f: {  	[sflag:s13] =	ssyncset.done $0x0  }
0x20: {  	[sflag:s13] =	ssyncadd.s32 $0xFFFFFF80  }
0x21: {  	[spmem:s2] =	stream.indirect.scatter.add.f32 [tilespmem:s12], [sflag:$0x1], $0x80, s3, s16, $0xb8;
	[tilespmem:$0x18100] =	vst v63  }
0x22: {  	_ = 	snop  }
0x23: {  	[tilespmem:s16], [sflag:$0x3] =	stream.linear.gather [hbm4b:s7+s3], $0x80, $0x38;
	[tilespmem:$0x18100] =	vst v63  }
0x24: {  	_ =	swait.ge [sflag:s13], $0x80  }
0x25: {  	[sflag:s13] =	ssyncset.done $0x0  }
0x26: {  	[sflag:s13] =	ssyncadd.s32 $0xFFFFFF80  }
0x27: {  	[spmem:s2] =	stream.indirect.scatter.add.f32 [tilespmem:s12], [sflag:$0x2], $0x80, s16, s16, $0xb8;
	[tilespmem:$0x18100] =	vst v63  }
0x28: {  	_ =	swait.ge [sflag:s17], $0x4000  }
0x29: {  	[sflag:s17] =	ssyncset.done $0x0  }
0x2a: {  	s20 =	sadd.s32 $0x0, s11;
	[sflag:s17] =	ssyncadd.s32 $0xFFFFC000  }
0x2b: {  	[tilespmem:s3], [sflag:$0x3] =	stream.linear.gather [hbm4b:s20+s3], $0x80, $0x38;
	[tilespmem:$0x18100] =	vst v63  }
0x2c: {  	_ =	swait.ge [sflag:s13], $0x80  }
0x2d: {  	[sflag:s13] =	ssyncset.done $0x0  }
0x2e: {  	[sflag:s13] =	ssyncadd.s32 $0xFFFFFF80  }
0x2f: {  	[spmem:s2] =	stream.indirect.scatter.add.f32 [tilespmem:s12], [sflag:$0x1], $0x80, s3, s16, $0xb8;
	[tilespmem:$0x18100] =	vst v63  }
0x30: {  	_ =	swait.ge [sflag:s18], $0x4000  }
0x31: {  	[sflag:s18] =	ssyncset.done $0x0  }
0x32: {  	s31 =	sadd.s32 $0x0, s10;
	[sflag:s18] =	ssyncadd.s32 $0xFFFFC000  }
0x33: {  	[tilespmem:s16], [sflag:$0x3] =	stream.linear.gather [hbm4b:s31+s3], $0x80, $0x38;
	[tilespmem:$0x18100] =	vst v63  }
0x34: {  	_ =	swait.ge [sflag:s13], $0x80  }
0x35: {  	[sflag:s13] =	ssyncset.done $0x0  }
0x36: {  	s20 =	simm.s32 $0x20;
	[sflag:s13] =	ssyncadd.s32 $0xFFFFFF80  }
.LBB2_2:
0x37: {  	[spmem:s2] =	stream.indirect.scatter.add.f32 [tilespmem:s12], [sflag:$0x2], $0x80, s16, s16, $0xb8;
	[tilespmem:$0x18100] =	vst v63  }
0x38: {  	s21 =	smov.u32 s20  }
0x39: {  	p0 =	sne.s32 s20, $0x4C0;
	s20 =	sadd.s32 $0x20, s20;
	_ =	swait.ge [sflag:s17], $0x4000  }
0x3a: {  	[sflag:s17] =	ssyncset.done $0x0  }
0x3b: {  	s22 =	sadd.s32 s21, s11;
	[sflag:s17] =	ssyncadd.s32 $0xFFFFC000  }
0x3c: {  	[tilespmem:s3], [sflag:$0x3] =	stream.linear.gather [hbm4b:s22+s3], $0x80, $0x38;
	[tilespmem:$0x18100] =	vst v63  }
0x3d: {  	_ =	swait.ge [sflag:s13], $0x80  }
0x3e: {  	[sflag:s13] =	ssyncset.done $0x0  }
0x3f: {  	[sflag:s13] =	ssyncadd.s32 $0xFFFFFF80  }
0x40: {  	[spmem:s2] =	stream.indirect.scatter.add.f32 [tilespmem:s12], [sflag:$0x1], $0x80, s3, s16, $0xb8;
	[tilespmem:$0x18100] =	vst v63  }
0x41: {  	_ =	swait.ge [sflag:s18], $0x4000  }
0x42: {  	[sflag:s18] =	ssyncset.done $0x0  }
.Ltmp0:
0x43: {  	s21 =	sadd.s32 s21, s10;
	[sflag:s18] =	ssyncadd.s32 $0xFFFFC000;
	(pc) =	sbr.rel @p0 .LBB2_2-.Ltmp0, $4  }
0x44: {  	[tilespmem:s16], [sflag:$0x3] =	stream.linear.gather [hbm4b:s21+s3], $0x80, $0x38;
	[tilespmem:$0x18100] =	vst v63  }
0x45: {  	_ =	swait.ge [sflag:s13], $0x80  }
0x46: {  	[sflag:s13] =	ssyncset.done $0x0  }
0x47: {  	[sflag:s13] =	ssyncadd.s32 $0xFFFFFF80  }
0x48: {  	[spmem:s2] =	stream.indirect.scatter.add.f32 [tilespmem:s12], [sflag:$0x2], $0x80, s16, s16, $0xb8;
	[tilespmem:$0x18100] =	vst v63  }
0x49: {  	_ =	swait.ge [sflag:s17], $0x4000  }
0x4a: {  	[sflag:s17] =	ssyncset.done $0x0  }
0x4b: {  	[sflag:s17] =	ssyncadd.s32 $0xFFFFC000  }
0x4c: {  	_ =	swait.ge [sflag:s18], $0x4000  }
0x4d: {  	s19 =	sadd.s32 $0x1, s19;
	[sflag:s18] =	ssyncset.done $0x0  }
0x4e: {  	p0 =	sne.s32 s19, s9;
	[sflag:s18] =	ssyncadd.s32 $0xFFFFC000  }
.Ltmp1:
0x4f: {  	[bflag:$0x0] =	sbarrier.arrive $0xFFFF;
	(pc) =	sbr.rel @p0 .LBB2_1-.Ltmp1, $4  }
0x50: {  	[hbm:s8], [sflag:s14] =	dma.local [spmem:s15], $0x2800  }
0x51: {  	_ =	swait.ge [sflag:s13], $0x2800  }
0x52: {  	[sflag:s13] =	ssyncset.done $0x0  }
0x53: {  	[sflag:s13] =	ssyncadd.s32 $0xFFFFD800  }
0x54: {  	_ =	sfence.sel $0x180000  }
0x55: {  	[bflag:$0x0] =	sbarrier.arrive $0xFFFF  }
0x56: {  	p0 =	sne.s32 s1, $0x0;
	_ =	strace $0x90000047  }
0x57: {  	s0 =	sadd.s32 @!p0 $0x100000, s0;
	[bflag:$0x2] =	sbarrier.arrive $0xFFFF  }
0x58: {  	[sflag:s0] =	ssyncadd.tile.s32 @!p0 $0x1;
	_ =	shalt  }
.Lfunc_end2:
_tile_overlayer_lowered:
.L_overlay_start_2:
0x59: {  	(tag) =	ssettag $0x2  }
0x5a: {  	s0 =	rddreg [dreg:$0x0];
	s2 =	stileid.u32  }
0x5b: {  	s1 =	rddreg [dreg:$0x1];
	p0 =	sne.s32 s2, $0x0  }
0x5c: {  	s3 =	rddreg [dreg:$0x2];
	[bflag:$0x3] =	sbarrier.arrive $0xFFFF;
	s2 =	simm.s32 @!p0 $0x1C03  }
0x5d: {  	[timem:s3], [sflag:s2] =	dma.local @!p0 [hbm:s0], s1  }
0x5e: {  	s0 =	simm.s32 @!p0 $0x3  }
0x5f: {  	_ =	swait.ge @!p0 [sflag:s0], s1  }
0x60: {  	s1 =	ssub.s32 @!p0 $0x0, s1;
	[sflag:s0] =	ssyncset.done @!p0 $0x0  }
0x61: {  	[sflag:s0] =	ssyncadd.s32 @!p0 s1  }
0x62: {  	[bflag:$0x3] =	sbarrier.arrive $0xFFFF  }
0x63: {  	_ =	shalt  }

</sc_bundles>
